<compile_context>
chip_gen: v7x
topology: tpu7x:2x2x1
jax: 0.10.2.dev20260603
libtpu: 0.0.44.dev20260713+nightly
codegen_flags: <defaults>
</compile_context>

<pallas_src>
import functools

import jax
import jax.numpy as jnp
from jax import lax
from jax.experimental import pallas as pl
from jax.experimental.pallas import tpu as pltpu
from jax.experimental.pallas import tpu_sc as plsc

N = 10000
D = 128
E = 320000
NC = 2
NS = 16
NW = NC * NS
L = 16
CHUNK = 128
CPT = 80
E_PAD = CPT * NW * CHUNK
N_PAD = 10240
RPT = N_PAD // NS

_mesh = plsc.VectorSubcoreMesh(
    core_axis_name="c", subcore_axis_name="s", num_cores=NC, num_subcores=NS)


EPT = E_PAD // NW


@functools.partial(
    pl.kernel,
    out_type=(
        jax.ShapeDtypeStruct((NW, N_PAD), jnp.float32),
        jax.ShapeDtypeStruct((NW, N_PAD), jnp.float32),
    ),
    mesh=_mesh,
    compiler_params=pltpu.CompilerParams(needs_layout_passes=False),
    scratch_types=[
        pltpu.VMEM((EPT,), jnp.int32),
        pltpu.VMEM((EPT,), jnp.int32),
        pltpu.VMEM((N_PAD,), jnp.float32),
        pltpu.VMEM((N_PAD,), jnp.float32),
    ],
)
def _sc_degrees(src_hbm, dst_hbm, dout_hbm, din_hbm, sidx_v, didx_v, hs_v, hd_v):
    c = lax.axis_index("c")
    s = lax.axis_index("s")
    wid = c * NS + s
    zero16 = jnp.zeros((L,), jnp.float32)
    one16 = jnp.ones((L,), jnp.float32)

    def _zb(j, _):
        hs_v[pl.ds(j * L, L)] = zero16
        hd_v[pl.ds(j * L, L)] = zero16
        return 0
    lax.fori_loop(0, N_PAD // L, _zb, 0)

    base = wid * EPT
    pltpu.sync_copy(src_hbm.at[pl.ds(base, EPT)], sidx_v)
    pltpu.sync_copy(dst_hbm.at[pl.ds(base, EPT)], didx_v)

    def _eb(i, _):
        si = sidx_v[pl.ds(i * L, L)]
        di = didx_v[pl.ds(i * L, L)]
        plsc.addupdate_scatter(hs_v, [si], one16)
        plsc.addupdate_scatter(hd_v, [di], one16)
        return 0
    lax.fori_loop(0, EPT // L, _eb, 0)

    pltpu.sync_copy(hs_v, dout_hbm.at[wid])
    pltpu.sync_copy(hd_v, din_hbm.at[wid])


@functools.partial(
    pl.kernel,
    out_type=jax.ShapeDtypeStruct((NC, N_PAD, D), jnp.float32),
    mesh=_mesh,
    scratch_types=(
        [pltpu.VMEM((CHUNK,), jnp.int32)] * 2
        + [pltpu.VMEM((CHUNK,), jnp.int32)] * 2
        + [pltpu.VMEM((CHUNK, D), jnp.float32)] * 2
        + [pltpu.SemaphoreType.DMA] * 6
        + [pltpu.VMEM_SHARED((N_PAD, D), jnp.float32)]
    ),
)
def _sc_gs(y_hbm, src_hbm, dst_hbm, out_hbm, si0, si1, di0, di1,
           r0, r1, ss0, ss1, ds0, ds1, gs0, gs1, sh_agg):
    c = lax.axis_index("c")
    s = lax.axis_index("s")
    wid = c * NS + s
    zero16 = jnp.zeros((L,), jnp.float32)
    base = wid * CPT * CHUNK

    sidx = (si0, si1)
    didx = (di0, di1)
    rows = (r0, r1)
    ssem = (ss0, ss1)
    dsem = (ds0, ds1)
    gsem = (gs0, gs1)

    def fetch_idx(i, b):
        off = base + i * CHUNK
        pltpu.async_copy(src_hbm.at[pl.ds(off, CHUNK)], sidx[b], ssem[b])
        pltpu.async_copy(dst_hbm.at[pl.ds(off, CHUNK)], didx[b], dsem[b])

    def wait_idx(i, b):
        off = base + i * CHUNK
        pltpu.make_async_copy(src_hbm.at[pl.ds(off, CHUNK)], sidx[b], ssem[b]).wait()
        pltpu.make_async_copy(dst_hbm.at[pl.ds(off, CHUNK)], didx[b], dsem[b]).wait()

    def start_gather(b):
        pltpu.async_copy(y_hbm.at[sidx[b]], rows[b], gsem[b])

    def wait_gather(b):
        pltpu.make_async_copy(y_hbm.at[sidx[b]], rows[b], gsem[b]).wait()

    def scatter(b):
        pltpu.sync_copy(rows[b], sh_agg.at[didx[b]], add=True)

    def _zb(j, _):
        for l in range(D // L):
            r0[j, pl.ds(l * L, L)] = zero16
        return 0
    lax.fori_loop(0, CHUNK, _zb, 0)
    for k in range(RPT // CHUNK):
        pltpu.async_copy(r0, sh_agg.at[pl.ds(s * RPT + k * CHUNK, CHUNK)], gs0)
    for k in range(RPT // CHUNK):
        pltpu.make_async_copy(r0, sh_agg.at[pl.ds(s * RPT + k * CHUNK, CHUNK)], gs0).wait()
    plsc.subcore_barrier()

    fetch_idx(0, 0)
    fetch_idx(1, 1)
    wait_idx(0, 0)
    start_gather(0)

    def _eb(p, _):
        g = p * 2
        wait_idx(g + 1, 1)
        start_gather(1)
        wait_gather(0)
        scatter(0)
        @pl.when(p < CPT // 2 - 1)
        def _():
            fetch_idx(g + 2, 0)
        @pl.when(p < CPT // 2 - 1)
        def _():
            wait_idx(g + 2, 0)
            start_gather(0)
        wait_gather(1)
        scatter(1)
        @pl.when(p < CPT // 2 - 1)
        def _():
            fetch_idx(g + 3, 1)
        return 0
    lax.fori_loop(0, CPT // 2, _eb, 0)
    plsc.subcore_barrier()

    for k in range(RPT // CHUNK):
        ro = s * RPT + k * CHUNK
        pltpu.async_copy(sh_agg.at[pl.ds(ro, CHUNK)], out_hbm.at[c, pl.ds(ro, CHUNK)], gs0)
    for k in range(RPT // CHUNK):
        ro = s * RPT + k * CHUNK
        pltpu.make_async_copy(sh_agg.at[pl.ds(ro, CHUNK)], out_hbm.at[c, pl.ds(ro, CHUNK)], gs0).wait()


BR = 512
GRID = -(-N // BR)


def _norm_from(deg_ref):
    d = jnp.reshape(jnp.sum(deg_ref[...], axis=0), (BR, 1))
    return lax.rsqrt(jnp.maximum(d, 1.0))


def _tc_pre_body(x_ref, w_ref, dout_ref, o_ref):
    ns = _norm_from(dout_ref)
    y = jnp.dot(x_ref[...], w_ref[...], preferred_element_type=jnp.float32)
    o_ref[...] = y * ns


def _tc_mid_body(a_ref, dout_ref, din_ref, b_ref, w_ref, o_ref):
    agg = a_ref[0] + a_ref[1]
    nd = _norm_from(din_ref)
    ns = _norm_from(dout_ref)
    h = jnp.maximum(agg * nd + jnp.reshape(b_ref[...], (1, D)), 0.0)
    y = jnp.dot(h, w_ref[...], preferred_element_type=jnp.float32)
    o_ref[...] = y * ns


def _tc_post_body(a_ref, din_ref, b_ref, o_ref):
    agg = a_ref[0] + a_ref[1]
    nd = _norm_from(din_ref)
    o_ref[...] = agg * nd + jnp.reshape(b_ref[...], (1, D))


_row_spec = pl.BlockSpec((BR, D), lambda i: (i, 0))
_deg_spec = pl.BlockSpec((NW, BR), lambda i: (0, i))
_agg_spec = pl.BlockSpec((NC, BR, D), lambda i: (0, i, 0))
_w_spec = pl.BlockSpec((D, D), lambda i: (0, 0))
_b_spec = pl.BlockSpec((D,), lambda i: (0,))
_out_sds = jax.ShapeDtypeStruct((N, D), jnp.float32)

_tc_pre = pl.pallas_call(
    _tc_pre_body, grid=(GRID,),
    in_specs=[_row_spec, _w_spec, _deg_spec],
    out_specs=_row_spec, out_shape=_out_sds)

_tc_mid = pl.pallas_call(
    _tc_mid_body, grid=(GRID,),
    in_specs=[_agg_spec, _deg_spec, _deg_spec, _b_spec, _w_spec],
    out_specs=_row_spec, out_shape=_out_sds)

_tc_post = pl.pallas_call(
    _tc_post_body, grid=(GRID,),
    in_specs=[_agg_spec, _deg_spec, _b_spec],
    out_specs=_row_spec, out_shape=_out_sds)


def kernel(x, edge_index, W1, b1, W2, b2, W3, b3):
    src = edge_index[0].astype(jnp.int32)
    dst = edge_index[1].astype(jnp.int32)
    pad = E_PAD - E
    spread = jnp.arange(pad, dtype=jnp.int32)
    src_g = jnp.concatenate([src, spread % N])
    dummy = N + spread % (N_PAD - N)
    src_d = jnp.concatenate([src, dummy])
    dst_p = jnp.concatenate([dst, dummy])

    deg_out, deg_in = _sc_degrees(src_d, dst_p)

    y = _tc_pre(x, W1, deg_out)
    agg = _sc_gs(y, src_g, dst_p)
    y = _tc_mid(agg, deg_out, deg_in, b1, W2)
    agg = _sc_gs(y, src_g, dst_p)
    y = _tc_mid(agg, deg_out, deg_in, b2, W3)
    agg = _sc_gs(y, src_g, dst_p)
    return _tc_post(agg, deg_in, b3)

# --- scband reference (transcript-rebuilt; emitter-appended) ---
"""Pipeline reference for scband-gcn-40982577938827 (READ-ONLY COPY).

The authoritative reference and input builder live on the scoring server;
editing this copy changes nothing except your own understanding.
"""

import jax, jax.numpy as jnp
import numpy as np

N_NODES = 10000
D = 128

def setup_inputs(seed: int = 0) -> dict:
    key = jax.random.key(seed)
    ks = jax.random.split(key, 8)
    x = jax.random.normal(ks[0], (N_NODES, D), dtype=jnp.float32)
    edge_index = jax.random.randint(ks[1], (2, 320000), 0, N_NODES, dtype=jnp.int64)
    s = 1.0 / np.sqrt(D)
    W1 = jax.random.uniform(ks[2], (D, D), dtype=jnp.float32, minval=-s, maxval=s)
    b1 = jnp.zeros((D,), dtype=jnp.float32)
    W2 = jax.random.uniform(ks[3], (D, D), dtype=jnp.float32, minval=-s, maxval=s)
    b2 = jnp.zeros((D,), dtype=jnp.float32)
    W3 = jax.random.uniform(ks[4], (D, D), dtype=jnp.float32, minval=-s, maxval=s)
    b3 = jnp.zeros((D,), dtype=jnp.float32)
    return {"x": x, "edge_index": edge_index, "W1": W1, "b1": b1, "W2": W2, "b2": b2, "W3": W3, "b3": b3}

def _graph_conv(x, src, dst, W, b):
    # DGL GraphConv with norm='both': D_out^{-1/2} on src side, aggregate, D_in^{-1/2} on dst side
    n = x.shape[0]
    ones = jnp.ones((src.shape[0],), dtype=jnp.float32)
    deg_out = jnp.zeros((n,), dtype=jnp.float32).at[src].add(ones)
    deg_in = jnp.zeros((n,), dtype=jnp.float32).at[dst].add(ones)
    norm_src = jnp.power(jnp.maximum(deg_out, 1.0), -0.5)
    norm_dst = jnp.power(jnp.maximum(deg_in, 1.0), -0.5)
    h = x * norm_src[:, None]
    msg = jnp.take(h, src, axis=0)
    agg = jnp.zeros((n, h.shape[1]), dtype=x.dtype).at[dst].add(msg)
    agg = agg * norm_dst[:, None]
    return agg @ W + b

def reference(x, edge_index, W1, b1, W2, b2, W3, b3):
    src = edge_index[0]
    dst = edge_index[1]
    h = jax.nn.relu(_graph_conv(x, src, dst, W1, b1))
    h = jax.nn.relu(_graph_conv(h, src, dst, W2, b2))
    h = _graph_conv(h, src, dst, W3, b3)
    return h

if __name__ == "__main__":
    import jax
    _d = setup_inputs()
    print(jax.jit(kernel)(*tuple(_d.values())))

</pallas_src>

<mosaic_0001>
#map = affine_map<(d0, d1) -> (0, 0)>
#map1 = affine_map<(d0, d1) -> (0)>
#map2 = affine_map<(d0, d1) -> (0, 0, 0)>
module attributes {stable_mosaic.version = 14 : i64} {
  func.func @_sc_gs(%arg0: i32, %arg1: i32, %arg2: memref<10000x128xf32, #tpu.memory_space<hbm>>, %arg3: memref<327680xi32, #tpu.memory_space<hbm>>, %arg4: memref<327680xi32, #tpu.memory_space<hbm>>, %arg5: memref<2x10240x128xf32, #tpu.memory_space<hbm>>, %arg6: memref<128xi32, #tpu.memory_space<vmem>>, %arg7: memref<128xi32, #tpu.memory_space<vmem>>, %arg8: memref<128xi32, #tpu.memory_space<vmem>>, %arg9: memref<128xi32, #tpu.memory_space<vmem>>, %arg10: memref<128x128xf32, #tpu.memory_space<vmem>>, %arg11: memref<128x128xf32, #tpu.memory_space<vmem>>, %arg12: memref<!tpu.dma_semaphore, #tpu.memory_space<semaphore_mem>>, %arg13: memref<!tpu.dma_semaphore, #tpu.memory_space<semaphore_mem>>, %arg14: memref<!tpu.dma_semaphore, #tpu.memory_space<semaphore_mem>>, %arg15: memref<!tpu.dma_semaphore, #tpu.memory_space<semaphore_mem>>, %arg16: memref<!tpu.dma_semaphore, #tpu.memory_space<semaphore_mem>>, %arg17: memref<!tpu.dma_semaphore, #tpu.memory_space<semaphore_mem>>, %arg18: memref<10240x128xf32, #tpu.memory_space<vmem_shared>>) attributes {dimension_semantics = [#tpu.dimension_semantics<core_parallel>, #tpu.dimension_semantics<subcore_parallel>], iteration_bounds = array<i64: 2, 16>, scalar_prefetch = 0 : i64, scratch_operands = 13 : i64, tpu.core_type = #tpu.core_type<sc_vector_subcore>, window_params = [{transform_indices = #map}, {transform_indices = #map1}, {transform_indices = #map1}, {transform_indices = #map2}]} {
    %mul3A = arith.constant 16 : i32
    %mul3A_0 = arith.muli %arg0, %mul3A : i32
    %add3A = arith.addi %mul3A_0, %arg1 : i32
    %broadcast_in_dim3A = arith.constant 0.000000e+00 : f32
    %broadcast_in_dim3A_1 = vector.broadcast %broadcast_in_dim3A : f32 to vector<16xf32>
    %mul3A_2 = arith.constant 80 : i32
    %mul3A_3 = arith.muli %add3A, %mul3A_2 : i32
    %mul3A_4 = arith.constant 128 : i32
    %mul3A_5 = arith.muli %mul3A_3, %mul3A_4 : i32
    %scan3A = arith.constant 0 : i32
    %scan3A_6 = arith.constant 0 : i32
    %scan3A_7 = arith.constant 128 : i32
    %scan3A_8 = arith.addi %scan3A_6, %scan3A_7 : i32
    %scan3A_9 = arith.constant 1 : i32
    %scan3A_10 = scf.for %scan3A_209 = %scan3A_6 to %scan3A_8 step %scan3A_9 iter_args(%scan3A_210 = %scan3A) -> (i32)  : i32 {
      %swap3A = arith.index_cast %scan3A_209 : i32 to index
      %swap3A_211 = arith.constant 0 : index
      %swap3A_212 = tpu.vector_load %arg10[%swap3A, %swap3A_211] {strides = array<i32>} : memref<128x128xf32, #tpu.memory_space<vmem>>, vector<1x16xf32>,
      %swap3A_213 = vector.shape_cast %swap3A_212 : vector<1x16xf32> to vector<16xf32>
      %swap3A_214 = vector.shape_cast %broadcast_in_dim3A_1 : vector<16xf32> to vector<1x16xf32>
      tpu.vector_store %arg10[%swap3A, %swap3A_211], %swap3A_214 {strides = array<i32>} : memref<128x128xf32, #tpu.memory_space<vmem>>, vector<1x16xf32>,
      %swap3A_215 = arith.index_cast %scan3A_209 : i32 to index
      %swap3A_216 = arith.constant 16 : index
      %swap3A_217 = tpu.vector_load %arg10[%swap3A_215, %swap3A_216] {strides = array<i32>} : memref<128x128xf32, #tpu.memory_space<vmem>>, vector<1x16xf32>,
      %swap3A_218 = vector.shape_cast %swap3A_217 : vector<1x16xf32> to vector<16xf32>
      %swap3A_219 = vector.shape_cast %broadcast_in_dim3A_1 : vector<16xf32> to vector<1x16xf32>
      tpu.vector_store %arg10[%swap3A_215, %swap3A_216], %swap3A_219 {strides = array<i32>} : memref<128x128xf32, #tpu.memory_space<vmem>>, vector<1x16xf32>,
      %swap3A_220 = arith.index_cast %scan3A_209 : i32 to index
      %swap3A_221 = arith.constant 32 : index
      %swap3A_222 = tpu.vector_load %arg10[%swap3A_220, %swap3A_221] {strides = array<i32>} : memref<128x128xf32, #tpu.memory_space<vmem>>, vector<1x16xf32>,
      %swap3A_223 = vector.shape_cast %swap3A_222 : vector<1x16xf32> to vector<16xf32>
      %swap3A_224 = vector.shape_cast %broadcast_in_dim3A_1 : vector<16xf32> to vector<1x16xf32>
      tpu.vector_store %arg10[%swap3A_220, %swap3A_221], %swap3A_224 {strides = array<i32>} : memref<128x128xf32, #tpu.memory_space<vmem>>, vector<1x16xf32>,
      %swap3A_225 = arith.index_cast %scan3A_209 : i32 to index
      %swap3A_226 = arith.constant 48 : index
      %swap3A_227 = tpu.vector_load %arg10[%swap3A_225, %swap3A_226] {strides = array<i32>} : memref<128x128xf32, #tpu.memory_space<vmem>>, vector<1x16xf32>,
      %swap3A_228 = vector.shape_cast %swap3A_227 : vector<1x16xf32> to vector<16xf32>
      %swap3A_229 = vector.shape_cast %broadcast_in_dim3A_1 : vector<16xf32> to vector<1x16xf32>
      tpu.vector_store %arg10[%swap3A_225, %swap3A_226], %swap3A_229 {strides = array<i32>} : memref<128x128xf32, #tpu.memory_space<vmem>>, vector<1x16xf32>,
      %swap3A_230 = arith.index_cast %scan3A_209 : i32 to index
      %swap3A_231 = arith.constant 64 : index
      %swap3A_232 = tpu.vector_load %arg10[%swap3A_230, %swap3A_231] {strides = array<i32>} : memref<128x128xf32, #tpu.memory_space<vmem>>, vector<1x16xf32>,
      %swap3A_233 = vector.shape_cast %swap3A_232 : vector<1x16xf32> to vector<16xf32>
      %swap3A_234 = vector.shape_cast %broadcast_in_dim3A_1 : vector<16xf32> to vector<1x16xf32>
      tpu.vector_store %arg10[%swap3A_230, %swap3A_231], %swap3A_234 {strides = array<i32>} : memref<128x128xf32, #tpu.memory_space<vmem>>, vector<1x16xf32>,
      %swap3A_235 = arith.index_cast %scan3A_209 : i32 to index
      %swap3A_236 = arith.constant 80 : index
      %swap3A_237 = tpu.vector_load %arg10[%swap3A_235, %swap3A_236] {strides = array<i32>} : memref<128x128xf32, #tpu.memory_space<vmem>>, vector<1x16xf32>,
      %swap3A_238 = vector.shape_cast %swap3A_237 : vector<1x16xf32> to vector<16xf32>
      %swap3A_239 = vector.shape_cast %broadcast_in_dim3A_1 : vector<16xf32> to vector<1x16xf32>
      tpu.vector_store %arg10[%swap3A_235, %swap3A_236], %swap3A_239 {strides = array<i32>} : memref<128x128xf32, #tpu.memory_space<vmem>>, vector<1x16xf32>,
      %swap3A_240 = arith.index_cast %scan3A_209 : i32 to index
      %swap3A_241 = arith.constant 96 : index
      %swap3A_242 = tpu.vector_load %arg10[%swap3A_240, %swap3A_241] {strides = array<i32>} : memref<128x128xf32, #tpu.memory_space<vmem>>, vector<1x16xf32>,
      %swap3A_243 = vector.shape_cast %swap3A_242 : vector<1x16xf32> to vector<16xf32>
      %swap3A_244 = vector.shape_cast %broadcast_in_dim3A_1 : vector<16xf32> to vector<1x16xf32>
      tpu.vector_store %arg10[%swap3A_240, %swap3A_241], %swap3A_244 {strides = array<i32>} : memref<128x128xf32, #tpu.memory_space<vmem>>, vector<1x16xf32>,
      %swap3A_245 = arith.index_cast %scan3A_209 : i32 to index
      %swap3A_246 = arith.constant 112 : index
      %swap3A_247 = tpu.vector_load %arg10[%swap3A_245, %swap3A_246] {strides = array<i32>} : memref<128x128xf32, #tpu.memory_space<vmem>>, vector<1x16xf32>,
      %swap3A_248 = vector.shape_cast %swap3A_247 : vector<1x16xf32> to vector<16xf32>
      %swap3A_249 = vector.shape_cast %broadcast_in_dim3A_1 : vector<16xf32> to vector<1x16xf32>
      tpu.vector_store %arg10[%swap3A_245, %swap3A_246], %swap3A_249 {strides = array<i32>} : memref<128x128xf32, #tpu.memory_space<vmem>>, vector<1x16xf32>,
      %scan3A_250 = arith.constant 0 : i32
      scf.yield %scan3A_250 : i32
    }
    %scan3A_11 = arith.constant 128 : i32
    %mul3A_12 = arith.constant 640 : i32
    %mul3A_13 = arith.muli %arg1, %mul3A_12 : i32
    %add3A_14 = arith.constant 0 : i32
    %add3A_15 = arith.addi %mul3A_13, %add3A_14 : i32
    %dma_start3A = arith.constant 0 : i32
    %dma_start3A_16 = tpu.memref_slice %arg18[%add3A_15, %dma_start3A] : memref<10240x128xf32, #tpu.memory_space<vmem_shared>> -> memref<128x128xf32, #tpu.memory_space<vmem_shared>>
    %dma_start3A_17 = arith.constant 0 : i32
    %dma_start3A_18 = tpu.memref_slice %arg18[%add3A_15, %dma_start3A_17] : memref<10240x128xf32, #tpu.memory_space<vmem_shared>> -> memref<128x128xf32, #tpu.memory_space<vmem_shared>>
    tpu.enqueue_dma source(%arg10 : memref<128x128xf32, #tpu.memory_space<vmem>>) target(%dma_start3A_18 : memref<128x128xf32, #tpu.memory_space<vmem_shared>>) target_semaphore(%arg16 : memref<!tpu.dma_semaphore, #tpu.memory_space<semaphore_mem>>)
    %mul3A_19 = arith.constant 640 : i32
    %mul3A_20 = arith.muli %arg1, %mul3A_19 : i32
    %add3A_21 = arith.constant 128 : i32
    %add3A_22 = arith.addi %mul3A_20, %add3A_21 : i32
    %dma_start3A_23 = arith.constant 0 : i32
    %dma_start3A_24 = tpu.memref_slice %arg18[%add3A_22, %dma_start3A_23] : memref<10240x128xf32, #tpu.memory_space<vmem_shared>> -> memref<128x128xf32, #tpu.memory_space<vmem_shared>>
    %dma_start3A_25 = arith.constant 0 : i32
    %dma_start3A_26 = tpu.memref_slice %arg18[%add3A_22, %dma_start3A_25] : memref<10240x128xf32, #tpu.memory_space<vmem_shared>> -> memref<128x128xf32, #tpu.memory_space<vmem_shared>>
    tpu.enqueue_dma source(%arg10 : memref<128x128xf32, #tpu.memory_space<vmem>>) target(%dma_start3A_26 : memref<128x128xf32, #tpu.memory_space<vmem_shared>>) target_semaphore(%arg16 : memref<!tpu.dma_semaphore, #tpu.memory_space<semaphore_mem>>)
    %mul3A_27 = arith.constant 640 : i32
    %mul3A_28 = arith.muli %arg1, %mul3A_27 : i32
    %add3A_29 = arith.constant 256 : i32
    %add3A_30 = arith.addi %mul3A_28, %add3A_29 : i32
    %dma_start3A_31 = arith.constant 0 : i32
    %dma_start3A_32 = tpu.memref_slice %arg18[%add3A_30, %dma_start3A_31] : memref<10240x128xf32, #tpu.memory_space<vmem_shared>> -> memref<128x128xf32, #tpu.memory_space<vmem_shared>>
    %dma_start3A_33 = arith.constant 0 : i32
    %dma_start3A_34 = tpu.memref_slice %arg18[%add3A_30, %dma_start3A_33] : memref<10240x128xf32, #tpu.memory_space<vmem_shared>> -> memref<128x128xf32, #tpu.memory_space<vmem_shared>>
    tpu.enqueue_dma source(%arg10 : memref<128x128xf32, #tpu.memory_space<vmem>>) target(%dma_start3A_34 : memref<128x128xf32, #tpu.memory_space<vmem_shared>>) target_semaphore(%arg16 : memref<!tpu.dma_semaphore, #tpu.memory_space<semaphore_mem>>)
    %mul3A_35 = arith.constant 640 : i32
    %mul3A_36 = arith.muli %arg1, %mul3A_35 : i32
    %add3A_37 = arith.constant 384 : i32
    %add3A_38 = arith.addi %mul3A_36, %add3A_37 : i32
    %dma_start3A_39 = arith.constant 0 : i32
    %dma_start3A_40 = tpu.memref_slice %arg18[%add3A_38, %dma_start3A_39] : memref<10240x128xf32, #tpu.memory_space<vmem_shared>> -> memref<128x128xf32, #tpu.memory_space<vmem_shared>>
    %dma_start3A_41 = arith.constant 0 : i32
    %dma_start3A_42 = tpu.memref_slice %arg18[%add3A_38, %dma_start3A_41] : memref<10240x128xf32, #tpu.memory_space<vmem_shared>> -> memref<128x128xf32, #tpu.memory_space<vmem_shared>>
    tpu.enqueue_dma source(%arg10 : memref<128x128xf32, #tpu.memory_space<vmem>>) target(%dma_start3A_42 : memref<128x128xf32, #tpu.memory_space<vmem_shared>>) target_semaphore(%arg16 : memref<!tpu.dma_semaphore, #tpu.memory_space<semaphore_mem>>)
    %mul3A_43 = arith.constant 640 : i32
    %mul3A_44 = arith.muli %arg1, %mul3A_43 : i32
    %add3A_45 = arith.constant 512 : i32
    %add3A_46 = arith.addi %mul3A_44, %add3A_45 : i32
    %dma_start3A_47 = arith.constant 0 : i32
    %dma_start3A_48 = tpu.memref_slice %arg18[%add3A_46, %dma_start3A_47] : memref<10240x128xf32, #tpu.memory_space<vmem_shared>> -> memref<128x128xf32, #tpu.memory_space<vmem_shared>>
    %dma_start3A_49 = arith.constant 0 : i32
    %dma_start3A_50 = tpu.memref_slice %arg18[%add3A_46, %dma_start3A_49] : memref<10240x128xf32, #tpu.memory_space<vmem_shared>> -> memref<128x128xf32, #tpu.memory_space<vmem_shared>>
    tpu.enqueue_dma source(%arg10 : memref<128x128xf32, #tpu.memory_space<vmem>>) target(%dma_start3A_50 : memref<128x128xf32, #tpu.memory_space<vmem_shared>>) target_semaphore(%arg16 : memref<!tpu.dma_semaphore, #tpu.memory_space<semaphore_mem>>)
    %mul3A_51 = arith.constant 640 : i32
    %mul3A_52 = arith.muli %arg1, %mul3A_51 : i32
    %add3A_53 = arith.constant 0 : i32
    %add3A_54 = arith.addi %mul3A_52, %add3A_53 : i32
    %dma_wait3A = arith.constant 0 : i32
    %dma_wait3A_55 = tpu.memref_slice %arg18[%add3A_54, %dma_wait3A] : memref<10240x128xf32, #tpu.memory_space<vmem_shared>> -> memref<128x128xf32, #tpu.memory_space<vmem_shared>>
    %dma_wait3A_56 = arith.constant 0 : i32
    %dma_wait3A_57 = tpu.memref_slice %arg18[%add3A_54, %dma_wait3A_56] : memref<10240x128xf32, #tpu.memory_space<vmem_shared>> -> memref<128x128xf32, #tpu.memory_space<vmem_shared>>
    tpu.wait_dma2 semaphore(%arg16 : memref<!tpu.dma_semaphore, #tpu.memory_space<semaphore_mem>>) src(%arg10 : memref<128x128xf32, #tpu.memory_space<vmem>>) dst(%dma_wait3A_57 : memref<128x128xf32, #tpu.memory_space<vmem_shared>>)
    %mul3A_58 = arith.constant 640 : i32
    %mul3A_59 = arith.muli %arg1, %mul3A_58 : i32
    %add3A_60 = arith.constant 128 : i32
    %add3A_61 = arith.addi %mul3A_59, %add3A_60 : i32
    %dma_wait3A_62 = arith.constant 0 : i32
    %dma_wait3A_63 = tpu.memref_slice %arg18[%add3A_61, %dma_wait3A_62] : memref<10240x128xf32, #tpu.memory_space<vmem_shared>> -> memref<128x128xf32, #tpu.memory_space<vmem_shared>>
    %dma_wait3A_64 = arith.constant 0 : i32
    %dma_wait3A_65 = tpu.memref_slice %arg18[%add3A_61, %dma_wait3A_64] : memref<10240x128xf32, #tpu.memory_space<vmem_shared>> -> memref<128x128xf32, #tpu.memory_space<vmem_shared>>
    tpu.wait_dma2 semaphore(%arg16 : memref<!tpu.dma_semaphore, #tpu.memory_space<semaphore_mem>>) src(%arg10 : memref<128x128xf32, #tpu.memory_space<vmem>>) dst(%dma_wait3A_65 : memref<128x128xf32, #tpu.memory_space<vmem_shared>>)
    %mul3A_66 = arith.constant 640 : i32
    %mul3A_67 = arith.muli %arg1, %mul3A_66 : i32
    %add3A_68 = arith.constant 256 : i32
    %add3A_69 = arith.addi %mul3A_67, %add3A_68 : i32
    %dma_wait3A_70 = arith.constant 0 : i32
    %dma_wait3A_71 = tpu.memref_slice %arg18[%add3A_69, %dma_wait3A_70] : memref<10240x128xf32, #tpu.memory_space<vmem_shared>> -> memref<128x128xf32, #tpu.memory_space<vmem_shared>>
    %dma_wait3A_72 = arith.constant 0 : i32
    %dma_wait3A_73 = tpu.memref_slice %arg18[%add3A_69, %dma_wait3A_72] : memref<10240x128xf32, #tpu.memory_space<vmem_shared>> -> memref<128x128xf32, #tpu.memory_space<vmem_shared>>
    tpu.wait_dma2 semaphore(%arg16 : memref<!tpu.dma_semaphore, #tpu.memory_space<semaphore_mem>>) src(%arg10 : memref<128x128xf32, #tpu.memory_space<vmem>>) dst(%dma_wait3A_73 : memref<128x128xf32, #tpu.memory_space<vmem_shared>>)
    %mul3A_74 = arith.constant 640 : i32
    %mul3A_75 = arith.muli %arg1, %mul3A_74 : i32
    %add3A_76 = arith.constant 384 : i32
    %add3A_77 = arith.addi %mul3A_75, %add3A_76 : i32
    %dma_wait3A_78 = arith.constant 0 : i32
    %dma_wait3A_79 = tpu.memref_slice %arg18[%add3A_77, %dma_wait3A_78] : memref<10240x128xf32, #tpu.memory_space<vmem_shared>> -> memref<128x128xf32, #tpu.memory_space<vmem_shared>>
    %dma_wait3A_80 = arith.constant 0 : i32
    %dma_wait3A_81 = tpu.memref_slice %arg18[%add3A_77, %dma_wait3A_80] : memref<10240x128xf32, #tpu.memory_space<vmem_shared>> -> memref<128x128xf32, #tpu.memory_space<vmem_shared>>
    tpu.wait_dma2 semaphore(%arg16 : memref<!tpu.dma_semaphore, #tpu.memory_space<semaphore_mem>>) src(%arg10 : memref<128x128xf32, #tpu.memory_space<vmem>>) dst(%dma_wait3A_81 : memref<128x128xf32, #tpu.memory_space<vmem_shared>>)
    %mul3A_82 = arith.constant 640 : i32
    %mul3A_83 = arith.muli %arg1, %mul3A_82 : i32
    %add3A_84 = arith.constant 512 : i32
    %add3A_85 = arith.addi %mul3A_83, %add3A_84 : i32
    %dma_wait3A_86 = arith.constant 0 : i32
    %dma_wait3A_87 = tpu.memref_slice %arg18[%add3A_85, %dma_wait3A_86] : memref<10240x128xf32, #tpu.memory_space<vmem_shared>> -> memref<128x128xf32, #tpu.memory_space<vmem_shared>>
    %dma_wait3A_88 = arith.constant 0 : i32
    %dma_wait3A_89 = tpu.memref_slice %arg18[%add3A_85, %dma_wait3A_88] : memref<10240x128xf32, #tpu.memory_space<vmem_shared>> -> memref<128x128xf32, #tpu.memory_space<vmem_shared>>
    tpu.wait_dma2 semaphore(%arg16 : memref<!tpu.dma_semaphore, #tpu.memory_space<semaphore_mem>>) src(%arg10 : memref<128x128xf32, #tpu.memory_space<vmem>>) dst(%dma_wait3A_89 : memref<128x128xf32, #tpu.memory_space<vmem_shared>>)
    %barrier3A = arith.constant 0 : index
    tpu.barrier barrier_id(%barrier3A)
    %add3A_90 = arith.constant 0 : i32
    %add3A_91 = arith.addi %mul3A_5, %add3A_90 : i32
    %dma_start3A_92 = tpu.memref_slice %arg3[%add3A_91] : memref<327680xi32, #tpu.memory_space<hbm>> -> memref<128xi32, #tpu.memory_space<hbm>>
    %dma_start3A_93 = tpu.memref_slice %arg3[%add3A_91] : memref<327680xi32, #tpu.memory_space<hbm>> -> memref<128xi32, #tpu.memory_space<hbm>>
    tpu.enqueue_dma source(%dma_start3A_93 : memref<128xi32, #tpu.memory_space<hbm>>) target(%arg6 : memref<128xi32, #tpu.memory_space<vmem>>) target_semaphore(%arg12 : memref<!tpu.dma_semaphore, #tpu.memory_space<semaphore_mem>>)
    %dma_start3A_94 = tpu.memref_slice %arg4[%add3A_91] : memref<327680xi32, #tpu.memory_space<hbm>> -> memref<128xi32, #tpu.memory_space<hbm>>
    %dma_start3A_95 = tpu.memref_slice %arg4[%add3A_91] : memref<327680xi32, #tpu.memory_space<hbm>> -> memref<128xi32, #tpu.memory_space<hbm>>
    tpu.enqueue_dma source(%dma_start3A_95 : memref<128xi32, #tpu.memory_space<hbm>>) target(%arg8 : memref<128xi32, #tpu.memory_space<vmem>>) target_semaphore(%arg14 : memref<!tpu.dma_semaphore, #tpu.memory_space<semaphore_mem>>)
    %add3A_96 = arith.constant 128 : i32
    %add3A_97 = arith.addi %mul3A_5, %add3A_96 : i32
    %dma_start3A_98 = tpu.memref_slice %arg3[%add3A_97] : memref<327680xi32, #tpu.memory_space<hbm>> -> memref<128xi32, #tpu.memory_space<hbm>>
    %dma_start3A_99 = tpu.memref_slice %arg3[%add3A_97] : memref<327680xi32, #tpu.memory_space<hbm>> -> memref<128xi32, #tpu.memory_space<hbm>>
    tpu.enqueue_dma source(%dma_start3A_99 : memref<128xi32, #tpu.memory_space<hbm>>) target(%arg7 : memref<128xi32, #tpu.memory_space<vmem>>) target_semaphore(%arg13 : memref<!tpu.dma_semaphore, #tpu.memory_space<semaphore_mem>>)
    %dma_start3A_100 = tpu.memref_slice %arg4[%add3A_97] : memref<327680xi32, #tpu.memory_space<hbm>> -> memref<128xi32, #tpu.memory_space<hbm>>
    %dma_start3A_101 = tpu.memref_slice %arg4[%add3A_97] : memref<327680xi32, #tpu.memory_space<hbm>> -> memref<128xi32, #tpu.memory_space<hbm>>
    tpu.enqueue_dma source(%dma_start3A_101 : memref<128xi32, #tpu.memory_space<hbm>>) target(%arg9 : memref<128xi32, #tpu.memory_space<vmem>>) target_semaphore(%arg15 : memref<!tpu.dma_semaphore, #tpu.memory_space<semaphore_mem>>)
    %add3A_102 = arith.constant 0 : i32
    %add3A_103 = arith.addi %mul3A_5, %add3A_102 : i32
    %dma_wait3A_104 = tpu.memref_slice %arg3[%add3A_103] : memref<327680xi32, #tpu.memory_space<hbm>> -> memref<128xi32, #tpu.memory_space<hbm>>
    %dma_wait3A_105 = tpu.memref_slice %arg3[%add3A_103] : memref<327680xi32, #tpu.memory_space<hbm>> -> memref<128xi32, #tpu.memory_space<hbm>>
    tpu.wait_dma2 semaphore(%arg12 : memref<!tpu.dma_semaphore, #tpu.memory_space<semaphore_mem>>) src(%dma_wait3A_105 : memref<128xi32, #tpu.memory_space<hbm>>) dst(%arg6 : memref<128xi32, #tpu.memory_space<vmem>>)
    %dma_wait3A_106 = tpu.memref_slice %arg4[%add3A_103] : memref<327680xi32, #tpu.memory_space<hbm>> -> memref<128xi32, #tpu.memory_space<hbm>>
    %dma_wait3A_107 = tpu.memref_slice %arg4[%add3A_103] : memref<327680xi32, #tpu.memory_space<hbm>> -> memref<128xi32, #tpu.memory_space<hbm>>
    tpu.wait_dma2 semaphore(%arg14 : memref<!tpu.dma_semaphore, #tpu.memory_space<semaphore_mem>>) src(%dma_wait3A_107 : memref<128xi32, #tpu.memory_space<hbm>>) dst(%arg8 : memref<128xi32, #tpu.memory_space<vmem>>)
    %dma_start3A_108 = arith.constant 0 : i32
    %dma_start3A_109 = arith.constant 0 : i32
    %dma_start3A_110 = tpu.memref_slice %arg2[%dma_start3A_108, %dma_start3A_109] : memref<10000x128xf32, #tpu.memory_space<hbm>> -> memref<10000x128xf32, #tpu.memory_space<hbm>>
    tpu.enqueue_indirect_dma source(%dma_start3A_110 : memref<10000x128xf32, #tpu.memory_space<hbm>>) target(%arg10 : memref<128x128xf32, #tpu.memory_space<vmem>>) offsets(%arg6 : memref<128xi32, #tpu.memory_space<vmem>>) semaphore(%arg16 : memref<!tpu.dma_semaphore, #tpu.memory_space<semaphore_mem>>)
    %scan3A_111 = arith.constant 0 : i32
    %scan3A_112 = arith.constant 0 : i32
    %scan3A_113 = arith.constant 40 : i32
    %scan3A_114 = arith.addi %scan3A_112, %scan3A_113 : i32
    %scan3A_115 = arith.constant 1 : i32
    %scan3A_116 = scf.for %scan3A_209 = %scan3A_112 to %scan3A_114 step %scan3A_115 iter_args(%scan3A_210 = %scan3A_111) -> (i32)  : i32 {
      %mul3A_211 = arith.constant 2 : i32
      %mul3A_212 = arith.muli %scan3A_209, %mul3A_211 : i32
      %add3A_213 = arith.constant 1 : i32
      %add3A_214 = arith.addi %mul3A_212, %add3A_213 : i32
      %mul3A_215 = arith.constant 128 : i32
      %mul3A_216 = arith.muli %add3A_214, %mul3A_215 : i32
      %add3A_217 = arith.addi %mul3A_5, %mul3A_216 : i32
      %dma_wait3A_218 = tpu.memref_slice %arg3[%add3A_217] : memref<327680xi32, #tpu.memory_space<hbm>> -> memref<128xi32, #tpu.memory_space<hbm>>
      %dma_wait3A_219 = tpu.memref_slice %arg3[%add3A_217] : memref<327680xi32, #tpu.memory_space<hbm>> -> memref<128xi32, #tpu.memory_space<hbm>>
      tpu.wait_dma2 semaphore(%arg13 : memref<!tpu.dma_semaphore, #tpu.memory_space<semaphore_mem>>) src(%dma_wait3A_219 : memref<128xi32, #tpu.memory_space<hbm>>) dst(%arg7 : memref<128xi32, #tpu.memory_space<vmem>>)
      %dma_wait3A_220 = tpu.memref_slice %arg4[%add3A_217] : memref<327680xi32, #tpu.memory_space<hbm>> -> memref<128xi32, #tpu.memory_space<hbm>>
      %dma_wait3A_221 = tpu.memref_slice %arg4[%add3A_217] : memref<327680xi32, #tpu.memory_space<hbm>> -> memref<128xi32, #tpu.memory_space<hbm>>
      tpu.wait_dma2 semaphore(%arg15 : memref<!tpu.dma_semaphore, #tpu.memory_space<semaphore_mem>>) src(%dma_wait3A_221 : memref<128xi32, #tpu.memory_space<hbm>>) dst(%arg9 : memref<128xi32, #tpu.memory_space<vmem>>)
      %dma_start3A_222 = arith.constant 0 : i32
      %dma_start3A_223 = arith.constant 0 : i32
      %dma_start3A_224 = tpu.memref_slice %arg2[%dma_start3A_222, %dma_start3A_223] : memref<10000x128xf32, #tpu.memory_space<hbm>> -> memref<10000x128xf32, #tpu.memory_space<hbm>>
      tpu.enqueue_indirect_dma source(%dma_start3A_224 : memref<10000x128xf32, #tpu.memory_space<hbm>>) target(%arg11 : memref<128x128xf32, #tpu.memory_space<vmem>>) offsets(%arg7 : memref<128xi32, #tpu.memory_space<vmem>>) semaphore(%arg17 : memref<!tpu.dma_semaphore, #tpu.memory_space<semaphore_mem>>)
      %dma_wait3A_225 = arith.constant 0 : i32
      %dma_wait3A_226 = arith.constant 0 : i32
      %dma_wait3A_227 = tpu.memref_slice %arg2[%dma_wait3A_225, %dma_wait3A_226] : memref<10000x128xf32, #tpu.memory_space<hbm>> -> memref<10000x128xf32, #tpu.memory_space<hbm>>
      tpu.wait_indirect_dma semaphore(%arg16 : memref<!tpu.dma_semaphore, #tpu.memory_space<semaphore_mem>>) src(%dma_wait3A_227 : memref<10000x128xf32, #tpu.memory_space<hbm>>) dst(%arg10 : memref<128x128xf32, #tpu.memory_space<vmem>>)
      "tpu.region"() ({
        %run_scoped3A = tpu.sem_alloc : memref<!tpu.dma_semaphore, #tpu.memory_space<semaphore_mem>>
        %dma_start3A_244 = arith.constant 0 : i32
        %dma_start3A_245 = arith.constant 0 : i32
        %dma_start3A_246 = tpu.memref_slice %arg18[%dma_start3A_244, %dma_start3A_245] : memref<10240x128xf32, #tpu.memory_space<vmem_shared>> -> memref<10240x128xf32, #tpu.memory_space<vmem_shared>>
        tpu.enqueue_indirect_dma source(%arg10 : memref<128x128xf32, #tpu.memory_space<vmem>>) target(%dma_start3A_246 : memref<10240x128xf32, #tpu.memory_space<vmem_shared>>) offsets(%arg8 : memref<128xi32, #tpu.memory_space<vmem>>) semaphore(%run_scoped3A : memref<!tpu.dma_semaphore, #tpu.memory_space<semaphore_mem>>) {add = true}
        %dma_wait3A_247 = arith.constant 0 : i32
        %dma_wait3A_248 = arith.constant 0 : i32
        %dma_wait3A_249 = tpu.memref_slice %arg18[%dma_wait3A_247, %dma_wait3A_248] : memref<10240x128xf32, #tpu.memory_space<vmem_shared>> -> memref<10240x128xf32, #tpu.memory_space<vmem_shared>>
        tpu.wait_indirect_dma semaphore(%run_scoped3A : memref<!tpu.dma_semaphore, #tpu.memory_space<semaphore_mem>>) src(%arg10 : memref<128x128xf32, #tpu.memory_space<vmem>>) dst(%dma_wait3A_249 : memref<10240x128xf32, #tpu.memory_space<vmem_shared>>)
        tpu.yield
      }) : () -> ()
      %lt3A = arith.constant 39 : i32
      %lt3A_228 = arith.cmpi slt, %scan3A_209, %lt3A : i32
      %convert_element_type3A = arith.extui %lt3A_228 : i1 to i32
      %cond3A = arith.constant 0 : i32
      %cond3A_229 = arith.cmpi ne, %convert_element_type3A, %cond3A : i32
      scf.if %cond3A_229 {
        %add3A_244 = arith.constant 2 : i32
        %add3A_245 = arith.addi %mul3A_212, %add3A_244 : i32
        %mul3A_246 = arith.constant 128 : i32
        %mul3A_247 = arith.muli %add3A_245, %mul3A_246 : i32
        %add3A_248 = arith.addi %mul3A_5, %mul3A_247 : i32
        %dma_start3A_249 = tpu.memref_slice %arg3[%add3A_248] : memref<327680xi32, #tpu.memory_space<hbm>> -> memref<128xi32, #tpu.memory_space<hbm>>
        %dma_start3A_250 = tpu.memref_slice %arg3[%add3A_248] : memref<327680xi32, #tpu.memory_space<hbm>> -> memref<128xi32, #tpu.memory_space<hbm>>
        tpu.enqueue_dma source(%dma_start3A_250 : memref<128xi32, #tpu.memory_space<hbm>>) target(%arg6 : memref<128xi32, #tpu.memory_space<vmem>>) target_semaphore(%arg12 : memref<!tpu.dma_semaphore, #tpu.memory_space<semaphore_mem>>)
        %dma_start3A_251 = tpu.memref_slice %arg4[%add3A_248] : memref<327680xi32, #tpu.memory_space<hbm>> -> memref<128xi32, #tpu.memory_space<hbm>>
        %dma_start3A_252 = tpu.memref_slice %arg4[%add3A_248] : memref<327680xi32, #tpu.memory_space<hbm>> -> memref<128xi32, #tpu.memory_space<hbm>>
        tpu.enqueue_dma source(%dma_start3A_252 : memref<128xi32, #tpu.memory_space<hbm>>) target(%arg8 : memref<128xi32, #tpu.memory_space<vmem>>) target_semaphore(%arg14 : memref<!tpu.dma_semaphore, #tpu.memory_space<semaphore_mem>>)
      } else {
      }
      %lt3A_230 = arith.constant 39 : i32
      %lt3A_231 = arith.cmpi slt, %scan3A_209, %lt3A_230 : i32
      %convert_element_type3A_232 = arith.extui %lt3A_231 : i1 to i32
      %cond3A_233 = arith.constant 0 : i32
      %cond3A_234 = arith.cmpi ne, %convert_element_type3A_232, %cond3A_233 : i32
      scf.if %cond3A_234 {
        %add3A_244 = arith.constant 2 : i32
        %add3A_245 = arith.addi %mul3A_212, %add3A_244 : i32
        %mul3A_246 = arith.constant 128 : i32
        %mul3A_247 = arith.muli %add3A_245, %mul3A_246 : i32
        %add3A_248 = arith.addi %mul3A_5, %mul3A_247 : i32
        %dma_wait3A_249 = tpu.memref_slice %arg3[%add3A_248] : memref<327680xi32, #tpu.memory_space<hbm>> -> memref<128xi32, #tpu.memory_space<hbm>>
        %dma_wait3A_250 = tpu.memref_slice %arg3[%add3A_248] : memref<327680xi32, #tpu.memory_space<hbm>> -> memref<128xi32, #tpu.memory_space<hbm>>
        tpu.wait_dma2 semaphore(%arg12 : memref<!tpu.dma_semaphore, #tpu.memory_space<semaphore_mem>>) src(%dma_wait3A_250 : memref<128xi32, #tpu.memory_space<hbm>>) dst(%arg6 : memref<128xi32, #tpu.memory_space<vmem>>)
        %dma_wait3A_251 = tpu.memref_slice %arg4[%add3A_248] : memref<327680xi32, #tpu.memory_space<hbm>> -> memref<128xi32, #tpu.memory_space<hbm>>
        %dma_wait3A_252 = tpu.memref_slice %arg4[%add3A_248] : memref<327680xi32, #tpu.memory_space<hbm>> -> memref<128xi32, #tpu.memory_space<hbm>>
        tpu.wait_dma2 semaphore(%arg14 : memref<!tpu.dma_semaphore, #tpu.memory_space<semaphore_mem>>) src(%dma_wait3A_252 : memref<128xi32, #tpu.memory_space<hbm>>) dst(%arg8 : memref<128xi32, #tpu.memory_space<vmem>>)
        %dma_start3A_253 = arith.constant 0 : i32
        %dma_start3A_254 = arith.constant 0 : i32
        %dma_start3A_255 = tpu.memref_slice %arg2[%dma_start3A_253, %dma_start3A_254] : memref<10000x128xf32, #tpu.memory_space<hbm>> -> memref<10000x128xf32, #tpu.memory_space<hbm>>
        tpu.enqueue_indirect_dma source(%dma_start3A_255 : memref<10000x128xf32, #tpu.memory_space<hbm>>) target(%arg10 : memref<128x128xf32, #tpu.memory_space<vmem>>) offsets(%arg6 : memref<128xi32, #tpu.memory_space<vmem>>) semaphore(%arg16 : memref<!tpu.dma_semaphore, #tpu.memory_space<semaphore_mem>>)
      } else {
      }
      %dma_wait3A_235 = arith.constant 0 : i32
      %dma_wait3A_236 = arith.constant 0 : i32
      %dma_wait3A_237 = tpu.memref_slice %arg2[%dma_wait3A_235, %dma_wait3A_236] : memref<10000x128xf32, #tpu.memory_space<hbm>> -> memref<10000x128xf32, #tpu.memory_space<hbm>>
      tpu.wait_indirect_dma semaphore(%arg17 : memref<!tpu.dma_semaphore, #tpu.memory_space<semaphore_mem>>) src(%dma_wait3A_237 : memref<10000x128xf32, #tpu.memory_space<hbm>>) dst(%arg11 : memref<128x128xf32, #tpu.memory_space<vmem>>)
      "tpu.region"() ({
        %run_scoped3A = tpu.sem_alloc : memref<!tpu.dma_semaphore, #tpu.memory_space<semaphore_mem>>
        %dma_start3A_244 = arith.constant 0 : i32
        %dma_start3A_245 = arith.constant 0 : i32
        %dma_start3A_246 = tpu.memref_slice %arg18[%dma_start3A_244, %dma_start3A_245] : memref<10240x128xf32, #tpu.memory_space<vmem_shared>> -> memref<10240x128xf32, #tpu.memory_space<vmem_shared>>
        tpu.enqueue_indirect_dma source(%arg11 : memref<128x128xf32, #tpu.memory_space<vmem>>) target(%dma_start3A_246 : memref<10240x128xf32, #tpu.memory_space<vmem_shared>>) offsets(%arg9 : memref<128xi32, #tpu.memory_space<vmem>>) semaphore(%run_scoped3A : memref<!tpu.dma_semaphore, #tpu.memory_space<semaphore_mem>>) {add = true}
        %dma_wait3A_247 = arith.constant 0 : i32
        %dma_wait3A_248 = arith.constant 0 : i32
        %dma_wait3A_249 = tpu.memref_slice %arg18[%dma_wait3A_247, %dma_wait3A_248] : memref<10240x128xf32, #tpu.memory_space<vmem_shared>> -> memref<10240x128xf32, #tpu.memory_space<vmem_shared>>
        tpu.wait_indirect_dma semaphore(%run_scoped3A : memref<!tpu.dma_semaphore, #tpu.memory_space<semaphore_mem>>) src(%arg11 : memref<128x128xf32, #tpu.memory_space<vmem>>) dst(%dma_wait3A_249 : memref<10240x128xf32, #tpu.memory_space<vmem_shared>>)
        tpu.yield
      }) : () -> ()
      %lt3A_238 = arith.constant 39 : i32
      %lt3A_239 = arith.cmpi slt, %scan3A_209, %lt3A_238 : i32
      %convert_element_type3A_240 = arith.extui %lt3A_239 : i1 to i32
      %cond3A_241 = arith.constant 0 : i32
      %cond3A_242 = arith.cmpi ne, %convert_element_type3A_240, %cond3A_241 : i32
      scf.if %cond3A_242 {
        %add3A_244 = arith.constant 3 : i32
        %add3A_245 = arith.addi %mul3A_212, %add3A_244 : i32
        %mul3A_246 = arith.constant 128 : i32
        %mul3A_247 = arith.muli %add3A_245, %mul3A_246 : i32
        %add3A_248 = arith.addi %mul3A_5, %mul3A_247 : i32
        %dma_start3A_249 = tpu.memref_slice %arg3[%add3A_248] : memref<327680xi32, #tpu.memory_space<hbm>> -> memref<128xi32, #tpu.memory_space<hbm>>
        %dma_start3A_250 = tpu.memref_slice %arg3[%add3A_248] : memref<327680xi32, #tpu.memory_space<hbm>> -> memref<128xi32, #tpu.memory_space<hbm>>
        tpu.enqueue_dma source(%dma_start3A_250 : memref<128xi32, #tpu.memory_space<hbm>>) target(%arg7 : memref<128xi32, #tpu.memory_space<vmem>>) target_semaphore(%arg13 : memref<!tpu.dma_semaphore, #tpu.memory_space<semaphore_mem>>)
        %dma_start3A_251 = tpu.memref_slice %arg4[%add3A_248] : memref<327680xi32, #tpu.memory_space<hbm>> -> memref<128xi32, #tpu.memory_space<hbm>>
        %dma_start3A_252 = tpu.memref_slice %arg4[%add3A_248] : memref<327680xi32, #tpu.memory_space<hbm>> -> memref<128xi32, #tpu.memory_space<hbm>>
        tpu.enqueue_dma source(%dma_start3A_252 : memref<128xi32, #tpu.memory_space<hbm>>) target(%arg9 : memref<128xi32, #tpu.memory_space<vmem>>) target_semaphore(%arg15 : memref<!tpu.dma_semaphore, #tpu.memory_space<semaphore_mem>>)
      } else {
      }
      %scan3A_243 = arith.constant 0 : i32
      scf.yield %scan3A_243 : i32
    }
    %scan3A_117 = arith.constant 40 : i32
    %barrier3A_118 = arith.constant 0 : index
    tpu.barrier barrier_id(%barrier3A_118)
    %mul3A_119 = arith.constant 640 : i32
    %mul3A_120 = arith.muli %arg1, %mul3A_119 : i32
    %add3A_121 = arith.constant 0 : i32
    %add3A_122 = arith.addi %mul3A_120, %add3A_121 : i32
    %dma_start3A_123 = arith.constant 0 : i32
    %dma_start3A_124 = tpu.memref_slice %arg5[%arg0, %add3A_122, %dma_start3A_123] : memref<2x10240x128xf32, #tpu.memory_space<hbm>> -> memref<1x128x128xf32, #tpu.memory_space<hbm>>
    %dma_start3A_125 = tpu.memref_squeeze %dma_start3A_124 : memref<1x128x128xf32, #tpu.memory_space<hbm>> -> memref<128x128xf32, #tpu.memory_space<hbm>>
    %dma_start3A_126 = arith.constant 0 : i32
    %dma_start3A_127 = tpu.memref_slice %arg18[%add3A_122, %dma_start3A_126] : memref<10240x128xf32, #tpu.memory_space<vmem_shared>> -> memref<128x128xf32, #tpu.memory_space<vmem_shared>>
    tpu.enqueue_dma source(%dma_start3A_127 : memref<128x128xf32, #tpu.memory_space<vmem_shared>>) target(%dma_start3A_125 : memref<128x128xf32, #tpu.memory_space<hbm>>) target_semaphore(%arg16 : memref<!tpu.dma_semaphore, #tpu.memory_space<semaphore_mem>>)
    %mul3A_128 = arith.constant 640 : i32
    %mul3A_129 = arith.muli %arg1, %mul3A_128 : i32
    %add3A_130 = arith.constant 128 : i32
    %add3A_131 = arith.addi %mul3A_129, %add3A_130 : i32
    %dma_start3A_132 = arith.constant 0 : i32
    %dma_start3A_133 = tpu.memref_slice %arg5[%arg0, %add3A_131, %dma_start3A_132] : memref<2x10240x128xf32, #tpu.memory_space<hbm>> -> memref<1x128x128xf32, #tpu.memory_space<hbm>>
    %dma_start3A_134 = tpu.memref_squeeze %dma_start3A_133 : memref<1x128x128xf32, #tpu.memory_space<hbm>> -> memref<128x128xf32, #tpu.memory_space<hbm>>
    %dma_start3A_135 = arith.constant 0 : i32
    %dma_start3A_136 = tpu.memref_slice %arg18[%add3A_131, %dma_start3A_135] : memref<10240x128xf32, #tpu.memory_space<vmem_shared>> -> memref<128x128xf32, #tpu.memory_space<vmem_shared>>
    tpu.enqueue_dma source(%dma_start3A_136 : memref<128x128xf32, #tpu.memory_space<vmem_shared>>) target(%dma_start3A_134 : memref<128x128xf32, #tpu.memory_space<hbm>>) target_semaphore(%arg16 : memref<!tpu.dma_semaphore, #tpu.memory_space<semaphore_mem>>)
    %mul3A_137 = arith.constant 640 : i32
    %mul3A_138 = arith.muli %arg1, %mul3A_137 : i32
    %add3A_139 = arith.constant 256 : i32
    %add3A_140 = arith.addi %mul3A_138, %add3A_139 : i32
    %dma_start3A_141 = arith.constant 0 : i32
    %dma_start3A_142 = tpu.memref_slice %arg5[%arg0, %add3A_140, %dma_start3A_141] : memref<2x10240x128xf32, #tpu.memory_space<hbm>> -> memref<1x128x128xf32, #tpu.memory_space<hbm>>
    %dma_start3A_143 = tpu.memref_squeeze %dma_start3A_142 : memref<1x128x128xf32, #tpu.memory_space<hbm>> -> memref<128x128xf32, #tpu.memory_space<hbm>>
    %dma_start3A_144 = arith.constant 0 : i32
    %dma_start3A_145 = tpu.memref_slice %arg18[%add3A_140, %dma_start3A_144] : memref<10240x128xf32, #tpu.memory_space<vmem_shared>> -> memref<128x128xf32, #tpu.memory_space<vmem_shared>>
    tpu.enqueue_dma source(%dma_start3A_145 : memref<128x128xf32, #tpu.memory_space<vmem_shared>>) target(%dma_start3A_143 : memref<128x128xf32, #tpu.memory_space<hbm>>) target_semaphore(%arg16 : memref<!tpu.dma_semaphore, #tpu.memory_space<semaphore_mem>>)
    %mul3A_146 = arith.constant 640 : i32
    %mul3A_147 = arith.muli %arg1, %mul3A_146 : i32
    %add3A_148 = arith.constant 384 : i32
    %add3A_149 = arith.addi %mul3A_147, %add3A_148 : i32
    %dma_start3A_150 = arith.constant 0 : i32
    %dma_start3A_151 = tpu.memref_slice %arg5[%arg0, %add3A_149, %dma_start3A_150] : memref<2x10240x128xf32, #tpu.memory_space<hbm>> -> memref<1x128x128xf32, #tpu.memory_space<hbm>>
    %dma_start3A_152 = tpu.memref_squeeze %dma_start3A_151 : memref<1x128x128xf32, #tpu.memory_space<hbm>> -> memref<128x128xf32, #tpu.memory_space<hbm>>
    %dma_start3A_153 = arith.constant 0 : i32
    %dma_start3A_154 = tpu.memref_slice %arg18[%add3A_149, %dma_start3A_153] : memref<10240x128xf32, #tpu.memory_space<vmem_shared>> -> memref<128x128xf32, #tpu.memory_space<vmem_shared>>
    tpu.enqueue_dma source(%dma_start3A_154 : memref<128x128xf32, #tpu.memory_space<vmem_shared>>) target(%dma_start3A_152 : memref<128x128xf32, #tpu.memory_space<hbm>>) target_semaphore(%arg16 : memref<!tpu.dma_semaphore, #tpu.memory_space<semaphore_mem>>)
    %mul3A_155 = arith.constant 640 : i32
    %mul3A_156 = arith.muli %arg1, %mul3A_155 : i32
    %add3A_157 = arith.constant 512 : i32
    %add3A_158 = arith.addi %mul3A_156, %add3A_157 : i32
    %dma_start3A_159 = arith.constant 0 : i32
    %dma_start3A_160 = tpu.memref_slice %arg5[%arg0, %add3A_158, %dma_start3A_159] : memref<2x10240x128xf32, #tpu.memory_space<hbm>> -> memref<1x128x128xf32, #tpu.memory_space<hbm>>
    %dma_start3A_161 = tpu.memref_squeeze %dma_start3A_160 : memref<1x128x128xf32, #tpu.memory_space<hbm>> -> memref<128x128xf32, #tpu.memory_space<hbm>>
    %dma_start3A_162 = arith.constant 0 : i32
    %dma_start3A_163 = tpu.memref_slice %arg18[%add3A_158, %dma_start3A_162] : memref<10240x128xf32, #tpu.memory_space<vmem_shared>> -> memref<128x128xf32, #tpu.memory_space<vmem_shared>>
    tpu.enqueue_dma source(%dma_start3A_163 : memref<128x128xf32, #tpu.memory_space<vmem_shared>>) target(%dma_start3A_161 : memref<128x128xf32, #tpu.memory_space<hbm>>) target_semaphore(%arg16 : memref<!tpu.dma_semaphore, #tpu.memory_space<semaphore_mem>>)
    %mul3A_164 = arith.constant 640 : i32
    %mul3A_165 = arith.muli %arg1, %mul3A_164 : i32
    %add3A_166 = arith.constant 0 : i32
    %add3A_167 = arith.addi %mul3A_165, %add3A_166 : i32
    %dma_wait3A_168 = arith.constant 0 : i32
    %dma_wait3A_169 = tpu.memref_slice %arg5[%arg0, %add3A_167, %dma_wait3A_168] : memref<2x10240x128xf32, #tpu.memory_space<hbm>> -> memref<1x128x128xf32, #tpu.memory_space<hbm>>
    %dma_wait3A_170 = tpu.memref_squeeze %dma_wait3A_169 : memref<1x128x128xf32, #tpu.memory_space<hbm>> -> memref<128x128xf32, #tpu.memory_space<hbm>>
    %dma_wait3A_171 = arith.constant 0 : i32
    %dma_wait3A_172 = tpu.memref_slice %arg18[%add3A_167, %dma_wait3A_171] : memref<10240x128xf32, #tpu.memory_space<vmem_shared>> -> memref<128x128xf32, #tpu.memory_space<vmem_shared>>
    tpu.wait_dma2 semaphore(%arg16 : memref<!tpu.dma_semaphore, #tpu.memory_space<semaphore_mem>>) src(%dma_wait3A_172 : memref<128x128xf32, #tpu.memory_space<vmem_shared>>) dst(%dma_wait3A_170 : memref<128x128xf32, #tpu.memory_space<hbm>>)
    %mul3A_173 = arith.constant 640 : i32
    %mul3A_174 = arith.muli %arg1, %mul3A_173 : i32
    %add3A_175 = arith.constant 128 : i32
    %add3A_176 = arith.addi %mul3A_174, %add3A_175 : i32
    %dma_wait3A_177 = arith.constant 0 : i32
    %dma_wait3A_178 = tpu.memref_slice %arg5[%arg0, %add3A_176, %dma_wait3A_177] : memref<2x10240x128xf32, #tpu.memory_space<hbm>> -> memref<1x128x128xf32, #tpu.memory_space<hbm>>
    %dma_wait3A_179 = tpu.memref_squeeze %dma_wait3A_178 : memref<1x128x128xf32, #tpu.memory_space<hbm>> -> memref<128x128xf32, #tpu.memory_space<hbm>>
    %dma_wait3A_180 = arith.constant 0 : i32
    %dma_wait3A_181 = tpu.memref_slice %arg18[%add3A_176, %dma_wait3A_180] : memref<10240x128xf32, #tpu.memory_space<vmem_shared>> -> memref<128x128xf32, #tpu.memory_space<vmem_shared>>
    tpu.wait_dma2 semaphore(%arg16 : memref<!tpu.dma_semaphore, #tpu.memory_space<semaphore_mem>>) src(%dma_wait3A_181 : memref<128x128xf32, #tpu.memory_space<vmem_shared>>) dst(%dma_wait3A_179 : memref<128x128xf32, #tpu.memory_space<hbm>>)
    %mul3A_182 = arith.constant 640 : i32
    %mul3A_183 = arith.muli %arg1, %mul3A_182 : i32
    %add3A_184 = arith.constant 256 : i32
    %add3A_185 = arith.addi %mul3A_183, %add3A_184 : i32
    %dma_wait3A_186 = arith.constant 0 : i32
    %dma_wait3A_187 = tpu.memref_slice %arg5[%arg0, %add3A_185, %dma_wait3A_186] : memref<2x10240x128xf32, #tpu.memory_space<hbm>> -> memref<1x128x128xf32, #tpu.memory_space<hbm>>
    %dma_wait3A_188 = tpu.memref_squeeze %dma_wait3A_187 : memref<1x128x128xf32, #tpu.memory_space<hbm>> -> memref<128x128xf32, #tpu.memory_space<hbm>>
    %dma_wait3A_189 = arith.constant 0 : i32
    %dma_wait3A_190 = tpu.memref_slice %arg18[%add3A_185, %dma_wait3A_189] : memref<10240x128xf32, #tpu.memory_space<vmem_shared>> -> memref<128x128xf32, #tpu.memory_space<vmem_shared>>
    tpu.wait_dma2 semaphore(%arg16 : memref<!tpu.dma_semaphore, #tpu.memory_space<semaphore_mem>>) src(%dma_wait3A_190 : memref<128x128xf32, #tpu.memory_space<vmem_shared>>) dst(%dma_wait3A_188 : memref<128x128xf32, #tpu.memory_space<hbm>>)
    %mul3A_191 = arith.constant 640 : i32
    %mul3A_192 = arith.muli %arg1, %mul3A_191 : i32
    %add3A_193 = arith.constant 384 : i32
    %add3A_194 = arith.addi %mul3A_192, %add3A_193 : i32
    %dma_wait3A_195 = arith.constant 0 : i32
    %dma_wait3A_196 = tpu.memref_slice %arg5[%arg0, %add3A_194, %dma_wait3A_195] : memref<2x10240x128xf32, #tpu.memory_space<hbm>> -> memref<1x128x128xf32, #tpu.memory_space<hbm>>
    %dma_wait3A_197 = tpu.memref_squeeze %dma_wait3A_196 : memref<1x128x128xf32, #tpu.memory_space<hbm>> -> memref<128x128xf32, #tpu.memory_space<hbm>>
    %dma_wait3A_198 = arith.constant 0 : i32
    %dma_wait3A_199 = tpu.memref_slice %arg18[%add3A_194, %dma_wait3A_198] : memref<10240x128xf32, #tpu.memory_space<vmem_shared>> -> memref<128x128xf32, #tpu.memory_space<vmem_shared>>
    tpu.wait_dma2 semaphore(%arg16 : memref<!tpu.dma_semaphore, #tpu.memory_space<semaphore_mem>>) src(%dma_wait3A_199 : memref<128x128xf32, #tpu.memory_space<vmem_shared>>) dst(%dma_wait3A_197 : memref<128x128xf32, #tpu.memory_space<hbm>>)
    %mul3A_200 = arith.constant 640 : i32
    %mul3A_201 = arith.muli %arg1, %mul3A_200 : i32
    %add3A_202 = arith.constant 512 : i32
    %add3A_203 = arith.addi %mul3A_201, %add3A_202 : i32
    %dma_wait3A_204 = arith.constant 0 : i32
    %dma_wait3A_205 = tpu.memref_slice %arg5[%arg0, %add3A_203, %dma_wait3A_204] : memref<2x10240x128xf32, #tpu.memory_space<hbm>> -> memref<1x128x128xf32, #tpu.memory_space<hbm>>
    %dma_wait3A_206 = tpu.memref_squeeze %dma_wait3A_205 : memref<1x128x128xf32, #tpu.memory_space<hbm>> -> memref<128x128xf32, #tpu.memory_space<hbm>>
    %dma_wait3A_207 = arith.constant 0 : i32
    %dma_wait3A_208 = tpu.memref_slice %arg18[%add3A_203, %dma_wait3A_207] : memref<10240x128xf32, #tpu.memory_space<vmem_shared>> -> memref<128x128xf32, #tpu.memory_space<vmem_shared>>
    tpu.wait_dma2 semaphore(%arg16 : memref<!tpu.dma_semaphore, #tpu.memory_space<semaphore_mem>>) src(%dma_wait3A_208 : memref<128x128xf32, #tpu.memory_space<vmem_shared>>) dst(%dma_wait3A_206 : memref<128x128xf32, #tpu.memory_space<hbm>>)
    return
  }
}

#map = affine_map<(d0, d1) -> (0, 0)>
#map1 = affine_map<(d0, d1) -> (0)>
#map2 = affine_map<(d0, d1) -> (0, 0, 0)>
module attributes {stable_mosaic.version = 14 : i64} {
  func.func @_sc_gs(%arg0: i32, %arg1: i32, %arg2: memref<10000x128xf32, #tpu.memory_space<hbm>>, %arg3: memref<327680xi32, #tpu.memory_space<hbm>>, %arg4: memref<327680xi32, #tpu.memory_space<hbm>>, %arg5: memref<2x10240x128xf32, #tpu.memory_space<hbm>>, %arg6: memref<128xi32, #tpu.memory_space<vmem>>, %arg7: memref<128xi32, #tpu.memory_space<vmem>>, %arg8: memref<128xi32, #tpu.memory_space<vmem>>, %arg9: memref<128xi32, #tpu.memory_space<vmem>>, %arg10: memref<128x128xf32, #tpu.memory_space<vmem>>, %arg11: memref<128x128xf32, #tpu.memory_space<vmem>>, %arg12: memref<!tpu.dma_semaphore, #tpu.memory_space<semaphore_mem>>, %arg13: memref<!tpu.dma_semaphore, #tpu.memory_space<semaphore_mem>>, %arg14: memref<!tpu.dma_semaphore, #tpu.memory_space<semaphore_mem>>, %arg15: memref<!tpu.dma_semaphore, #tpu.memory_space<semaphore_mem>>, %arg16: memref<!tpu.dma_semaphore, #tpu.memory_space<semaphore_mem>>, %arg17: memref<!tpu.dma_semaphore, #tpu.memory_space<semaphore_mem>>, %arg18: memref<10240x128xf32, #tpu.memory_space<vmem_shared>>) attributes {dimension_semantics = [#tpu.dimension_semantics<core_parallel>, #tpu.dimension_semantics<subcore_parallel>], iteration_bounds = array<i64: 2, 16>, scalar_prefetch = 0 : i64, scratch_operands = 13 : i64, tpu.core_type = #tpu.core_type<sc_vector_subcore>, window_params = [{transform_indices = #map}, {transform_indices = #map1}, {transform_indices = #map1}, {transform_indices = #map2}]} {
    %mul3A = arith.constant 16 : i32
    %mul3A_0 = arith.muli %arg0, %mul3A : i32
    %add3A = arith.addi %mul3A_0, %arg1 : i32
    %broadcast_in_dim3A = arith.constant 0.000000e+00 : f32
    %broadcast_in_dim3A_1 = vector.broadcast %broadcast_in_dim3A : f32 to vector<16xf32>
    %mul3A_2 = arith.constant 80 : i32
    %mul3A_3 = arith.muli %add3A, %mul3A_2 : i32
    %mul3A_4 = arith.constant 128 : i32
    %mul3A_5 = arith.muli %mul3A_3, %mul3A_4 : i32
    %scan3A = arith.constant 0 : i32
    %scan3A_6 = arith.constant 0 : i32
    %scan3A_7 = arith.constant 128 : i32
    %scan3A_8 = arith.addi %scan3A_6, %scan3A_7 : i32
    %scan3A_9 = arith.constant 1 : i32
    %scan3A_10 = scf.for %scan3A_209 = %scan3A_6 to %scan3A_8 step %scan3A_9 iter_args(%scan3A_210 = %scan3A) -> (i32)  : i32 {
      %swap3A = arith.index_cast %scan3A_209 : i32 to index
      %swap3A_211 = arith.constant 0 : index
      %swap3A_212 = tpu.vector_load %arg10[%swap3A, %swap3A_211] {strides = array<i32>} : memref<128x128xf32, #tpu.memory_space<vmem>>, vector<1x16xf32>,
      %swap3A_213 = vector.shape_cast %swap3A_212 : vector<1x16xf32> to vector<16xf32>
      %swap3A_214 = vector.shape_cast %broadcast_in_dim3A_1 : vector<16xf32> to vector<1x16xf32>
      tpu.vector_store %arg10[%swap3A, %swap3A_211], %swap3A_214 {strides = array<i32>} : memref<128x128xf32, #tpu.memory_space<vmem>>, vector<1x16xf32>,
      %swap3A_215 = arith.index_cast %scan3A_209 : i32 to index
      %swap3A_216 = arith.constant 16 : index
      %swap3A_217 = tpu.vector_load %arg10[%swap3A_215, %swap3A_216] {strides = array<i32>} : memref<128x128xf32, #tpu.memory_space<vmem>>, vector<1x16xf32>,
      %swap3A_218 = vector.shape_cast %swap3A_217 : vector<1x16xf32> to vector<16xf32>
      %swap3A_219 = vector.shape_cast %broadcast_in_dim3A_1 : vector<16xf32> to vector<1x16xf32>
      tpu.vector_store %arg10[%swap3A_215, %swap3A_216], %swap3A_219 {strides = array<i32>} : memref<128x128xf32, #tpu.memory_space<vmem>>, vector<1x16xf32>,
      %swap3A_220 = arith.index_cast %scan3A_209 : i32 to index
      %swap3A_221 = arith.constant 32 : index
      %swap3A_222 = tpu.vector_load %arg10[%swap3A_220, %swap3A_221] {strides = array<i32>} : memref<128x128xf32, #tpu.memory_space<vmem>>, vector<1x16xf32>,
      %swap3A_223 = vector.shape_cast %swap3A_222 : vector<1x16xf32> to vector<16xf32>
      %swap3A_224 = vector.shape_cast %broadcast_in_dim3A_1 : vector<16xf32> to vector<1x16xf32>
      tpu.vector_store %arg10[%swap3A_220, %swap3A_221], %swap3A_224 {strides = array<i32>} : memref<128x128xf32, #tpu.memory_space<vmem>>, vector<1x16xf32>,
      %swap3A_225 = arith.index_cast %scan3A_209 : i32 to index
      %swap3A_226 = arith.constant 48 : index
      %swap3A_227 = tpu.vector_load %arg10[%swap3A_225, %swap3A_226] {strides = array<i32>} : memref<128x128xf32, #tpu.memory_space<vmem>>, vector<1x16xf32>,
      %swap3A_228 = vector.shape_cast %swap3A_227 : vector<1x16xf32> to vector<16xf32>
      %swap3A_229 = vector.shape_cast %broadcast_in_dim3A_1 : vector<16xf32> to vector<1x16xf32>
      tpu.vector_store %arg10[%swap3A_225, %swap3A_226], %swap3A_229 {strides = array<i32>} : memref<128x128xf32, #tpu.memory_space<vmem>>, vector<1x16xf32>,
      %swap3A_230 = arith.index_cast %scan3A_209 : i32 to index
      %swap3A_231 = arith.constant 64 : index
      %swap3A_232 = tpu.vector_load %arg10[%swap3A_230, %swap3A_231] {strides = array<i32>} : memref<128x128xf32, #tpu.memory_space<vmem>>, vector<1x16xf32>,
      %swap3A_233 = vector.shape_cast %swap3A_232 : vector<1x16xf32> to vector<16xf32>
      %swap3A_234 = vector.shape_cast %broadcast_in_dim3A_1 : vector<16xf32> to vector<1x16xf32>
      tpu.vector_store %arg10[%swap3A_230, %swap3A_231], %swap3A_234 {strides = array<i32>} : memref<128x128xf32, #tpu.memory_space<vmem>>, vector<1x16xf32>,
      %swap3A_235 = arith.index_cast %scan3A_209 : i32 to index
      %swap3A_236 = arith.constant 80 : index
      %swap3A_237 = tpu.vector_load %arg10[%swap3A_235, %swap3A_236] {strides = array<i32>} : memref<128x128xf32, #tpu.memory_space<vmem>>, vector<1x16xf32>,
      %swap3A_238 = vector.shape_cast %swap3A_237 : vector<1x16xf32> to vector<16xf32>
      %swap3A_239 = vector.shape_cast %broadcast_in_dim3A_1 : vector<16xf32> to vector<1x16xf32>
      tpu.vector_store %arg10[%swap3A_235, %swap3A_236], %swap3A_239 {strides = array<i32>} : memref<128x128xf32, #tpu.memory_space<vmem>>, vector<1x16xf32>,
      %swap3A_240 = arith.index_cast %scan3A_209 : i32 to index
      %swap3A_241 = arith.constant 96 : index
      %swap3A_242 = tpu.vector_load %arg10[%swap3A_240, %swap3A_241] {strides = array<i32>} : memref<128x128xf32, #tpu.memory_space<vmem>>, vector<1x16xf32>,
      %swap3A_243 = vector.shape_cast %swap3A_242 : vector<1x16xf32> to vector<16xf32>
      %swap3A_244 = vector.shape_cast %broadcast_in_dim3A_1 : vector<16xf32> to vector<1x16xf32>
      tpu.vector_store %arg10[%swap3A_240, %swap3A_241], %swap3A_244 {strides = array<i32>} : memref<128x128xf32, #tpu.memory_space<vmem>>, vector<1x16xf32>,
      %swap3A_245 = arith.index_cast %scan3A_209 : i32 to index
      %swap3A_246 = arith.constant 112 : index
      %swap3A_247 = tpu.vector_load %arg10[%swap3A_245, %swap3A_246] {strides = array<i32>} : memref<128x128xf32, #tpu.memory_space<vmem>>, vector<1x16xf32>,
      %swap3A_248 = vector.shape_cast %swap3A_247 : vector<1x16xf32> to vector<16xf32>
      %swap3A_249 = vector.shape_cast %broadcast_in_dim3A_1 : vector<16xf32> to vector<1x16xf32>
      tpu.vector_store %arg10[%swap3A_245, %swap3A_246], %swap3A_249 {strides = array<i32>} : memref<128x128xf32, #tpu.memory_space<vmem>>, vector<1x16xf32>,
      %scan3A_250 = arith.constant 0 : i32
      scf.yield %scan3A_250 : i32
    }
    %scan3A_11 = arith.constant 128 : i32
    %mul3A_12 = arith.constant 640 : i32
    %mul3A_13 = arith.muli %arg1, %mul3A_12 : i32
    %add3A_14 = arith.constant 0 : i32
    %add3A_15 = arith.addi %mul3A_13, %add3A_14 : i32
    %dma_start3A = arith.constant 0 : i32
    %dma_start3A_16 = tpu.memref_slice %arg18[%add3A_15, %dma_start3A] : memref<10240x128xf32, #tpu.memory_space<vmem_shared>> -> memref<128x128xf32, #tpu.memory_space<vmem_shared>>
    %dma_start3A_17 = arith.constant 0 : i32
    %dma_start3A_18 = tpu.memref_slice %arg18[%add3A_15, %dma_start3A_17] : memref<10240x128xf32, #tpu.memory_space<vmem_shared>> -> memref<128x128xf32, #tpu.memory_space<vmem_shared>>
    tpu.enqueue_dma source(%arg10 : memref<128x128xf32, #tpu.memory_space<vmem>>) target(%dma_start3A_18 : memref<128x128xf32, #tpu.memory_space<vmem_shared>>) target_semaphore(%arg16 : memref<!tpu.dma_semaphore, #tpu.memory_space<semaphore_mem>>)
    %mul3A_19 = arith.constant 640 : i32
    %mul3A_20 = arith.muli %arg1, %mul3A_19 : i32
    %add3A_21 = arith.constant 128 : i32
    %add3A_22 = arith.addi %mul3A_20, %add3A_21 : i32
    %dma_start3A_23 = arith.constant 0 : i32
    %dma_start3A_24 = tpu.memref_slice %arg18[%add3A_22, %dma_start3A_23] : memref<10240x128xf32, #tpu.memory_space<vmem_shared>> -> memref<128x128xf32, #tpu.memory_space<vmem_shared>>
    %dma_start3A_25 = arith.constant 0 : i32
    %dma_start3A_26 = tpu.memref_slice %arg18[%add3A_22, %dma_start3A_25] : memref<10240x128xf32, #tpu.memory_space<vmem_shared>> -> memref<128x128xf32, #tpu.memory_space<vmem_shared>>
    tpu.enqueue_dma source(%arg10 : memref<128x128xf32, #tpu.memory_space<vmem>>) target(%dma_start3A_26 : memref<128x128xf32, #tpu.memory_space<vmem_shared>>) target_semaphore(%arg16 : memref<!tpu.dma_semaphore, #tpu.memory_space<semaphore_mem>>)
    %mul3A_27 = arith.constant 640 : i32
    %mul3A_28 = arith.muli %arg1, %mul3A_27 : i32
    %add3A_29 = arith.constant 256 : i32
    %add3A_30 = arith.addi %mul3A_28, %add3A_29 : i32
    %dma_start3A_31 = arith.constant 0 : i32
    %dma_start3A_32 = tpu.memref_slice %arg18[%add3A_30, %dma_start3A_31] : memref<10240x128xf32, #tpu.memory_space<vmem_shared>> -> memref<128x128xf32, #tpu.memory_space<vmem_shared>>
    %dma_start3A_33 = arith.constant 0 : i32
    %dma_start3A_34 = tpu.memref_slice %arg18[%add3A_30, %dma_start3A_33] : memref<10240x128xf32, #tpu.memory_space<vmem_shared>> -> memref<128x128xf32, #tpu.memory_space<vmem_shared>>
    tpu.enqueue_dma source(%arg10 : memref<128x128xf32, #tpu.memory_space<vmem>>) target(%dma_start3A_34 : memref<128x128xf32, #tpu.memory_space<vmem_shared>>) target_semaphore(%arg16 : memref<!tpu.dma_semaphore, #tpu.memory_space<semaphore_mem>>)
    %mul3A_35 = arith.constant 640 : i32
    %mul3A_36 = arith.muli %arg1, %mul3A_35 : i32
    %add3A_37 = arith.constant 384 : i32
    %add3A_38 = arith.addi %mul3A_36, %add3A_37 : i32
    %dma_start3A_39 = arith.constant 0 : i32
    %dma_start3A_40 = tpu.memref_slice %arg18[%add3A_38, %dma_start3A_39] : memref<10240x128xf32, #tpu.memory_space<vmem_shared>> -> memref<128x128xf32, #tpu.memory_space<vmem_shared>>
    %dma_start3A_41 = arith.constant 0 : i32
    %dma_start3A_42 = tpu.memref_slice %arg18[%add3A_38, %dma_start3A_41] : memref<10240x128xf32, #tpu.memory_space<vmem_shared>> -> memref<128x128xf32, #tpu.memory_space<vmem_shared>>
    tpu.enqueue_dma source(%arg10 : memref<128x128xf32, #tpu.memory_space<vmem>>) target(%dma_start3A_42 : memref<128x128xf32, #tpu.memory_space<vmem_shared>>) target_semaphore(%arg16 : memref<!tpu.dma_semaphore, #tpu.memory_space<semaphore_mem>>)
    %mul3A_43 = arith.constant 640 : i32
    %mul3A_44 = arith.muli %arg1, %mul3A_43 : i32
    %add3A_45 = arith.constant 512 : i32
    %add3A_46 = arith.addi %mul3A_44, %add3A_45 : i32
    %dma_start3A_47 = arith.constant 0 : i32
    %dma_start3A_48 = tpu.memref_slice %arg18[%add3A_46, %dma_start3A_47] : memref<10240x128xf32, #tpu.memory_space<vmem_shared>> -> memref<128x128xf32, #tpu.memory_space<vmem_shared>>
    %dma_start3A_49 = arith.constant 0 : i32
    %dma_start3A_50 = tpu.memref_slice %arg18[%add3A_46, %dma_start3A_49] : memref<10240x128xf32, #tpu.memory_space<vmem_shared>> -> memref<128x128xf32, #tpu.memory_space<vmem_shared>>
    tpu.enqueue_dma source(%arg10 : memref<128x128xf32, #tpu.memory_space<vmem>>) target(%dma_start3A_50 : memref<128x128xf32, #tpu.memory_space<vmem_shared>>) target_semaphore(%arg16 : memref<!tpu.dma_semaphore, #tpu.memory_space<semaphore_mem>>)
    %mul3A_51 = arith.constant 640 : i32
    %mul3A_52 = arith.muli %arg1, %mul3A_51 : i32
    %add3A_53 = arith.constant 0 : i32
    %add3A_54 = arith.addi %mul3A_52, %add3A_53 : i32
    %dma_wait3A = arith.constant 0 : i32
    %dma_wait3A_55 = tpu.memref_slice %arg18[%add3A_54, %dma_wait3A] : memref<10240x128xf32, #tpu.memory_space<vmem_shared>> -> memref<128x128xf32, #tpu.memory_space<vmem_shared>>
    %dma_wait3A_56 = arith.constant 0 : i32
    %dma_wait3A_57 = tpu.memref_slice %arg18[%add3A_54, %dma_wait3A_56] : memref<10240x128xf32, #tpu.memory_space<vmem_shared>> -> memref<128x128xf32, #tpu.memory_space<vmem_shared>>
    tpu.wait_dma2 semaphore(%arg16 : memref<!tpu.dma_semaphore, #tpu.memory_space<semaphore_mem>>) src(%arg10 : memref<128x128xf32, #tpu.memory_space<vmem>>) dst(%dma_wait3A_57 : memref<128x128xf32, #tpu.memory_space<vmem_shared>>)
    %mul3A_58 = arith.constant 640 : i32
    %mul3A_59 = arith.muli %arg1, %mul3A_58 : i32
    %add3A_60 = arith.constant 128 : i32
    %add3A_61 = arith.addi %mul3A_59, %add3A_60 : i32
    %dma_wait3A_62 = arith.constant 0 : i32
    %dma_wait3A_63 = tpu.memref_slice %arg18[%add3A_61, %dma_wait3A_62] : memref<10240x128xf32, #tpu.memory_space<vmem_shared>> -> memref<128x128xf32, #tpu.memory_space<vmem_shared>>
    %dma_wait3A_64 = arith.constant 0 : i32
    %dma_wait3A_65 = tpu.memref_slice %arg18[%add3A_61, %dma_wait3A_64] : memref<10240x128xf32, #tpu.memory_space<vmem_shared>> -> memref<128x128xf32, #tpu.memory_space<vmem_shared>>
    tpu.wait_dma2 semaphore(%arg16 : memref<!tpu.dma_semaphore, #tpu.memory_space<semaphore_mem>>) src(%arg10 : memref<128x128xf32, #tpu.memory_space<vmem>>) dst(%dma_wait3A_65 : memref<128x128xf32, #tpu.memory_space<vmem_shared>>)
    %mul3A_66 = arith.constant 640 : i32
    %mul3A_67 = arith.muli %arg1, %mul3A_66 : i32
    %add3A_68 = arith.constant 256 : i32
    %add3A_69 = arith.addi %mul3A_67, %add3A_68 : i32
    %dma_wait3A_70 = arith.constant 0 : i32
    %dma_wait3A_71 = tpu.memref_slice %arg18[%add3A_69, %dma_wait3A_70] : memref<10240x128xf32, #tpu.memory_space<vmem_shared>> -> memref<128x128xf32, #tpu.memory_space<vmem_shared>>
    %dma_wait3A_72 = arith.constant 0 : i32
    %dma_wait3A_73 = tpu.memref_slice %arg18[%add3A_69, %dma_wait3A_72] : memref<10240x128xf32, #tpu.memory_space<vmem_shared>> -> memref<128x128xf32, #tpu.memory_space<vmem_shared>>
    tpu.wait_dma2 semaphore(%arg16 : memref<!tpu.dma_semaphore, #tpu.memory_space<semaphore_mem>>) src(%arg10 : memref<128x128xf32, #tpu.memory_space<vmem>>) dst(%dma_wait3A_73 : memref<128x128xf32, #tpu.memory_space<vmem_shared>>)
    %mul3A_74 = arith.constant 640 : i32
    %mul3A_75 = arith.muli %arg1, %mul3A_74 : i32
    %add3A_76 = arith.constant 384 : i32
    %add3A_77 = arith.addi %mul3A_75, %add3A_76 : i32
    %dma_wait3A_78 = arith.constant 0 : i32
    %dma_wait3A_79 = tpu.memref_slice %arg18[%add3A_77, %dma_wait3A_78] : memref<10240x128xf32, #tpu.memory_space<vmem_shared>> -> memref<128x128xf32, #tpu.memory_space<vmem_shared>>
    %dma_wait3A_80 = arith.constant 0 : i32
    %dma_wait3A_81 = tpu.memref_slice %arg18[%add3A_77, %dma_wait3A_80] : memref<10240x128xf32, #tpu.memory_space<vmem_shared>> -> memref<128x128xf32, #tpu.memory_space<vmem_shared>>
    tpu.wait_dma2 semaphore(%arg16 : memref<!tpu.dma_semaphore, #tpu.memory_space<semaphore_mem>>) src(%arg10 : memref<128x128xf32, #tpu.memory_space<vmem>>) dst(%dma_wait3A_81 : memref<128x128xf32, #tpu.memory_space<vmem_shared>>)
    %mul3A_82 = arith.constant 640 : i32
    %mul3A_83 = arith.muli %arg1, %mul3A_82 : i32
    %add3A_84 = arith.constant 512 : i32
    %add3A_85 = arith.addi %mul3A_83, %add3A_84 : i32
    %dma_wait3A_86 = arith.constant 0 : i32
    %dma_wait3A_87 = tpu.memref_slice %arg18[%add3A_85, %dma_wait3A_86] : memref<10240x128xf32, #tpu.memory_space<vmem_shared>> -> memref<128x128xf32, #tpu.memory_space<vmem_shared>>
    %dma_wait3A_88 = arith.constant 0 : i32
    %dma_wait3A_89 = tpu.memref_slice %arg18[%add3A_85, %dma_wait3A_88] : memref<10240x128xf32, #tpu.memory_space<vmem_shared>> -> memref<128x128xf32, #tpu.memory_space<vmem_shared>>
    tpu.wait_dma2 semaphore(%arg16 : memref<!tpu.dma_semaphore, #tpu.memory_space<semaphore_mem>>) src(%arg10 : memref<128x128xf32, #tpu.memory_space<vmem>>) dst(%dma_wait3A_89 : memref<128x128xf32, #tpu.memory_space<vmem_shared>>)
    %barrier3A = arith.constant 0 : index
    tpu.barrier barrier_id(%barrier3A)
    %add3A_90 = arith.constant 0 : i32
    %add3A_91 = arith.addi %mul3A_5, %add3A_90 : i32
    %dma_start3A_92 = tpu.memref_slice %arg3[%add3A_91] : memref<327680xi32, #tpu.memory_space<hbm>> -> memref<128xi32, #tpu.memory_space<hbm>>
    %dma_start3A_93 = tpu.memref_slice %arg3[%add3A_91] : memref<327680xi32, #tpu.memory_space<hbm>> -> memref<128xi32, #tpu.memory_space<hbm>>
    tpu.enqueue_dma source(%dma_start3A_93 : memref<128xi32, #tpu.memory_space<hbm>>) target(%arg6 : memref<128xi32, #tpu.memory_space<vmem>>) target_semaphore(%arg12 : memref<!tpu.dma_semaphore, #tpu.memory_space<semaphore_mem>>)
    %dma_start3A_94 = tpu.memref_slice %arg4[%add3A_91] : memref<327680xi32, #tpu.memory_space<hbm>> -> memref<128xi32, #tpu.memory_space<hbm>>
    %dma_start3A_95 = tpu.memref_slice %arg4[%add3A_91] : memref<327680xi32, #tpu.memory_space<hbm>> -> memref<128xi32, #tpu.memory_space<hbm>>
    tpu.enqueue_dma source(%dma_start3A_95 : memref<128xi32, #tpu.memory_space<hbm>>) target(%arg8 : memref<128xi32, #tpu.memory_space<vmem>>) target_semaphore(%arg14 : memref<!tpu.dma_semaphore, #tpu.memory_space<semaphore_mem>>)
    %add3A_96 = arith.constant 128 : i32
    %add3A_97 = arith.addi %mul3A_5, %add3A_96 : i32
    %dma_start3A_98 = tpu.memref_slice %arg3[%add3A_97] : memref<327680xi32, #tpu.memory_space<hbm>> -> memref<128xi32, #tpu.memory_space<hbm>>
    %dma_start3A_99 = tpu.memref_slice %arg3[%add3A_97] : memref<327680xi32, #tpu.memory_space<hbm>> -> memref<128xi32, #tpu.memory_space<hbm>>
    tpu.enqueue_dma source(%dma_start3A_99 : memref<128xi32, #tpu.memory_space<hbm>>) target(%arg7 : memref<128xi32, #tpu.memory_space<vmem>>) target_semaphore(%arg13 : memref<!tpu.dma_semaphore, #tpu.memory_space<semaphore_mem>>)
    %dma_start3A_100 = tpu.memref_slice %arg4[%add3A_97] : memref<327680xi32, #tpu.memory_space<hbm>> -> memref<128xi32, #tpu.memory_space<hbm>>
    %dma_start3A_101 = tpu.memref_slice %arg4[%add3A_97] : memref<327680xi32, #tpu.memory_space<hbm>> -> memref<128xi32, #tpu.memory_space<hbm>>
    tpu.enqueue_dma source(%dma_start3A_101 : memref<128xi32, #tpu.memory_space<hbm>>) target(%arg9 : memref<128xi32, #tpu.memory_space<vmem>>) target_semaphore(%arg15 : memref<!tpu.dma_semaphore, #tpu.memory_space<semaphore_mem>>)
    %add3A_102 = arith.constant 0 : i32
    %add3A_103 = arith.addi %mul3A_5, %add3A_102 : i32
    %dma_wait3A_104 = tpu.memref_slice %arg3[%add3A_103] : memref<327680xi32, #tpu.memory_space<hbm>> -> memref<128xi32, #tpu.memory_space<hbm>>
    %dma_wait3A_105 = tpu.memref_slice %arg3[%add3A_103] : memref<327680xi32, #tpu.memory_space<hbm>> -> memref<128xi32, #tpu.memory_space<hbm>>
    tpu.wait_dma2 semaphore(%arg12 : memref<!tpu.dma_semaphore, #tpu.memory_space<semaphore_mem>>) src(%dma_wait3A_105 : memref<128xi32, #tpu.memory_space<hbm>>) dst(%arg6 : memref<128xi32, #tpu.memory_space<vmem>>)
    %dma_wait3A_106 = tpu.memref_slice %arg4[%add3A_103] : memref<327680xi32, #tpu.memory_space<hbm>> -> memref<128xi32, #tpu.memory_space<hbm>>
    %dma_wait3A_107 = tpu.memref_slice %arg4[%add3A_103] : memref<327680xi32, #tpu.memory_space<hbm>> -> memref<128xi32, #tpu.memory_space<hbm>>
    tpu.wait_dma2 semaphore(%arg14 : memref<!tpu.dma_semaphore, #tpu.memory_space<semaphore_mem>>) src(%dma_wait3A_107 : memref<128xi32, #tpu.memory_space<hbm>>) dst(%arg8 : memref<128xi32, #tpu.memory_space<vmem>>)
    %dma_start3A_108 = arith.constant 0 : i32
    %dma_start3A_109 = arith.constant 0 : i32
    %dma_start3A_110 = tpu.memref_slice %arg2[%dma_start3A_108, %dma_start3A_109] : memref<10000x128xf32, #tpu.memory_space<hbm>> -> memref<10000x128xf32, #tpu.memory_space<hbm>>
    tpu.enqueue_indirect_dma source(%dma_start3A_110 : memref<10000x128xf32, #tpu.memory_space<hbm>>) target(%arg10 : memref<128x128xf32, #tpu.memory_space<vmem>>) offsets(%arg6 : memref<128xi32, #tpu.memory_space<vmem>>) semaphore(%arg16 : memref<!tpu.dma_semaphore, #tpu.memory_space<semaphore_mem>>)
    %scan3A_111 = arith.constant 0 : i32
    %scan3A_112 = arith.constant 0 : i32
    %scan3A_113 = arith.constant 40 : i32
    %scan3A_114 = arith.addi %scan3A_112, %scan3A_113 : i32
    %scan3A_115 = arith.constant 1 : i32
    %scan3A_116 = scf.for %scan3A_209 = %scan3A_112 to %scan3A_114 step %scan3A_115 iter_args(%scan3A_210 = %scan3A_111) -> (i32)  : i32 {
      %mul3A_211 = arith.constant 2 : i32
      %mul3A_212 = arith.muli %scan3A_209, %mul3A_211 : i32
      %add3A_213 = arith.constant 1 : i32
      %add3A_214 = arith.addi %mul3A_212, %add3A_213 : i32
      %mul3A_215 = arith.constant 128 : i32
      %mul3A_216 = arith.muli %add3A_214, %mul3A_215 : i32
      %add3A_217 = arith.addi %mul3A_5, %mul3A_216 : i32
      %dma_wait3A_218 = tpu.memref_slice %arg3[%add3A_217] : memref<327680xi32, #tpu.memory_space<hbm>> -> memref<128xi32, #tpu.memory_space<hbm>>
      %dma_wait3A_219 = tpu.memref_slice %arg3[%add3A_217] : memref<327680xi32, #tpu.memory_space<hbm>> -> memref<128xi32, #tpu.memory_space<hbm>>
      tpu.wait_dma2 semaphore(%arg13 : memref<!tpu.dma_semaphore, #tpu.memory_space<semaphore_mem>>) src(%dma_wait3A_219 : memref<128xi32, #tpu.memory_space<hbm>>) dst(%arg7 : memref<128xi32, #tpu.memory_space<vmem>>)
      %dma_wait3A_220 = tpu.memref_slice %arg4[%add3A_217] : memref<327680xi32, #tpu.memory_space<hbm>> -> memref<128xi32, #tpu.memory_space<hbm>>
      %dma_wait3A_221 = tpu.memref_slice %arg4[%add3A_217] : memref<327680xi32, #tpu.memory_space<hbm>> -> memref<128xi32, #tpu.memory_space<hbm>>
      tpu.wait_dma2 semaphore(%arg15 : memref<!tpu.dma_semaphore, #tpu.memory_space<semaphore_mem>>) src(%dma_wait3A_221 : memref<128xi32, #tpu.memory_space<hbm>>) dst(%arg9 : memref<128xi32, #tpu.memory_space<vmem>>)
      %dma_start3A_222 = arith.constant 0 : i32
      %dma_start3A_223 = arith.constant 0 : i32
      %dma_start3A_224 = tpu.memref_slice %arg2[%dma_start3A_222, %dma_start3A_223] : memref<10000x128xf32, #tpu.memory_space<hbm>> -> memref<10000x128xf32, #tpu.memory_space<hbm>>
      tpu.enqueue_indirect_dma source(%dma_start3A_224 : memref<10000x128xf32, #tpu.memory_space<hbm>>) target(%arg11 : memref<128x128xf32, #tpu.memory_space<vmem>>) offsets(%arg7 : memref<128xi32, #tpu.memory_space<vmem>>) semaphore(%arg17 : memref<!tpu.dma_semaphore, #tpu.memory_space<semaphore_mem>>)
      %dma_wait3A_225 = arith.constant 0 : i32
      %dma_wait3A_226 = arith.constant 0 : i32
      %dma_wait3A_227 = tpu.memref_slice %arg2[%dma_wait3A_225, %dma_wait3A_226] : memref<10000x128xf32, #tpu.memory_space<hbm>> -> memref<10000x128xf32, #tpu.memory_space<hbm>>
      tpu.wait_indirect_dma semaphore(%arg16 : memref<!tpu.dma_semaphore, #tpu.memory_space<semaphore_mem>>) src(%dma_wait3A_227 : memref<10000x128xf32, #tpu.memory_space<hbm>>) dst(%arg10 : memref<128x128xf32, #tpu.memory_space<vmem>>)
      "tpu.region"() ({
        %run_scoped3A = tpu.sem_alloc : memref<!tpu.dma_semaphore, #tpu.memory_space<semaphore_mem>>
        %dma_start3A_244 = arith.constant 0 : i32
        %dma_start3A_245 = arith.constant 0 : i32
        %dma_start3A_246 = tpu.memref_slice %arg18[%dma_start3A_244, %dma_start3A_245] : memref<10240x128xf32, #tpu.memory_space<vmem_shared>> -> memref<10240x128xf32, #tpu.memory_space<vmem_shared>>
        tpu.enqueue_indirect_dma source(%arg10 : memref<128x128xf32, #tpu.memory_space<vmem>>) target(%dma_start3A_246 : memref<10240x128xf32, #tpu.memory_space<vmem_shared>>) offsets(%arg8 : memref<128xi32, #tpu.memory_space<vmem>>) semaphore(%run_scoped3A : memref<!tpu.dma_semaphore, #tpu.memory_space<semaphore_mem>>) {add = true}
        %dma_wait3A_247 = arith.constant 0 : i32
        %dma_wait3A_248 = arith.constant 0 : i32
        %dma_wait3A_249 = tpu.memref_slice %arg18[%dma_wait3A_247, %dma_wait3A_248] : memref<10240x128xf32, #tpu.memory_space<vmem_shared>> -> memref<10240x128xf32, #tpu.memory_space<vmem_shared>>
        tpu.wait_indirect_dma semaphore(%run_scoped3A : memref<!tpu.dma_semaphore, #tpu.memory_space<semaphore_mem>>) src(%arg10 : memref<128x128xf32, #tpu.memory_space<vmem>>) dst(%dma_wait3A_249 : memref<10240x128xf32, #tpu.memory_space<vmem_shared>>)
        tpu.yield
      }) : () -> ()
      %lt3A = arith.constant 39 : i32
      %lt3A_228 = arith.cmpi slt, %scan3A_209, %lt3A : i32
      %convert_element_type3A = arith.extui %lt3A_228 : i1 to i32
      %cond3A = arith.constant 0 : i32
      %cond3A_229 = arith.cmpi ne, %convert_element_type3A, %cond3A : i32
      scf.if %cond3A_229 {
        %add3A_244 = arith.constant 2 : i32
        %add3A_245 = arith.addi %mul3A_212, %add3A_244 : i32
        %mul3A_246 = arith.constant 128 : i32
        %mul3A_247 = arith.muli %add3A_245, %mul3A_246 : i32
        %add3A_248 = arith.addi %mul3A_5, %mul3A_247 : i32
        %dma_start3A_249 = tpu.memref_slice %arg3[%add3A_248] : memref<327680xi32, #tpu.memory_space<hbm>> -> memref<128xi32, #tpu.memory_space<hbm>>
        %dma_start3A_250 = tpu.memref_slice %arg3[%add3A_248] : memref<327680xi32, #tpu.memory_space<hbm>> -> memref<128xi32, #tpu.memory_space<hbm>>
        tpu.enqueue_dma source(%dma_start3A_250 : memref<128xi32, #tpu.memory_space<hbm>>) target(%arg6 : memref<128xi32, #tpu.memory_space<vmem>>) target_semaphore(%arg12 : memref<!tpu.dma_semaphore, #tpu.memory_space<semaphore_mem>>)
        %dma_start3A_251 = tpu.memref_slice %arg4[%add3A_248] : memref<327680xi32, #tpu.memory_space<hbm>> -> memref<128xi32, #tpu.memory_space<hbm>>
        %dma_start3A_252 = tpu.memref_slice %arg4[%add3A_248] : memref<327680xi32, #tpu.memory_space<hbm>> -> memref<128xi32, #tpu.memory_space<hbm>>
        tpu.enqueue_dma source(%dma_start3A_252 : memref<128xi32, #tpu.memory_space<hbm>>) target(%arg8 : memref<128xi32, #tpu.memory_space<vmem>>) target_semaphore(%arg14 : memref<!tpu.dma_semaphore, #tpu.memory_space<semaphore_mem>>)
      } else {
      }
      %lt3A_230 = arith.constant 39 : i32
      %lt3A_231 = arith.cmpi slt, %scan3A_209, %lt3A_230 : i32
      %convert_element_type3A_232 = arith.extui %lt3A_231 : i1 to i32
      %cond3A_233 = arith.constant 0 : i32
      %cond3A_234 = arith.cmpi ne, %convert_element_type3A_232, %cond3A_233 : i32
      scf.if %cond3A_234 {
        %add3A_244 = arith.constant 2 : i32
        %add3A_245 = arith.addi %mul3A_212, %add3A_244 : i32
        %mul3A_246 = arith.constant 128 : i32
        %mul3A_247 = arith.muli %add3A_245, %mul3A_246 : i32
        %add3A_248 = arith.addi %mul3A_5, %mul3A_247 : i32
        %dma_wait3A_249 = tpu.memref_slice %arg3[%add3A_248] : memref<327680xi32, #tpu.memory_space<hbm>> -> memref<128xi32, #tpu.memory_space<hbm>>
        %dma_wait3A_250 = tpu.memref_slice %arg3[%add3A_248] : memref<327680xi32, #tpu.memory_space<hbm>> -> memref<128xi32, #tpu.memory_space<hbm>>
        tpu.wait_dma2 semaphore(%arg12 : memref<!tpu.dma_semaphore, #tpu.memory_space<semaphore_mem>>) src(%dma_wait3A_250 : memref<128xi32, #tpu.memory_space<hbm>>) dst(%arg6 : memref<128xi32, #tpu.memory_space<vmem>>)
        %dma_wait3A_251 = tpu.memref_slice %arg4[%add3A_248] : memref<327680xi32, #tpu.memory_space<hbm>> -> memref<128xi32, #tpu.memory_space<hbm>>
        %dma_wait3A_252 = tpu.memref_slice %arg4[%add3A_248] : memref<327680xi32, #tpu.memory_space<hbm>> -> memref<128xi32, #tpu.memory_space<hbm>>
        tpu.wait_dma2 semaphore(%arg14 : memref<!tpu.dma_semaphore, #tpu.memory_space<semaphore_mem>>) src(%dma_wait3A_252 : memref<128xi32, #tpu.memory_space<hbm>>) dst(%arg8 : memref<128xi32, #tpu.memory_space<vmem>>)
        %dma_start3A_253 = arith.constant 0 : i32
        %dma_start3A_254 = arith.constant 0 : i32
        %dma_start3A_255 = tpu.memref_slice %arg2[%dma_start3A_253, %dma_start3A_254] : memref<10000x128xf32, #tpu.memory_space<hbm>> -> memref<10000x128xf32, #tpu.memory_space<hbm>>
        tpu.enqueue_indirect_dma source(%dma_start3A_255 : memref<10000x128xf32, #tpu.memory_space<hbm>>) target(%arg10 : memref<128x128xf32, #tpu.memory_space<vmem>>) offsets(%arg6 : memref<128xi32, #tpu.memory_space<vmem>>) semaphore(%arg16 : memref<!tpu.dma_semaphore, #tpu.memory_space<semaphore_mem>>)
      } else {
      }
      %dma_wait3A_235 = arith.constant 0 : i32
      %dma_wait3A_236 = arith.constant 0 : i32
      %dma_wait3A_237 = tpu.memref_slice %arg2[%dma_wait3A_235, %dma_wait3A_236] : memref<10000x128xf32, #tpu.memory_space<hbm>> -> memref<10000x128xf32, #tpu.memory_space<hbm>>
      tpu.wait_indirect_dma semaphore(%arg17 : memref<!tpu.dma_semaphore, #tpu.memory_space<semaphore_mem>>) src(%dma_wait3A_237 : memref<10000x128xf32, #tpu.memory_space<hbm>>) dst(%arg11 : memref<128x128xf32, #tpu.memory_space<vmem>>)
      "tpu.region"() ({
        %run_scoped3A = tpu.sem_alloc : memref<!tpu.dma_semaphore, #tpu.memory_space<semaphore_mem>>
        %dma_start3A_244 = arith.constant 0 : i32
        %dma_start3A_245 = arith.constant 0 : i32
        %dma_start3A_246 = tpu.memref_slice %arg18[%dma_start3A_244, %dma_start3A_245] : memref<10240x128xf32, #tpu.memory_space<vmem_shared>> -> memref<10240x128xf32, #tpu.memory_space<vmem_shared>>
        tpu.enqueue_indirect_dma source(%arg11 : memref<128x128xf32, #tpu.memory_space<vmem>>) target(%dma_start3A_246 : memref<10240x128xf32, #tpu.memory_space<vmem_shared>>) offsets(%arg9 : memref<128xi32, #tpu.memory_space<vmem>>) semaphore(%run_scoped3A : memref<!tpu.dma_semaphore, #tpu.memory_space<semaphore_mem>>) {add = true}
        %dma_wait3A_247 = arith.constant 0 : i32
        %dma_wait3A_248 = arith.constant 0 : i32
        %dma_wait3A_249 = tpu.memref_slice %arg18[%dma_wait3A_247, %dma_wait3A_248] : memref<10240x128xf32, #tpu.memory_space<vmem_shared>> -> memref<10240x128xf32, #tpu.memory_space<vmem_shared>>
        tpu.wait_indirect_dma semaphore(%run_scoped3A : memref<!tpu.dma_semaphore, #tpu.memory_space<semaphore_mem>>) src(%arg11 : memref<128x128xf32, #tpu.memory_space<vmem>>) dst(%dma_wait3A_249 : memref<10240x128xf32, #tpu.memory_space<vmem_shared>>)
        tpu.yield
      }) : () -> ()
      %lt3A_238 = arith.constant 39 : i32
      %lt3A_239 = arith.cmpi slt, %scan3A_209, %lt3A_238 : i32
      %convert_element_type3A_240 = arith.extui %lt3A_239 : i1 to i32
      %cond3A_241 = arith.constant 0 : i32
      %cond3A_242 = arith.cmpi ne, %convert_element_type3A_240, %cond3A_241 : i32
      scf.if %cond3A_242 {
        %add3A_244 = arith.constant 3 : i32
        %add3A_245 = arith.addi %mul3A_212, %add3A_244 : i32
        %mul3A_246 = arith.constant 128 : i32
        %mul3A_247 = arith.muli %add3A_245, %mul3A_246 : i32
        %add3A_248 = arith.addi %mul3A_5, %mul3A_247 : i32
        %dma_start3A_249 = tpu.memref_slice %arg3[%add3A_248] : memref<327680xi32, #tpu.memory_space<hbm>> -> memref<128xi32, #tpu.memory_space<hbm>>
        %dma_start3A_250 = tpu.memref_slice %arg3[%add3A_248] : memref<327680xi32, #tpu.memory_space<hbm>> -> memref<128xi32, #tpu.memory_space<hbm>>
        tpu.enqueue_dma source(%dma_start3A_250 : memref<128xi32, #tpu.memory_space<hbm>>) target(%arg7 : memref<128xi32, #tpu.memory_space<vmem>>) target_semaphore(%arg13 : memref<!tpu.dma_semaphore, #tpu.memory_space<semaphore_mem>>)
        %dma_start3A_251 = tpu.memref_slice %arg4[%add3A_248] : memref<327680xi32, #tpu.memory_space<hbm>> -> memref<128xi32, #tpu.memory_space<hbm>>
        %dma_start3A_252 = tpu.memref_slice %arg4[%add3A_248] : memref<327680xi32, #tpu.memory_space<hbm>> -> memref<128xi32, #tpu.memory_space<hbm>>
        tpu.enqueue_dma source(%dma_start3A_252 : memref<128xi32, #tpu.memory_space<hbm>>) target(%arg9 : memref<128xi32, #tpu.memory_space<vmem>>) target_semaphore(%arg15 : memref<!tpu.dma_semaphore, #tpu.memory_space<semaphore_mem>>)
      } else {
      }
      %scan3A_243 = arith.constant 0 : i32
      scf.yield %scan3A_243 : i32
    }
    %scan3A_117 = arith.constant 40 : i32
    %barrier3A_118 = arith.constant 0 : index
    tpu.barrier barrier_id(%barrier3A_118)
    %mul3A_119 = arith.constant 640 : i32
    %mul3A_120 = arith.muli %arg1, %mul3A_119 : i32
    %add3A_121 = arith.constant 0 : i32
    %add3A_122 = arith.addi %mul3A_120, %add3A_121 : i32
    %dma_start3A_123 = arith.constant 0 : i32
    %dma_start3A_124 = tpu.memref_slice %arg5[%arg0, %add3A_122, %dma_start3A_123] : memref<2x10240x128xf32, #tpu.memory_space<hbm>> -> memref<1x128x128xf32, #tpu.memory_space<hbm>>
    %dma_start3A_125 = tpu.memref_squeeze %dma_start3A_124 : memref<1x128x128xf32, #tpu.memory_space<hbm>> -> memref<128x128xf32, #tpu.memory_space<hbm>>
    %dma_start3A_126 = arith.constant 0 : i32
    %dma_start3A_127 = tpu.memref_slice %arg18[%add3A_122, %dma_start3A_126] : memref<10240x128xf32, #tpu.memory_space<vmem_shared>> -> memref<128x128xf32, #tpu.memory_space<vmem_shared>>
    tpu.enqueue_dma source(%dma_start3A_127 : memref<128x128xf32, #tpu.memory_space<vmem_shared>>) target(%dma_start3A_125 : memref<128x128xf32, #tpu.memory_space<hbm>>) target_semaphore(%arg16 : memref<!tpu.dma_semaphore, #tpu.memory_space<semaphore_mem>>)
    %mul3A_128 = arith.constant 640 : i32
    %mul3A_129 = arith.muli %arg1, %mul3A_128 : i32
    %add3A_130 = arith.constant 128 : i32
    %add3A_131 = arith.addi %mul3A_129, %add3A_130 : i32
    %dma_start3A_132 = arith.constant 0 : i32
    %dma_start3A_133 = tpu.memref_slice %arg5[%arg0, %add3A_131, %dma_start3A_132] : memref<2x10240x128xf32, #tpu.memory_space<hbm>> -> memref<1x128x128xf32, #tpu.memory_space<hbm>>
    %dma_start3A_134 = tpu.memref_squeeze %dma_start3A_133 : memref<1x128x128xf32, #tpu.memory_space<hbm>> -> memref<128x128xf32, #tpu.memory_space<hbm>>
    %dma_start3A_135 = arith.constant 0 : i32
    %dma_start3A_136 = tpu.memref_slice %arg18[%add3A_131, %dma_start3A_135] : memref<10240x128xf32, #tpu.memory_space<vmem_shared>> -> memref<128x128xf32, #tpu.memory_space<vmem_shared>>
    tpu.enqueue_dma source(%dma_start3A_136 : memref<128x128xf32, #tpu.memory_space<vmem_shared>>) target(%dma_start3A_134 : memref<128x128xf32, #tpu.memory_space<hbm>>) target_semaphore(%arg16 : memref<!tpu.dma_semaphore, #tpu.memory_space<semaphore_mem>>)
    %mul3A_137 = arith.constant 640 : i32
    %mul3A_138 = arith.muli %arg1, %mul3A_137 : i32
    %add3A_139 = arith.constant 256 : i32
    %add3A_140 = arith.addi %mul3A_138, %add3A_139 : i32
    %dma_start3A_141 = arith.constant 0 : i32
    %dma_start3A_142 = tpu.memref_slice %arg5[%arg0, %add3A_140, %dma_start3A_141] : memref<2x10240x128xf32, #tpu.memory_space<hbm>> -> memref<1x128x128xf32, #tpu.memory_space<hbm>>
    %dma_start3A_143 = tpu.memref_squeeze %dma_start3A_142 : memref<1x128x128xf32, #tpu.memory_space<hbm>> -> memref<128x128xf32, #tpu.memory_space<hbm>>
    %dma_start3A_144 = arith.constant 0 : i32
    %dma_start3A_145 = tpu.memref_slice %arg18[%add3A_140, %dma_start3A_144] : memref<10240x128xf32, #tpu.memory_space<vmem_shared>> -> memref<128x128xf32, #tpu.memory_space<vmem_shared>>
    tpu.enqueue_dma source(%dma_start3A_145 : memref<128x128xf32, #tpu.memory_space<vmem_shared>>) target(%dma_start3A_143 : memref<128x128xf32, #tpu.memory_space<hbm>>) target_semaphore(%arg16 : memref<!tpu.dma_semaphore, #tpu.memory_space<semaphore_mem>>)
    %mul3A_146 = arith.constant 640 : i32
    %mul3A_147 = arith.muli %arg1, %mul3A_146 : i32
    %add3A_148 = arith.constant 384 : i32
    %add3A_149 = arith.addi %mul3A_147, %add3A_148 : i32
    %dma_start3A_150 = arith.constant 0 : i32
    %dma_start3A_151 = tpu.memref_slice %arg5[%arg0, %add3A_149, %dma_start3A_150] : memref<2x10240x128xf32, #tpu.memory_space<hbm>> -> memref<1x128x128xf32, #tpu.memory_space<hbm>>
    %dma_start3A_152 = tpu.memref_squeeze %dma_start3A_151 : memref<1x128x128xf32, #tpu.memory_space<hbm>> -> memref<128x128xf32, #tpu.memory_space<hbm>>
    %dma_start3A_153 = arith.constant 0 : i32
    %dma_start3A_154 = tpu.memref_slice %arg18[%add3A_149, %dma_start3A_153] : memref<10240x128xf32, #tpu.memory_space<vmem_shared>> -> memref<128x128xf32, #tpu.memory_space<vmem_shared>>
    tpu.enqueue_dma source(%dma_start3A_154 : memref<128x128xf32, #tpu.memory_space<vmem_shared>>) target(%dma_start3A_152 : memref<128x128xf32, #tpu.memory_space<hbm>>) target_semaphore(%arg16 : memref<!tpu.dma_semaphore, #tpu.memory_space<semaphore_mem>>)
    %mul3A_155 = arith.constant 640 : i32
    %mul3A_156 = arith.muli %arg1, %mul3A_155 : i32
    %add3A_157 = arith.constant 512 : i32
    %add3A_158 = arith.addi %mul3A_156, %add3A_157 : i32
    %dma_start3A_159 = arith.constant 0 : i32
    %dma_start3A_160 = tpu.memref_slice %arg5[%arg0, %add3A_158, %dma_start3A_159] : memref<2x10240x128xf32, #tpu.memory_space<hbm>> -> memref<1x128x128xf32, #tpu.memory_space<hbm>>
    %dma_start3A_161 = tpu.memref_squeeze %dma_start3A_160 : memref<1x128x128xf32, #tpu.memory_space<hbm>> -> memref<128x128xf32, #tpu.memory_space<hbm>>
    %dma_start3A_162 = arith.constant 0 : i32
    %dma_start3A_163 = tpu.memref_slice %arg18[%add3A_158, %dma_start3A_162] : memref<10240x128xf32, #tpu.memory_space<vmem_shared>> -> memref<128x128xf32, #tpu.memory_space<vmem_shared>>
    tpu.enqueue_dma source(%dma_start3A_163 : memref<128x128xf32, #tpu.memory_space<vmem_shared>>) target(%dma_start3A_161 : memref<128x128xf32, #tpu.memory_space<hbm>>) target_semaphore(%arg16 : memref<!tpu.dma_semaphore, #tpu.memory_space<semaphore_mem>>)
    %mul3A_164 = arith.constant 640 : i32
    %mul3A_165 = arith.muli %arg1, %mul3A_164 : i32
    %add3A_166 = arith.constant 0 : i32
    %add3A_167 = arith.addi %mul3A_165, %add3A_166 : i32
    %dma_wait3A_168 = arith.constant 0 : i32
    %dma_wait3A_169 = tpu.memref_slice %arg5[%arg0, %add3A_167, %dma_wait3A_168] : memref<2x10240x128xf32, #tpu.memory_space<hbm>> -> memref<1x128x128xf32, #tpu.memory_space<hbm>>
    %dma_wait3A_170 = tpu.memref_squeeze %dma_wait3A_169 : memref<1x128x128xf32, #tpu.memory_space<hbm>> -> memref<128x128xf32, #tpu.memory_space<hbm>>
    %dma_wait3A_171 = arith.constant 0 : i32
    %dma_wait3A_172 = tpu.memref_slice %arg18[%add3A_167, %dma_wait3A_171] : memref<10240x128xf32, #tpu.memory_space<vmem_shared>> -> memref<128x128xf32, #tpu.memory_space<vmem_shared>>
    tpu.wait_dma2 semaphore(%arg16 : memref<!tpu.dma_semaphore, #tpu.memory_space<semaphore_mem>>) src(%dma_wait3A_172 : memref<128x128xf32, #tpu.memory_space<vmem_shared>>) dst(%dma_wait3A_170 : memref<128x128xf32, #tpu.memory_space<hbm>>)
    %mul3A_173 = arith.constant 640 : i32
    %mul3A_174 = arith.muli %arg1, %mul3A_173 : i32
    %add3A_175 = arith.constant 128 : i32
    %add3A_176 = arith.addi %mul3A_174, %add3A_175 : i32
    %dma_wait3A_177 = arith.constant 0 : i32
    %dma_wait3A_178 = tpu.memref_slice %arg5[%arg0, %add3A_176, %dma_wait3A_177] : memref<2x10240x128xf32, #tpu.memory_space<hbm>> -> memref<1x128x128xf32, #tpu.memory_space<hbm>>
    %dma_wait3A_179 = tpu.memref_squeeze %dma_wait3A_178 : memref<1x128x128xf32, #tpu.memory_space<hbm>> -> memref<128x128xf32, #tpu.memory_space<hbm>>
    %dma_wait3A_180 = arith.constant 0 : i32
    %dma_wait3A_181 = tpu.memref_slice %arg18[%add3A_176, %dma_wait3A_180] : memref<10240x128xf32, #tpu.memory_space<vmem_shared>> -> memref<128x128xf32, #tpu.memory_space<vmem_shared>>
    tpu.wait_dma2 semaphore(%arg16 : memref<!tpu.dma_semaphore, #tpu.memory_space<semaphore_mem>>) src(%dma_wait3A_181 : memref<128x128xf32, #tpu.memory_space<vmem_shared>>) dst(%dma_wait3A_179 : memref<128x128xf32, #tpu.memory_space<hbm>>)
    %mul3A_182 = arith.constant 640 : i32
    %mul3A_183 = arith.muli %arg1, %mul3A_182 : i32
    %add3A_184 = arith.constant 256 : i32
    %add3A_185 = arith.addi %mul3A_183, %add3A_184 : i32
    %dma_wait3A_186 = arith.constant 0 : i32
    %dma_wait3A_187 = tpu.memref_slice %arg5[%arg0, %add3A_185, %dma_wait3A_186] : memref<2x10240x128xf32, #tpu.memory_space<hbm>> -> memref<1x128x128xf32, #tpu.memory_space<hbm>>
    %dma_wait3A_188 = tpu.memref_squeeze %dma_wait3A_187 : memref<1x128x128xf32, #tpu.memory_space<hbm>> -> memref<128x128xf32, #tpu.memory_space<hbm>>
    %dma_wait3A_189 = arith.constant 0 : i32
    %dma_wait3A_190 = tpu.memref_slice %arg18[%add3A_185, %dma_wait3A_189] : memref<10240x128xf32, #tpu.memory_space<vmem_shared>> -> memref<128x128xf32, #tpu.memory_space<vmem_shared>>
    tpu.wait_dma2 semaphore(%arg16 : memref<!tpu.dma_semaphore, #tpu.memory_space<semaphore_mem>>) src(%dma_wait3A_190 : memref<128x128xf32, #tpu.memory_space<vmem_shared>>) dst(%dma_wait3A_188 : memref<128x128xf32, #tpu.memory_space<hbm>>)
    %mul3A_191 = arith.constant 640 : i32
    %mul3A_192 = arith.muli %arg1, %mul3A_191 : i32
    %add3A_193 = arith.constant 384 : i32
    %add3A_194 = arith.addi %mul3A_192, %add3A_193 : i32
    %dma_wait3A_195 = arith.constant 0 : i32
    %dma_wait3A_196 = tpu.memref_slice %arg5[%arg0, %add3A_194, %dma_wait3A_195] : memref<2x10240x128xf32, #tpu.memory_space<hbm>> -> memref<1x128x128xf32, #tpu.memory_space<hbm>>
    %dma_wait3A_197 = tpu.memref_squeeze %dma_wait3A_196 : memref<1x128x128xf32, #tpu.memory_space<hbm>> -> memref<128x128xf32, #tpu.memory_space<hbm>>
    %dma_wait3A_198 = arith.constant 0 : i32
    %dma_wait3A_199 = tpu.memref_slice %arg18[%add3A_194, %dma_wait3A_198] : memref<10240x128xf32, #tpu.memory_space<vmem_shared>> -> memref<128x128xf32, #tpu.memory_space<vmem_shared>>
    tpu.wait_dma2 semaphore(%arg16 : memref<!tpu.dma_semaphore, #tpu.memory_space<semaphore_mem>>) src(%dma_wait3A_199 : memref<128x128xf32, #tpu.memory_space<vmem_shared>>) dst(%dma_wait3A_197 : memref<128x128xf32, #tpu.memory_space<hbm>>)
    %mul3A_200 = arith.constant 640 : i32
    %mul3A_201 = arith.muli %arg1, %mul3A_200 : i32
    %add3A_202 = arith.constant 512 : i32
    %add3A_203 = arith.addi %mul3A_201, %add3A_202 : i32
    %dma_wait3A_204 = arith.constant 0 : i32
    %dma_wait3A_205 = tpu.memref_slice %arg5[%arg0, %add3A_203, %dma_wait3A_204] : memref<2x10240x128xf32, #tpu.memory_space<hbm>> -> memref<1x128x128xf32, #tpu.memory_space<hbm>>
    %dma_wait3A_206 = tpu.memref_squeeze %dma_wait3A_205 : memref<1x128x128xf32, #tpu.memory_space<hbm>> -> memref<128x128xf32, #tpu.memory_space<hbm>>
    %dma_wait3A_207 = arith.constant 0 : i32
    %dma_wait3A_208 = tpu.memref_slice %arg18[%add3A_203, %dma_wait3A_207] : memref<10240x128xf32, #tpu.memory_space<vmem_shared>> -> memref<128x128xf32, #tpu.memory_space<vmem_shared>>
    tpu.wait_dma2 semaphore(%arg16 : memref<!tpu.dma_semaphore, #tpu.memory_space<semaphore_mem>>) src(%dma_wait3A_208 : memref<128x128xf32, #tpu.memory_space<vmem_shared>>) dst(%dma_wait3A_206 : memref<128x128xf32, #tpu.memory_space<hbm>>)
    return
  }
}

#map = affine_map<(d0, d1) -> (0)>
#map1 = affine_map<(d0, d1) -> (0, 0)>
module attributes {stable_mosaic.version = 14 : i64} {
  func.func @_sc_degrees(%arg0: i32, %arg1: i32, %arg2: memref<327680xi32, #tpu.memory_space<hbm>>, %arg3: memref<327680xi32, #tpu.memory_space<hbm>>, %arg4: memref<32x10240xf32, #tpu.memory_space<hbm>>, %arg5: memref<32x10240xf32, #tpu.memory_space<hbm>>, %arg6: memref<10240xi32, #tpu.memory_space<vmem>>, %arg7: memref<10240xi32, #tpu.memory_space<vmem>>, %arg8: memref<10240xf32, #tpu.memory_space<vmem>>, %arg9: memref<10240xf32, #tpu.memory_space<vmem>>) attributes {dimension_semantics = [#tpu.dimension_semantics<core_parallel>, #tpu.dimension_semantics<subcore_parallel>], iteration_bounds = array<i64: 2, 16>, scalar_prefetch = 0 : i64, scratch_operands = 4 : i64, tpu.core_type = #tpu.core_type<sc_vector_subcore>, window_params = [{transform_indices = #map}, {transform_indices = #map}, {transform_indices = #map1}, {transform_indices = #map1}]} {
    %mul3A = arith.constant 16 : i32
    %mul3A_0 = arith.muli %arg0, %mul3A : i32
    %add3A = arith.addi %mul3A_0, %arg1 : i32
    %broadcast_in_dim3A = arith.constant 0.000000e+00 : f32
    %broadcast_in_dim3A_1 = vector.broadcast %broadcast_in_dim3A : f32 to vector<16xf32>
    %broadcast_in_dim3A_2 = arith.constant 1.000000e+00 : f32
    %broadcast_in_dim3A_3 = vector.broadcast %broadcast_in_dim3A_2 : f32 to vector<16xf32>
    %scan3A = arith.constant 0 : i32
    %scan3A_4 = arith.constant 0 : i32
    %scan3A_5 = arith.constant 640 : i32
    %scan3A_6 = arith.addi %scan3A_4, %scan3A_5 : i32
    %scan3A_7 = arith.constant 1 : i32
    %scan3A_8 = scf.for %scan3A_19 = %scan3A_4 to %scan3A_6 step %scan3A_7 iter_args(%scan3A_20 = %scan3A) -> (i32)  : i32 {
      %mul3A_21 = arith.constant 16 : i32
      %mul3A_22 = arith.muli %scan3A_19, %mul3A_21 : i32
      %swap3A = arith.index_cast %mul3A_22 : i32 to index
      %swap3A_23 = tpu.vector_load %arg8[%swap3A] {strides = array<i32>} : memref<10240xf32, #tpu.memory_space<vmem>>, vector<16xf32>,
      tpu.vector_store %arg8[%swap3A], %broadcast_in_dim3A_1 {strides = array<i32>} : memref<10240xf32, #tpu.memory_space<vmem>>, vector<16xf32>,
      %mul3A_24 = arith.constant 16 : i32
      %mul3A_25 = arith.muli %scan3A_19, %mul3A_24 : i32
      %swap3A_26 = arith.index_cast %mul3A_25 : i32 to index
      %swap3A_27 = tpu.vector_load %arg9[%swap3A_26] {strides = array<i32>} : memref<10240xf32, #tpu.memory_space<vmem>>, vector<16xf32>,
      tpu.vector_store %arg9[%swap3A_26], %broadcast_in_dim3A_1 {strides = array<i32>} : memref<10240xf32, #tpu.memory_space<vmem>>, vector<16xf32>,
      %scan3A_28 = arith.constant 0 : i32
      scf.yield %scan3A_28 : i32
    }
    %scan3A_9 = arith.constant 640 : i32
    %mul3A_10 = arith.constant 10240 : i32
    %mul3A_11 = arith.muli %add3A, %mul3A_10 : i32
    "tpu.region"() ({
      %run_scoped3A = tpu.sem_alloc : memref<!tpu.dma_semaphore, #tpu.memory_space<semaphore_mem>>
      %dma_start3A = tpu.memref_slice %arg2[%mul3A_11] : memref<327680xi32, #tpu.memory_space<hbm>> -> memref<10240xi32, #tpu.memory_space<hbm>>
      %dma_start3A_19 = tpu.memref_slice %arg2[%mul3A_11] : memref<327680xi32, #tpu.memory_space<hbm>> -> memref<10240xi32, #tpu.memory_space<hbm>>
      tpu.enqueue_dma source(%dma_start3A_19 : memref<10240xi32, #tpu.memory_space<hbm>>) target(%arg6 : memref<10240xi32, #tpu.memory_space<vmem>>) target_semaphore(%run_scoped3A : memref<!tpu.dma_semaphore, #tpu.memory_space<semaphore_mem>>)
      %dma_wait3A = tpu.memref_slice %arg2[%mul3A_11] : memref<327680xi32, #tpu.memory_space<hbm>> -> memref<10240xi32, #tpu.memory_space<hbm>>
      %dma_wait3A_20 = tpu.memref_slice %arg2[%mul3A_11] : memref<327680xi32, #tpu.memory_space<hbm>> -> memref<10240xi32, #tpu.memory_space<hbm>>
      tpu.wait_dma2 semaphore(%run_scoped3A : memref<!tpu.dma_semaphore, #tpu.memory_space<semaphore_mem>>) src(%dma_wait3A_20 : memref<10240xi32, #tpu.memory_space<hbm>>) dst(%arg6 : memref<10240xi32, #tpu.memory_space<vmem>>)
      tpu.yield
    }) : () -> ()
    "tpu.region"() ({
      %run_scoped3A = tpu.sem_alloc : memref<!tpu.dma_semaphore, #tpu.memory_space<semaphore_mem>>
      %dma_start3A = tpu.memref_slice %arg3[%mul3A_11] : memref<327680xi32, #tpu.memory_space<hbm>> -> memref<10240xi32, #tpu.memory_space<hbm>>
      %dma_start3A_19 = tpu.memref_slice %arg3[%mul3A_11] : memref<327680xi32, #tpu.memory_space<hbm>> -> memref<10240xi32, #tpu.memory_space<hbm>>
      tpu.enqueue_dma source(%dma_start3A_19 : memref<10240xi32, #tpu.memory_space<hbm>>) target(%arg7 : memref<10240xi32, #tpu.memory_space<vmem>>) target_semaphore(%run_scoped3A : memref<!tpu.dma_semaphore, #tpu.memory_space<semaphore_mem>>)
      %dma_wait3A = tpu.memref_slice %arg3[%mul3A_11] : memref<327680xi32, #tpu.memory_space<hbm>> -> memref<10240xi32, #tpu.memory_space<hbm>>
      %dma_wait3A_20 = tpu.memref_slice %arg3[%mul3A_11] : memref<327680xi32, #tpu.memory_space<hbm>> -> memref<10240xi32, #tpu.memory_space<hbm>>
      tpu.wait_dma2 semaphore(%run_scoped3A : memref<!tpu.dma_semaphore, #tpu.memory_space<semaphore_mem>>) src(%dma_wait3A_20 : memref<10240xi32, #tpu.memory_space<hbm>>) dst(%arg7 : memref<10240xi32, #tpu.memory_space<vmem>>)
      tpu.yield
    }) : () -> ()
    %scan3A_12 = arith.constant 0 : i32
    %scan3A_13 = arith.constant 0 : i32
    %scan3A_14 = arith.constant 640 : i32
    %scan3A_15 = arith.addi %scan3A_13, %scan3A_14 : i32
    %scan3A_16 = arith.constant 1 : i32
    %scan3A_17 = scf.for %scan3A_19 = %scan3A_13 to %scan3A_15 step %scan3A_16 iter_args(%scan3A_20 = %scan3A_12) -> (i32)  : i32 {
      %mul3A_21 = arith.constant 16 : i32
      %mul3A_22 = arith.muli %scan3A_19, %mul3A_21 : i32
      %get3A = arith.index_cast %mul3A_22 : i32 to index
      %get3A_23 = tpu.vector_load %arg6[%get3A] {strides = array<i32>} : memref<10240xi32, #tpu.memory_space<vmem>>, vector<16xi32>,
      %mul3A_24 = arith.constant 16 : i32
      %mul3A_25 = arith.muli %scan3A_19, %mul3A_24 : i32
      %get3A_26 = arith.index_cast %mul3A_25 : i32 to index
      %get3A_27 = tpu.vector_load %arg7[%get3A_26] {strides = array<i32>} : memref<10240xi32, #tpu.memory_space<vmem>>, vector<16xi32>,
      tpu.vector_store_idx %arg8[%get3A_23], %broadcast_in_dim3A_3 {add = true} : memref<10240xf32, #tpu.memory_space<vmem>>[vector<16xi32>], vector<16xf32>,
      tpu.vector_store_idx %arg9[%get3A_27], %broadcast_in_dim3A_3 {add = true} : memref<10240xf32, #tpu.memory_space<vmem>>[vector<16xi32>], vector<16xf32>,
      %scan3A_28 = arith.constant 0 : i32
      scf.yield %scan3A_28 : i32
    }
    %scan3A_18 = arith.constant 640 : i32
    "tpu.region"() ({
      %run_scoped3A = tpu.sem_alloc : memref<!tpu.dma_semaphore, #tpu.memory_space<semaphore_mem>>
      %dma_start3A = arith.constant 0 : i32
      %dma_start3A_19 = tpu.memref_slice %arg4[%add3A, %dma_start3A] : memref<32x10240xf32, #tpu.memory_space<hbm>> -> memref<1x10240xf32, #tpu.memory_space<hbm>>
      %dma_start3A_20 = tpu.memref_squeeze %dma_start3A_19 : memref<1x10240xf32, #tpu.memory_space<hbm>> -> memref<10240xf32, #tpu.memory_space<hbm>>
      %dma_start3A_21 = arith.constant 0 : i32
      %dma_start3A_22 = tpu.memref_slice %arg4[%add3A, %dma_start3A_21] : memref<32x10240xf32, #tpu.memory_space<hbm>> -> memref<1x10240xf32, #tpu.memory_space<hbm>>
      %dma_start3A_23 = tpu.memref_squeeze %dma_start3A_22 : memref<1x10240xf32, #tpu.memory_space<hbm>> -> memref<10240xf32, #tpu.memory_space<hbm>>
      tpu.enqueue_dma source(%arg8 : memref<10240xf32, #tpu.memory_space<vmem>>) target(%dma_start3A_23 : memref<10240xf32, #tpu.memory_space<hbm>>) target_semaphore(%run_scoped3A : memref<!tpu.dma_semaphore, #tpu.memory_space<semaphore_mem>>)
      %dma_wait3A = arith.constant 0 : i32
      %dma_wait3A_24 = tpu.memref_slice %arg4[%add3A, %dma_wait3A] : memref<32x10240xf32, #tpu.memory_space<hbm>> -> memref<1x10240xf32, #tpu.memory_space<hbm>>
      %dma_wait3A_25 = tpu.memref_squeeze %dma_wait3A_24 : memref<1x10240xf32, #tpu.memory_space<hbm>> -> memref<10240xf32, #tpu.memory_space<hbm>>
      %dma_wait3A_26 = arith.constant 0 : i32
      %dma_wait3A_27 = tpu.memref_slice %arg4[%add3A, %dma_wait3A_26] : memref<32x10240xf32, #tpu.memory_space<hbm>> -> memref<1x10240xf32, #tpu.memory_space<hbm>>
      %dma_wait3A_28 = tpu.memref_squeeze %dma_wait3A_27 : memref<1x10240xf32, #tpu.memory_space<hbm>> -> memref<10240xf32, #tpu.memory_space<hbm>>
      tpu.wait_dma2 semaphore(%run_scoped3A : memref<!tpu.dma_semaphore, #tpu.memory_space<semaphore_mem>>) src(%arg8 : memref<10240xf32, #tpu.memory_space<vmem>>) dst(%dma_wait3A_28 : memref<10240xf32, #tpu.memory_space<hbm>>)
      tpu.yield
    }) : () -> ()
    "tpu.region"() ({
      %run_scoped3A = tpu.sem_alloc : memref<!tpu.dma_semaphore, #tpu.memory_space<semaphore_mem>>
      %dma_start3A = arith.constant 0 : i32
      %dma_start3A_19 = tpu.memref_slice %arg5[%add3A, %dma_start3A] : memref<32x10240xf32, #tpu.memory_space<hbm>> -> memref<1x10240xf32, #tpu.memory_space<hbm>>
      %dma_start3A_20 = tpu.memref_squeeze %dma_start3A_19 : memref<1x10240xf32, #tpu.memory_space<hbm>> -> memref<10240xf32, #tpu.memory_space<hbm>>
      %dma_start3A_21 = arith.constant 0 : i32
      %dma_start3A_22 = tpu.memref_slice %arg5[%add3A, %dma_start3A_21] : memref<32x10240xf32, #tpu.memory_space<hbm>> -> memref<1x10240xf32, #tpu.memory_space<hbm>>
      %dma_start3A_23 = tpu.memref_squeeze %dma_start3A_22 : memref<1x10240xf32, #tpu.memory_space<hbm>> -> memref<10240xf32, #tpu.memory_space<hbm>>
      tpu.enqueue_dma source(%arg9 : memref<10240xf32, #tpu.memory_space<vmem>>) target(%dma_start3A_23 : memref<10240xf32, #tpu.memory_space<hbm>>) target_semaphore(%run_scoped3A : memref<!tpu.dma_semaphore, #tpu.memory_space<semaphore_mem>>)
      %dma_wait3A = arith.constant 0 : i32
      %dma_wait3A_24 = tpu.memref_slice %arg5[%add3A, %dma_wait3A] : memref<32x10240xf32, #tpu.memory_space<hbm>> -> memref<1x10240xf32, #tpu.memory_space<hbm>>
      %dma_wait3A_25 = tpu.memref_squeeze %dma_wait3A_24 : memref<1x10240xf32, #tpu.memory_space<hbm>> -> memref<10240xf32, #tpu.memory_space<hbm>>
      %dma_wait3A_26 = arith.constant 0 : i32
      %dma_wait3A_27 = tpu.memref_slice %arg5[%add3A, %dma_wait3A_26] : memref<32x10240xf32, #tpu.memory_space<hbm>> -> memref<1x10240xf32, #tpu.memory_space<hbm>>
      %dma_wait3A_28 = tpu.memref_squeeze %dma_wait3A_27 : memref<1x10240xf32, #tpu.memory_space<hbm>> -> memref<10240xf32, #tpu.memory_space<hbm>>
      tpu.wait_dma2 semaphore(%run_scoped3A : memref<!tpu.dma_semaphore, #tpu.memory_space<semaphore_mem>>) src(%arg9 : memref<10240xf32, #tpu.memory_space<vmem>>) dst(%dma_wait3A_28 : memref<10240xf32, #tpu.memory_space<hbm>>)
      tpu.yield
    }) : () -> ()
    return
  }
}

#map = affine_map<(d0, d1) -> (0, 0)>
#map1 = affine_map<(d0, d1) -> (0)>
#map2 = affine_map<(d0, d1) -> (0, 0, 0)>
module attributes {stable_mosaic.version = 14 : i64} {
  func.func @_sc_gs(%arg0: i32, %arg1: i32, %arg2: memref<10000x128xf32, #tpu.memory_space<hbm>>, %arg3: memref<327680xi32, #tpu.memory_space<hbm>>, %arg4: memref<327680xi32, #tpu.memory_space<hbm>>, %arg5: memref<2x10240x128xf32, #tpu.memory_space<hbm>>, %arg6: memref<128xi32, #tpu.memory_space<vmem>>, %arg7: memref<128xi32, #tpu.memory_space<vmem>>, %arg8: memref<128xi32, #tpu.memory_space<vmem>>, %arg9: memref<128xi32, #tpu.memory_space<vmem>>, %arg10: memref<128x128xf32, #tpu.memory_space<vmem>>, %arg11: memref<128x128xf32, #tpu.memory_space<vmem>>, %arg12: memref<!tpu.dma_semaphore, #tpu.memory_space<semaphore_mem>>, %arg13: memref<!tpu.dma_semaphore, #tpu.memory_space<semaphore_mem>>, %arg14: memref<!tpu.dma_semaphore, #tpu.memory_space<semaphore_mem>>, %arg15: memref<!tpu.dma_semaphore, #tpu.memory_space<semaphore_mem>>, %arg16: memref<!tpu.dma_semaphore, #tpu.memory_space<semaphore_mem>>, %arg17: memref<!tpu.dma_semaphore, #tpu.memory_space<semaphore_mem>>, %arg18: memref<10240x128xf32, #tpu.memory_space<vmem_shared>>) attributes {dimension_semantics = [#tpu.dimension_semantics<core_parallel>, #tpu.dimension_semantics<subcore_parallel>], iteration_bounds = array<i64: 2, 16>, scalar_prefetch = 0 : i64, scratch_operands = 13 : i64, tpu.core_type = #tpu.core_type<sc_vector_subcore>, window_params = [{transform_indices = #map}, {transform_indices = #map1}, {transform_indices = #map1}, {transform_indices = #map2}]} {
    %mul3A = arith.constant 16 : i32
    %mul3A_0 = arith.muli %arg0, %mul3A : i32
    %add3A = arith.addi %mul3A_0, %arg1 : i32
    %broadcast_in_dim3A = arith.constant 0.000000e+00 : f32
    %broadcast_in_dim3A_1 = vector.broadcast %broadcast_in_dim3A : f32 to vector<16xf32>
    %mul3A_2 = arith.constant 80 : i32
    %mul3A_3 = arith.muli %add3A, %mul3A_2 : i32
    %mul3A_4 = arith.constant 128 : i32
    %mul3A_5 = arith.muli %mul3A_3, %mul3A_4 : i32
    %scan3A = arith.constant 0 : i32
    %scan3A_6 = arith.constant 0 : i32
    %scan3A_7 = arith.constant 128 : i32
    %scan3A_8 = arith.addi %scan3A_6, %scan3A_7 : i32
    %scan3A_9 = arith.constant 1 : i32
    %scan3A_10 = scf.for %scan3A_209 = %scan3A_6 to %scan3A_8 step %scan3A_9 iter_args(%scan3A_210 = %scan3A) -> (i32)  : i32 {
      %swap3A = arith.index_cast %scan3A_209 : i32 to index
      %swap3A_211 = arith.constant 0 : index
      %swap3A_212 = tpu.vector_load %arg10[%swap3A, %swap3A_211] {strides = array<i32>} : memref<128x128xf32, #tpu.memory_space<vmem>>, vector<1x16xf32>,
      %swap3A_213 = vector.shape_cast %swap3A_212 : vector<1x16xf32> to vector<16xf32>
      %swap3A_214 = vector.shape_cast %broadcast_in_dim3A_1 : vector<16xf32> to vector<1x16xf32>
      tpu.vector_store %arg10[%swap3A, %swap3A_211], %swap3A_214 {strides = array<i32>} : memref<128x128xf32, #tpu.memory_space<vmem>>, vector<1x16xf32>,
      %swap3A_215 = arith.index_cast %scan3A_209 : i32 to index
      %swap3A_216 = arith.constant 16 : index
      %swap3A_217 = tpu.vector_load %arg10[%swap3A_215, %swap3A_216] {strides = array<i32>} : memref<128x128xf32, #tpu.memory_space<vmem>>, vector<1x16xf32>,
      %swap3A_218 = vector.shape_cast %swap3A_217 : vector<1x16xf32> to vector<16xf32>
      %swap3A_219 = vector.shape_cast %broadcast_in_dim3A_1 : vector<16xf32> to vector<1x16xf32>
      tpu.vector_store %arg10[%swap3A_215, %swap3A_216], %swap3A_219 {strides = array<i32>} : memref<128x128xf32, #tpu.memory_space<vmem>>, vector<1x16xf32>,
      %swap3A_220 = arith.index_cast %scan3A_209 : i32 to index
      %swap3A_221 = arith.constant 32 : index
      %swap3A_222 = tpu.vector_load %arg10[%swap3A_220, %swap3A_221] {strides = array<i32>} : memref<128x128xf32, #tpu.memory_space<vmem>>, vector<1x16xf32>,
      %swap3A_223 = vector.shape_cast %swap3A_222 : vector<1x16xf32> to vector<16xf32>
      %swap3A_224 = vector.shape_cast %broadcast_in_dim3A_1 : vector<16xf32> to vector<1x16xf32>
      tpu.vector_store %arg10[%swap3A_220, %swap3A_221], %swap3A_224 {strides = array<i32>} : memref<128x128xf32, #tpu.memory_space<vmem>>, vector<1x16xf32>,
      %swap3A_225 = arith.index_cast %scan3A_209 : i32 to index
      %swap3A_226 = arith.constant 48 : index
      %swap3A_227 = tpu.vector_load %arg10[%swap3A_225, %swap3A_226] {strides = array<i32>} : memref<128x128xf32, #tpu.memory_space<vmem>>, vector<1x16xf32>,
      %swap3A_228 = vector.shape_cast %swap3A_227 : vector<1x16xf32> to vector<16xf32>
      %swap3A_229 = vector.shape_cast %broadcast_in_dim3A_1 : vector<16xf32> to vector<1x16xf32>
      tpu.vector_store %arg10[%swap3A_225, %swap3A_226], %swap3A_229 {strides = array<i32>} : memref<128x128xf32, #tpu.memory_space<vmem>>, vector<1x16xf32>,
      %swap3A_230 = arith.index_cast %scan3A_209 : i32 to index
      %swap3A_231 = arith.constant 64 : index
      %swap3A_232 = tpu.vector_load %arg10[%swap3A_230, %swap3A_231] {strides = array<i32>} : memref<128x128xf32, #tpu.memory_space<vmem>>, vector<1x16xf32>,
      %swap3A_233 = vector.shape_cast %swap3A_232 : vector<1x16xf32> to vector<16xf32>
      %swap3A_234 = vector.shape_cast %broadcast_in_dim3A_1 : vector<16xf32> to vector<1x16xf32>
      tpu.vector_store %arg10[%swap3A_230, %swap3A_231], %swap3A_234 {strides = array<i32>} : memref<128x128xf32, #tpu.memory_space<vmem>>, vector<1x16xf32>,
      %swap3A_235 = arith.index_cast %scan3A_209 : i32 to index
      %swap3A_236 = arith.constant 80 : index
      %swap3A_237 = tpu.vector_load %arg10[%swap3A_235, %swap3A_236] {strides = array<i32>} : memref<128x128xf32, #tpu.memory_space<vmem>>, vector<1x16xf32>,
      %swap3A_238 = vector.shape_cast %swap3A_237 : vector<1x16xf32> to vector<16xf32>
      %swap3A_239 = vector.shape_cast %broadcast_in_dim3A_1 : vector<16xf32> to vector<1x16xf32>
      tpu.vector_store %arg10[%swap3A_235, %swap3A_236], %swap3A_239 {strides = array<i32>} : memref<128x128xf32, #tpu.memory_space<vmem>>, vector<1x16xf32>,
      %swap3A_240 = arith.index_cast %scan3A_209 : i32 to index
      %swap3A_241 = arith.constant 96 : index
      %swap3A_242 = tpu.vector_load %arg10[%swap3A_240, %swap3A_241] {strides = array<i32>} : memref<128x128xf32, #tpu.memory_space<vmem>>, vector<1x16xf32>,
      %swap3A_243 = vector.shape_cast %swap3A_242 : vector<1x16xf32> to vector<16xf32>
      %swap3A_244 = vector.shape_cast %broadcast_in_dim3A_1 : vector<16xf32> to vector<1x16xf32>
      tpu.vector_store %arg10[%swap3A_240, %swap3A_241], %swap3A_244 {strides = array<i32>} : memref<128x128xf32, #tpu.memory_space<vmem>>, vector<1x16xf32>,
      %swap3A_245 = arith.index_cast %scan3A_209 : i32 to index
      %swap3A_246 = arith.constant 112 : index
      %swap3A_247 = tpu.vector_load %arg10[%swap3A_245, %swap3A_246] {strides = array<i32>} : memref<128x128xf32, #tpu.memory_space<vmem>>, vector<1x16xf32>,
      %swap3A_248 = vector.shape_cast %swap3A_247 : vector<1x16xf32> to vector<16xf32>
      %swap3A_249 = vector.shape_cast %broadcast_in_dim3A_1 : vector<16xf32> to vector<1x16xf32>
      tpu.vector_store %arg10[%swap3A_245, %swap3A_246], %swap3A_249 {strides = array<i32>} : memref<128x128xf32, #tpu.memory_space<vmem>>, vector<1x16xf32>,
      %scan3A_250 = arith.constant 0 : i32
      scf.yield %scan3A_250 : i32
    }
    %scan3A_11 = arith.constant 128 : i32
    %mul3A_12 = arith.constant 640 : i32
    %mul3A_13 = arith.muli %arg1, %mul3A_12 : i32
    %add3A_14 = arith.constant 0 : i32
    %add3A_15 = arith.addi %mul3A_13, %add3A_14 : i32
    %dma_start3A = arith.constant 0 : i32
    %dma_start3A_16 = tpu.memref_slice %arg18[%add3A_15, %dma_start3A] : memref<10240x128xf32, #tpu.memory_space<vmem_shared>> -> memref<128x128xf32, #tpu.memory_space<vmem_shared>>
    %dma_start3A_17 = arith.constant 0 : i32
    %dma_start3A_18 = tpu.memref_slice %arg18[%add3A_15, %dma_start3A_17] : memref<10240x128xf32, #tpu.memory_space<vmem_shared>> -> memref<128x128xf32, #tpu.memory_space<vmem_shared>>
    tpu.enqueue_dma source(%arg10 : memref<128x128xf32, #tpu.memory_space<vmem>>) target(%dma_start3A_18 : memref<128x128xf32, #tpu.memory_space<vmem_shared>>) target_semaphore(%arg16 : memref<!tpu.dma_semaphore, #tpu.memory_space<semaphore_mem>>)
    %mul3A_19 = arith.constant 640 : i32
    %mul3A_20 = arith.muli %arg1, %mul3A_19 : i32
    %add3A_21 = arith.constant 128 : i32
    %add3A_22 = arith.addi %mul3A_20, %add3A_21 : i32
    %dma_start3A_23 = arith.constant 0 : i32
    %dma_start3A_24 = tpu.memref_slice %arg18[%add3A_22, %dma_start3A_23] : memref<10240x128xf32, #tpu.memory_space<vmem_shared>> -> memref<128x128xf32, #tpu.memory_space<vmem_shared>>
    %dma_start3A_25 = arith.constant 0 : i32
    %dma_start3A_26 = tpu.memref_slice %arg18[%add3A_22, %dma_start3A_25] : memref<10240x128xf32, #tpu.memory_space<vmem_shared>> -> memref<128x128xf32, #tpu.memory_space<vmem_shared>>
    tpu.enqueue_dma source(%arg10 : memref<128x128xf32, #tpu.memory_space<vmem>>) target(%dma_start3A_26 : memref<128x128xf32, #tpu.memory_space<vmem_shared>>) target_semaphore(%arg16 : memref<!tpu.dma_semaphore, #tpu.memory_space<semaphore_mem>>)
    %mul3A_27 = arith.constant 640 : i32
    %mul3A_28 = arith.muli %arg1, %mul3A_27 : i32
    %add3A_29 = arith.constant 256 : i32
    %add3A_30 = arith.addi %mul3A_28, %add3A_29 : i32
    %dma_start3A_31 = arith.constant 0 : i32
    %dma_start3A_32 = tpu.memref_slice %arg18[%add3A_30, %dma_start3A_31] : memref<10240x128xf32, #tpu.memory_space<vmem_shared>> -> memref<128x128xf32, #tpu.memory_space<vmem_shared>>
    %dma_start3A_33 = arith.constant 0 : i32
    %dma_start3A_34 = tpu.memref_slice %arg18[%add3A_30, %dma_start3A_33] : memref<10240x128xf32, #tpu.memory_space<vmem_shared>> -> memref<128x128xf32, #tpu.memory_space<vmem_shared>>
    tpu.enqueue_dma source(%arg10 : memref<128x128xf32, #tpu.memory_space<vmem>>) target(%dma_start3A_34 : memref<128x128xf32, #tpu.memory_space<vmem_shared>>) target_semaphore(%arg16 : memref<!tpu.dma_semaphore, #tpu.memory_space<semaphore_mem>>)
    %mul3A_35 = arith.constant 640 : i32
    %mul3A_36 = arith.muli %arg1, %mul3A_35 : i32
    %add3A_37 = arith.constant 384 : i32
    %add3A_38 = arith.addi %mul3A_36, %add3A_37 : i32
    %dma_start3A_39 = arith.constant 0 : i32
    %dma_start3A_40 = tpu.memref_slice %arg18[%add3A_38, %dma_start3A_39] : memref<10240x128xf32, #tpu.memory_space<vmem_shared>> -> memref<128x128xf32, #tpu.memory_space<vmem_shared>>
    %dma_start3A_41 = arith.constant 0 : i32
    %dma_start3A_42 = tpu.memref_slice %arg18[%add3A_38, %dma_start3A_41] : memref<10240x128xf32, #tpu.memory_space<vmem_shared>> -> memref<128x128xf32, #tpu.memory_space<vmem_shared>>
    tpu.enqueue_dma source(%arg10 : memref<128x128xf32, #tpu.memory_space<vmem>>) target(%dma_start3A_42 : memref<128x128xf32, #tpu.memory_space<vmem_shared>>) target_semaphore(%arg16 : memref<!tpu.dma_semaphore, #tpu.memory_space<semaphore_mem>>)
    %mul3A_43 = arith.constant 640 : i32
    %mul3A_44 = arith.muli %arg1, %mul3A_43 : i32
    %add3A_45 = arith.constant 512 : i32
    %add3A_46 = arith.addi %mul3A_44, %add3A_45 : i32
    %dma_start3A_47 = arith.constant 0 : i32
    %dma_start3A_48 = tpu.memref_slice %arg18[%add3A_46, %dma_start3A_47] : memref<10240x128xf32, #tpu.memory_space<vmem_shared>> -> memref<128x128xf32, #tpu.memory_space<vmem_shared>>
    %dma_start3A_49 = arith.constant 0 : i32
    %dma_start3A_50 = tpu.memref_slice %arg18[%add3A_46, %dma_start3A_49] : memref<10240x128xf32, #tpu.memory_space<vmem_shared>> -> memref<128x128xf32, #tpu.memory_space<vmem_shared>>
    tpu.enqueue_dma source(%arg10 : memref<128x128xf32, #tpu.memory_space<vmem>>) target(%dma_start3A_50 : memref<128x128xf32, #tpu.memory_space<vmem_shared>>) target_semaphore(%arg16 : memref<!tpu.dma_semaphore, #tpu.memory_space<semaphore_mem>>)
    %mul3A_51 = arith.constant 640 : i32
    %mul3A_52 = arith.muli %arg1, %mul3A_51 : i32
    %add3A_53 = arith.constant 0 : i32
    %add3A_54 = arith.addi %mul3A_52, %add3A_53 : i32
    %dma_wait3A = arith.constant 0 : i32
    %dma_wait3A_55 = tpu.memref_slice %arg18[%add3A_54, %dma_wait3A] : memref<10240x128xf32, #tpu.memory_space<vmem_shared>> -> memref<128x128xf32, #tpu.memory_space<vmem_shared>>
    %dma_wait3A_56 = arith.constant 0 : i32
    %dma_wait3A_57 = tpu.memref_slice %arg18[%add3A_54, %dma_wait3A_56] : memref<10240x128xf32, #tpu.memory_space<vmem_shared>> -> memref<128x128xf32, #tpu.memory_space<vmem_shared>>
    tpu.wait_dma2 semaphore(%arg16 : memref<!tpu.dma_semaphore, #tpu.memory_space<semaphore_mem>>) src(%arg10 : memref<128x128xf32, #tpu.memory_space<vmem>>) dst(%dma_wait3A_57 : memref<128x128xf32, #tpu.memory_space<vmem_shared>>)
    %mul3A_58 = arith.constant 640 : i32
    %mul3A_59 = arith.muli %arg1, %mul3A_58 : i32
    %add3A_60 = arith.constant 128 : i32
    %add3A_61 = arith.addi %mul3A_59, %add3A_60 : i32
    %dma_wait3A_62 = arith.constant 0 : i32
    %dma_wait3A_63 = tpu.memref_slice %arg18[%add3A_61, %dma_wait3A_62] : memref<10240x128xf32, #tpu.memory_space<vmem_shared>> -> memref<128x128xf32, #tpu.memory_space<vmem_shared>>
    %dma_wait3A_64 = arith.constant 0 : i32
    %dma_wait3A_65 = tpu.memref_slice %arg18[%add3A_61, %dma_wait3A_64] : memref<10240x128xf32, #tpu.memory_space<vmem_shared>> -> memref<128x128xf32, #tpu.memory_space<vmem_shared>>
    tpu.wait_dma2 semaphore(%arg16 : memref<!tpu.dma_semaphore, #tpu.memory_space<semaphore_mem>>) src(%arg10 : memref<128x128xf32, #tpu.memory_space<vmem>>) dst(%dma_wait3A_65 : memref<128x128xf32, #tpu.memory_space<vmem_shared>>)
    %mul3A_66 = arith.constant 640 : i32
    %mul3A_67 = arith.muli %arg1, %mul3A_66 : i32
    %add3A_68 = arith.constant 256 : i32
    %add3A_69 = arith.addi %mul3A_67, %add3A_68 : i32
    %dma_wait3A_70 = arith.constant 0 : i32
    %dma_wait3A_71 = tpu.memref_slice %arg18[%add3A_69, %dma_wait3A_70] : memref<10240x128xf32, #tpu.memory_space<vmem_shared>> -> memref<128x128xf32, #tpu.memory_space<vmem_shared>>
    %dma_wait3A_72 = arith.constant 0 : i32
    %dma_wait3A_73 = tpu.memref_slice %arg18[%add3A_69, %dma_wait3A_72] : memref<10240x128xf32, #tpu.memory_space<vmem_shared>> -> memref<128x128xf32, #tpu.memory_space<vmem_shared>>
    tpu.wait_dma2 semaphore(%arg16 : memref<!tpu.dma_semaphore, #tpu.memory_space<semaphore_mem>>) src(%arg10 : memref<128x128xf32, #tpu.memory_space<vmem>>) dst(%dma_wait3A_73 : memref<128x128xf32, #tpu.memory_space<vmem_shared>>)
    %mul3A_74 = arith.constant 640 : i32
    %mul3A_75 = arith.muli %arg1, %mul3A_74 : i32
    %add3A_76 = arith.constant 384 : i32
    %add3A_77 = arith.addi %mul3A_75, %add3A_76 : i32
    %dma_wait3A_78 = arith.constant 0 : i32
    %dma_wait3A_79 = tpu.memref_slice %arg18[%add3A_77, %dma_wait3A_78] : memref<10240x128xf32, #tpu.memory_space<vmem_shared>> -> memref<128x128xf32, #tpu.memory_space<vmem_shared>>
    %dma_wait3A_80 = arith.constant 0 : i32
    %dma_wait3A_81 = tpu.memref_slice %arg18[%add3A_77, %dma_wait3A_80] : memref<10240x128xf32, #tpu.memory_space<vmem_shared>> -> memref<128x128xf32, #tpu.memory_space<vmem_shared>>
    tpu.wait_dma2 semaphore(%arg16 : memref<!tpu.dma_semaphore, #tpu.memory_space<semaphore_mem>>) src(%arg10 : memref<128x128xf32, #tpu.memory_space<vmem>>) dst(%dma_wait3A_81 : memref<128x128xf32, #tpu.memory_space<vmem_shared>>)
    %mul3A_82 = arith.constant 640 : i32
    %mul3A_83 = arith.muli %arg1, %mul3A_82 : i32
    %add3A_84 = arith.constant 512 : i32
    %add3A_85 = arith.addi %mul3A_83, %add3A_84 : i32
    %dma_wait3A_86 = arith.constant 0 : i32
    %dma_wait3A_87 = tpu.memref_slice %arg18[%add3A_85, %dma_wait3A_86] : memref<10240x128xf32, #tpu.memory_space<vmem_shared>> -> memref<128x128xf32, #tpu.memory_space<vmem_shared>>
    %dma_wait3A_88 = arith.constant 0 : i32
    %dma_wait3A_89 = tpu.memref_slice %arg18[%add3A_85, %dma_wait3A_88] : memref<10240x128xf32, #tpu.memory_space<vmem_shared>> -> memref<128x128xf32, #tpu.memory_space<vmem_shared>>
    tpu.wait_dma2 semaphore(%arg16 : memref<!tpu.dma_semaphore, #tpu.memory_space<semaphore_mem>>) src(%arg10 : memref<128x128xf32, #tpu.memory_space<vmem>>) dst(%dma_wait3A_89 : memref<128x128xf32, #tpu.memory_space<vmem_shared>>)
    %barrier3A = arith.constant 0 : index
    tpu.barrier barrier_id(%barrier3A)
    %add3A_90 = arith.constant 0 : i32
    %add3A_91 = arith.addi %mul3A_5, %add3A_90 : i32
    %dma_start3A_92 = tpu.memref_slice %arg3[%add3A_91] : memref<327680xi32, #tpu.memory_space<hbm>> -> memref<128xi32, #tpu.memory_space<hbm>>
    %dma_start3A_93 = tpu.memref_slice %arg3[%add3A_91] : memref<327680xi32, #tpu.memory_space<hbm>> -> memref<128xi32, #tpu.memory_space<hbm>>
    tpu.enqueue_dma source(%dma_start3A_93 : memref<128xi32, #tpu.memory_space<hbm>>) target(%arg6 : memref<128xi32, #tpu.memory_space<vmem>>) target_semaphore(%arg12 : memref<!tpu.dma_semaphore, #tpu.memory_space<semaphore_mem>>)
    %dma_start3A_94 = tpu.memref_slice %arg4[%add3A_91] : memref<327680xi32, #tpu.memory_space<hbm>> -> memref<128xi32, #tpu.memory_space<hbm>>
    %dma_start3A_95 = tpu.memref_slice %arg4[%add3A_91] : memref<327680xi32, #tpu.memory_space<hbm>> -> memref<128xi32, #tpu.memory_space<hbm>>
    tpu.enqueue_dma source(%dma_start3A_95 : memref<128xi32, #tpu.memory_space<hbm>>) target(%arg8 : memref<128xi32, #tpu.memory_space<vmem>>) target_semaphore(%arg14 : memref<!tpu.dma_semaphore, #tpu.memory_space<semaphore_mem>>)
    %add3A_96 = arith.constant 128 : i32
    %add3A_97 = arith.addi %mul3A_5, %add3A_96 : i32
    %dma_start3A_98 = tpu.memref_slice %arg3[%add3A_97] : memref<327680xi32, #tpu.memory_space<hbm>> -> memref<128xi32, #tpu.memory_space<hbm>>
    %dma_start3A_99 = tpu.memref_slice %arg3[%add3A_97] : memref<327680xi32, #tpu.memory_space<hbm>> -> memref<128xi32, #tpu.memory_space<hbm>>
    tpu.enqueue_dma source(%dma_start3A_99 : memref<128xi32, #tpu.memory_space<hbm>>) target(%arg7 : memref<128xi32, #tpu.memory_space<vmem>>) target_semaphore(%arg13 : memref<!tpu.dma_semaphore, #tpu.memory_space<semaphore_mem>>)
    %dma_start3A_100 = tpu.memref_slice %arg4[%add3A_97] : memref<327680xi32, #tpu.memory_space<hbm>> -> memref<128xi32, #tpu.memory_space<hbm>>
    %dma_start3A_101 = tpu.memref_slice %arg4[%add3A_97] : memref<327680xi32, #tpu.memory_space<hbm>> -> memref<128xi32, #tpu.memory_space<hbm>>
    tpu.enqueue_dma source(%dma_start3A_101 : memref<128xi32, #tpu.memory_space<hbm>>) target(%arg9 : memref<128xi32, #tpu.memory_space<vmem>>) target_semaphore(%arg15 : memref<!tpu.dma_semaphore, #tpu.memory_space<semaphore_mem>>)
    %add3A_102 = arith.constant 0 : i32
    %add3A_103 = arith.addi %mul3A_5, %add3A_102 : i32
    %dma_wait3A_104 = tpu.memref_slice %arg3[%add3A_103] : memref<327680xi32, #tpu.memory_space<hbm>> -> memref<128xi32, #tpu.memory_space<hbm>>
    %dma_wait3A_105 = tpu.memref_slice %arg3[%add3A_103] : memref<327680xi32, #tpu.memory_space<hbm>> -> memref<128xi32, #tpu.memory_space<hbm>>
    tpu.wait_dma2 semaphore(%arg12 : memref<!tpu.dma_semaphore, #tpu.memory_space<semaphore_mem>>) src(%dma_wait3A_105 : memref<128xi32, #tpu.memory_space<hbm>>) dst(%arg6 : memref<128xi32, #tpu.memory_space<vmem>>)
    %dma_wait3A_106 = tpu.memref_slice %arg4[%add3A_103] : memref<327680xi32, #tpu.memory_space<hbm>> -> memref<128xi32, #tpu.memory_space<hbm>>
    %dma_wait3A_107 = tpu.memref_slice %arg4[%add3A_103] : memref<327680xi32, #tpu.memory_space<hbm>> -> memref<128xi32, #tpu.memory_space<hbm>>
    tpu.wait_dma2 semaphore(%arg14 : memref<!tpu.dma_semaphore, #tpu.memory_space<semaphore_mem>>) src(%dma_wait3A_107 : memref<128xi32, #tpu.memory_space<hbm>>) dst(%arg8 : memref<128xi32, #tpu.memory_space<vmem>>)
    %dma_start3A_108 = arith.constant 0 : i32
    %dma_start3A_109 = arith.constant 0 : i32
    %dma_start3A_110 = tpu.memref_slice %arg2[%dma_start3A_108, %dma_start3A_109] : memref<10000x128xf32, #tpu.memory_space<hbm>> -> memref<10000x128xf32, #tpu.memory_space<hbm>>
    tpu.enqueue_indirect_dma source(%dma_start3A_110 : memref<10000x128xf32, #tpu.memory_space<hbm>>) target(%arg10 : memref<128x128xf32, #tpu.memory_space<vmem>>) offsets(%arg6 : memref<128xi32, #tpu.memory_space<vmem>>) semaphore(%arg16 : memref<!tpu.dma_semaphore, #tpu.memory_space<semaphore_mem>>)
    %scan3A_111 = arith.constant 0 : i32
    %scan3A_112 = arith.constant 0 : i32
    %scan3A_113 = arith.constant 40 : i32
    %scan3A_114 = arith.addi %scan3A_112, %scan3A_113 : i32
    %scan3A_115 = arith.constant 1 : i32
    %scan3A_116 = scf.for %scan3A_209 = %scan3A_112 to %scan3A_114 step %scan3A_115 iter_args(%scan3A_210 = %scan3A_111) -> (i32)  : i32 {
      %mul3A_211 = arith.constant 2 : i32
      %mul3A_212 = arith.muli %scan3A_209, %mul3A_211 : i32
      %add3A_213 = arith.constant 1 : i32
      %add3A_214 = arith.addi %mul3A_212, %add3A_213 : i32
      %mul3A_215 = arith.constant 128 : i32
      %mul3A_216 = arith.muli %add3A_214, %mul3A_215 : i32
      %add3A_217 = arith.addi %mul3A_5, %mul3A_216 : i32
      %dma_wait3A_218 = tpu.memref_slice %arg3[%add3A_217] : memref<327680xi32, #tpu.memory_space<hbm>> -> memref<128xi32, #tpu.memory_space<hbm>>
      %dma_wait3A_219 = tpu.memref_slice %arg3[%add3A_217] : memref<327680xi32, #tpu.memory_space<hbm>> -> memref<128xi32, #tpu.memory_space<hbm>>
      tpu.wait_dma2 semaphore(%arg13 : memref<!tpu.dma_semaphore, #tpu.memory_space<semaphore_mem>>) src(%dma_wait3A_219 : memref<128xi32, #tpu.memory_space<hbm>>) dst(%arg7 : memref<128xi32, #tpu.memory_space<vmem>>)
      %dma_wait3A_220 = tpu.memref_slice %arg4[%add3A_217] : memref<327680xi32, #tpu.memory_space<hbm>> -> memref<128xi32, #tpu.memory_space<hbm>>
      %dma_wait3A_221 = tpu.memref_slice %arg4[%add3A_217] : memref<327680xi32, #tpu.memory_space<hbm>> -> memref<128xi32, #tpu.memory_space<hbm>>
      tpu.wait_dma2 semaphore(%arg15 : memref<!tpu.dma_semaphore, #tpu.memory_space<semaphore_mem>>) src(%dma_wait3A_221 : memref<128xi32, #tpu.memory_space<hbm>>) dst(%arg9 : memref<128xi32, #tpu.memory_space<vmem>>)
      %dma_start3A_222 = arith.constant 0 : i32
      %dma_start3A_223 = arith.constant 0 : i32
      %dma_start3A_224 = tpu.memref_slice %arg2[%dma_start3A_222, %dma_start3A_223] : memref<10000x128xf32, #tpu.memory_space<hbm>> -> memref<10000x128xf32, #tpu.memory_space<hbm>>
      tpu.enqueue_indirect_dma source(%dma_start3A_224 : memref<10000x128xf32, #tpu.memory_space<hbm>>) target(%arg11 : memref<128x128xf32, #tpu.memory_space<vmem>>) offsets(%arg7 : memref<128xi32, #tpu.memory_space<vmem>>) semaphore(%arg17 : memref<!tpu.dma_semaphore, #tpu.memory_space<semaphore_mem>>)
      %dma_wait3A_225 = arith.constant 0 : i32
      %dma_wait3A_226 = arith.constant 0 : i32
      %dma_wait3A_227 = tpu.memref_slice %arg2[%dma_wait3A_225, %dma_wait3A_226] : memref<10000x128xf32, #tpu.memory_space<hbm>> -> memref<10000x128xf32, #tpu.memory_space<hbm>>
      tpu.wait_indirect_dma semaphore(%arg16 : memref<!tpu.dma_semaphore, #tpu.memory_space<semaphore_mem>>) src(%dma_wait3A_227 : memref<10000x128xf32, #tpu.memory_space<hbm>>) dst(%arg10 : memref<128x128xf32, #tpu.memory_space<vmem>>)
      "tpu.region"() ({
        %run_scoped3A = tpu.sem_alloc : memref<!tpu.dma_semaphore, #tpu.memory_space<semaphore_mem>>
        %dma_start3A_244 = arith.constant 0 : i32
        %dma_start3A_245 = arith.constant 0 : i32
        %dma_start3A_246 = tpu.memref_slice %arg18[%dma_start3A_244, %dma_start3A_245] : memref<10240x128xf32, #tpu.memory_space<vmem_shared>> -> memref<10240x128xf32, #tpu.memory_space<vmem_shared>>
        tpu.enqueue_indirect_dma source(%arg10 : memref<128x128xf32, #tpu.memory_space<vmem>>) target(%dma_start3A_246 : memref<10240x128xf32, #tpu.memory_space<vmem_shared>>) offsets(%arg8 : memref<128xi32, #tpu.memory_space<vmem>>) semaphore(%run_scoped3A : memref<!tpu.dma_semaphore, #tpu.memory_space<semaphore_mem>>) {add = true}
        %dma_wait3A_247 = arith.constant 0 : i32
        %dma_wait3A_248 = arith.constant 0 : i32
        %dma_wait3A_249 = tpu.memref_slice %arg18[%dma_wait3A_247, %dma_wait3A_248] : memref<10240x128xf32, #tpu.memory_space<vmem_shared>> -> memref<10240x128xf32, #tpu.memory_space<vmem_shared>>
        tpu.wait_indirect_dma semaphore(%run_scoped3A : memref<!tpu.dma_semaphore, #tpu.memory_space<semaphore_mem>>) src(%arg10 : memref<128x128xf32, #tpu.memory_space<vmem>>) dst(%dma_wait3A_249 : memref<10240x128xf32, #tpu.memory_space<vmem_shared>>)
        tpu.yield
      }) : () -> ()
      %lt3A = arith.constant 39 : i32
      %lt3A_228 = arith.cmpi slt, %scan3A_209, %lt3A : i32
      %convert_element_type3A = arith.extui %lt3A_228 : i1 to i32
      %cond3A = arith.constant 0 : i32
      %cond3A_229 = arith.cmpi ne, %convert_element_type3A, %cond3A : i32
      scf.if %cond3A_229 {
        %add3A_244 = arith.constant 2 : i32
        %add3A_245 = arith.addi %mul3A_212, %add3A_244 : i32
        %mul3A_246 = arith.constant 128 : i32
        %mul3A_247 = arith.muli %add3A_245, %mul3A_246 : i32
        %add3A_248 = arith.addi %mul3A_5, %mul3A_247 : i32
        %dma_start3A_249 = tpu.memref_slice %arg3[%add3A_248] : memref<327680xi32, #tpu.memory_space<hbm>> -> memref<128xi32, #tpu.memory_space<hbm>>
        %dma_start3A_250 = tpu.memref_slice %arg3[%add3A_248] : memref<327680xi32, #tpu.memory_space<hbm>> -> memref<128xi32, #tpu.memory_space<hbm>>
        tpu.enqueue_dma source(%dma_start3A_250 : memref<128xi32, #tpu.memory_space<hbm>>) target(%arg6 : memref<128xi32, #tpu.memory_space<vmem>>) target_semaphore(%arg12 : memref<!tpu.dma_semaphore, #tpu.memory_space<semaphore_mem>>)
        %dma_start3A_251 = tpu.memref_slice %arg4[%add3A_248] : memref<327680xi32, #tpu.memory_space<hbm>> -> memref<128xi32, #tpu.memory_space<hbm>>
        %dma_start3A_252 = tpu.memref_slice %arg4[%add3A_248] : memref<327680xi32, #tpu.memory_space<hbm>> -> memref<128xi32, #tpu.memory_space<hbm>>
        tpu.enqueue_dma source(%dma_start3A_252 : memref<128xi32, #tpu.memory_space<hbm>>) target(%arg8 : memref<128xi32, #tpu.memory_space<vmem>>) target_semaphore(%arg14 : memref<!tpu.dma_semaphore, #tpu.memory_space<semaphore_mem>>)
      } else {
      }
      %lt3A_230 = arith.constant 39 : i32
      %lt3A_231 = arith.cmpi slt, %scan3A_209, %lt3A_230 : i32
      %convert_element_type3A_232 = arith.extui %lt3A_231 : i1 to i32
      %cond3A_233 = arith.constant 0 : i32
      %cond3A_234 = arith.cmpi ne, %convert_element_type3A_232, %cond3A_233 : i32
      scf.if %cond3A_234 {
        %add3A_244 = arith.constant 2 : i32
        %add3A_245 = arith.addi %mul3A_212, %add3A_244 : i32
        %mul3A_246 = arith.constant 128 : i32
        %mul3A_247 = arith.muli %add3A_245, %mul3A_246 : i32
        %add3A_248 = arith.addi %mul3A_5, %mul3A_247 : i32
        %dma_wait3A_249 = tpu.memref_slice %arg3[%add3A_248] : memref<327680xi32, #tpu.memory_space<hbm>> -> memref<128xi32, #tpu.memory_space<hbm>>
        %dma_wait3A_250 = tpu.memref_slice %arg3[%add3A_248] : memref<327680xi32, #tpu.memory_space<hbm>> -> memref<128xi32, #tpu.memory_space<hbm>>
        tpu.wait_dma2 semaphore(%arg12 : memref<!tpu.dma_semaphore, #tpu.memory_space<semaphore_mem>>) src(%dma_wait3A_250 : memref<128xi32, #tpu.memory_space<hbm>>) dst(%arg6 : memref<128xi32, #tpu.memory_space<vmem>>)
        %dma_wait3A_251 = tpu.memref_slice %arg4[%add3A_248] : memref<327680xi32, #tpu.memory_space<hbm>> -> memref<128xi32, #tpu.memory_space<hbm>>
        %dma_wait3A_252 = tpu.memref_slice %arg4[%add3A_248] : memref<327680xi32, #tpu.memory_space<hbm>> -> memref<128xi32, #tpu.memory_space<hbm>>
        tpu.wait_dma2 semaphore(%arg14 : memref<!tpu.dma_semaphore, #tpu.memory_space<semaphore_mem>>) src(%dma_wait3A_252 : memref<128xi32, #tpu.memory_space<hbm>>) dst(%arg8 : memref<128xi32, #tpu.memory_space<vmem>>)
        %dma_start3A_253 = arith.constant 0 : i32
        %dma_start3A_254 = arith.constant 0 : i32
        %dma_start3A_255 = tpu.memref_slice %arg2[%dma_start3A_253, %dma_start3A_254] : memref<10000x128xf32, #tpu.memory_space<hbm>> -> memref<10000x128xf32, #tpu.memory_space<hbm>>
        tpu.enqueue_indirect_dma source(%dma_start3A_255 : memref<10000x128xf32, #tpu.memory_space<hbm>>) target(%arg10 : memref<128x128xf32, #tpu.memory_space<vmem>>) offsets(%arg6 : memref<128xi32, #tpu.memory_space<vmem>>) semaphore(%arg16 : memref<!tpu.dma_semaphore, #tpu.memory_space<semaphore_mem>>)
      } else {
      }
      %dma_wait3A_235 = arith.constant 0 : i32
      %dma_wait3A_236 = arith.constant 0 : i32
      %dma_wait3A_237 = tpu.memref_slice %arg2[%dma_wait3A_235, %dma_wait3A_236] : memref<10000x128xf32, #tpu.memory_space<hbm>> -> memref<10000x128xf32, #tpu.memory_space<hbm>>
      tpu.wait_indirect_dma semaphore(%arg17 : memref<!tpu.dma_semaphore, #tpu.memory_space<semaphore_mem>>) src(%dma_wait3A_237 : memref<10000x128xf32, #tpu.memory_space<hbm>>) dst(%arg11 : memref<128x128xf32, #tpu.memory_space<vmem>>)
      "tpu.region"() ({
        %run_scoped3A = tpu.sem_alloc : memref<!tpu.dma_semaphore, #tpu.memory_space<semaphore_mem>>
        %dma_start3A_244 = arith.constant 0 : i32
        %dma_start3A_245 = arith.constant 0 : i32
        %dma_start3A_246 = tpu.memref_slice %arg18[%dma_start3A_244, %dma_start3A_245] : memref<10240x128xf32, #tpu.memory_space<vmem_shared>> -> memref<10240x128xf32, #tpu.memory_space<vmem_shared>>
        tpu.enqueue_indirect_dma source(%arg11 : memref<128x128xf32, #tpu.memory_space<vmem>>) target(%dma_start3A_246 : memref<10240x128xf32, #tpu.memory_space<vmem_shared>>) offsets(%arg9 : memref<128xi32, #tpu.memory_space<vmem>>) semaphore(%run_scoped3A : memref<!tpu.dma_semaphore, #tpu.memory_space<semaphore_mem>>) {add = true}
        %dma_wait3A_247 = arith.constant 0 : i32
        %dma_wait3A_248 = arith.constant 0 : i32
        %dma_wait3A_249 = tpu.memref_slice %arg18[%dma_wait3A_247, %dma_wait3A_248] : memref<10240x128xf32, #tpu.memory_space<vmem_shared>> -> memref<10240x128xf32, #tpu.memory_space<vmem_shared>>
        tpu.wait_indirect_dma semaphore(%run_scoped3A : memref<!tpu.dma_semaphore, #tpu.memory_space<semaphore_mem>>) src(%arg11 : memref<128x128xf32, #tpu.memory_space<vmem>>) dst(%dma_wait3A_249 : memref<10240x128xf32, #tpu.memory_space<vmem_shared>>)
        tpu.yield
      }) : () -> ()
      %lt3A_238 = arith.constant 39 : i32
      %lt3A_239 = arith.cmpi slt, %scan3A_209, %lt3A_238 : i32
      %convert_element_type3A_240 = arith.extui %lt3A_239 : i1 to i32
      %cond3A_241 = arith.constant 0 : i32
      %cond3A_242 = arith.cmpi ne, %convert_element_type3A_240, %cond3A_241 : i32
      scf.if %cond3A_242 {
        %add3A_244 = arith.constant 3 : i32
        %add3A_245 = arith.addi %mul3A_212, %add3A_244 : i32
        %mul3A_246 = arith.constant 128 : i32
        %mul3A_247 = arith.muli %add3A_245, %mul3A_246 : i32
        %add3A_248 = arith.addi %mul3A_5, %mul3A_247 : i32
        %dma_start3A_249 = tpu.memref_slice %arg3[%add3A_248] : memref<327680xi32, #tpu.memory_space<hbm>> -> memref<128xi32, #tpu.memory_space<hbm>>
        %dma_start3A_250 = tpu.memref_slice %arg3[%add3A_248] : memref<327680xi32, #tpu.memory_space<hbm>> -> memref<128xi32, #tpu.memory_space<hbm>>
        tpu.enqueue_dma source(%dma_start3A_250 : memref<128xi32, #tpu.memory_space<hbm>>) target(%arg7 : memref<128xi32, #tpu.memory_space<vmem>>) target_semaphore(%arg13 : memref<!tpu.dma_semaphore, #tpu.memory_space<semaphore_mem>>)
        %dma_start3A_251 = tpu.memref_slice %arg4[%add3A_248] : memref<327680xi32, #tpu.memory_space<hbm>> -> memref<128xi32, #tpu.memory_space<hbm>>
        %dma_start3A_252 = tpu.memref_slice %arg4[%add3A_248] : memref<327680xi32, #tpu.memory_space<hbm>> -> memref<128xi32, #tpu.memory_space<hbm>>
        tpu.enqueue_dma source(%dma_start3A_252 : memref<128xi32, #tpu.memory_space<hbm>>) target(%arg9 : memref<128xi32, #tpu.memory_space<vmem>>) target_semaphore(%arg15 : memref<!tpu.dma_semaphore, #tpu.memory_space<semaphore_mem>>)
      } else {
      }
      %scan3A_243 = arith.constant 0 : i32
      scf.yield %scan3A_243 : i32
    }
    %scan3A_117 = arith.constant 40 : i32
    %barrier3A_118 = arith.constant 0 : index
    tpu.barrier barrier_id(%barrier3A_118)
    %mul3A_119 = arith.constant 640 : i32
    %mul3A_120 = arith.muli %arg1, %mul3A_119 : i32
    %add3A_121 = arith.constant 0 : i32
    %add3A_122 = arith.addi %mul3A_120, %add3A_121 : i32
    %dma_start3A_123 = arith.constant 0 : i32
    %dma_start3A_124 = tpu.memref_slice %arg5[%arg0, %add3A_122, %dma_start3A_123] : memref<2x10240x128xf32, #tpu.memory_space<hbm>> -> memref<1x128x128xf32, #tpu.memory_space<hbm>>
    %dma_start3A_125 = tpu.memref_squeeze %dma_start3A_124 : memref<1x128x128xf32, #tpu.memory_space<hbm>> -> memref<128x128xf32, #tpu.memory_space<hbm>>
    %dma_start3A_126 = arith.constant 0 : i32
    %dma_start3A_127 = tpu.memref_slice %arg18[%add3A_122, %dma_start3A_126] : memref<10240x128xf32, #tpu.memory_space<vmem_shared>> -> memref<128x128xf32, #tpu.memory_space<vmem_shared>>
    tpu.enqueue_dma source(%dma_start3A_127 : memref<128x128xf32, #tpu.memory_space<vmem_shared>>) target(%dma_start3A_125 : memref<128x128xf32, #tpu.memory_space<hbm>>) target_semaphore(%arg16 : memref<!tpu.dma_semaphore, #tpu.memory_space<semaphore_mem>>)
    %mul3A_128 = arith.constant 640 : i32
    %mul3A_129 = arith.muli %arg1, %mul3A_128 : i32
    %add3A_130 = arith.constant 128 : i32
    %add3A_131 = arith.addi %mul3A_129, %add3A_130 : i32
    %dma_start3A_132 = arith.constant 0 : i32
    %dma_start3A_133 = tpu.memref_slice %arg5[%arg0, %add3A_131, %dma_start3A_132] : memref<2x10240x128xf32, #tpu.memory_space<hbm>> -> memref<1x128x128xf32, #tpu.memory_space<hbm>>
    %dma_start3A_134 = tpu.memref_squeeze %dma_start3A_133 : memref<1x128x128xf32, #tpu.memory_space<hbm>> -> memref<128x128xf32, #tpu.memory_space<hbm>>
    %dma_start3A_135 = arith.constant 0 : i32
    %dma_start3A_136 = tpu.memref_slice %arg18[%add3A_131, %dma_start3A_135] : memref<10240x128xf32, #tpu.memory_space<vmem_shared>> -> memref<128x128xf32, #tpu.memory_space<vmem_shared>>
    tpu.enqueue_dma source(%dma_start3A_136 : memref<128x128xf32, #tpu.memory_space<vmem_shared>>) target(%dma_start3A_134 : memref<128x128xf32, #tpu.memory_space<hbm>>) target_semaphore(%arg16 : memref<!tpu.dma_semaphore, #tpu.memory_space<semaphore_mem>>)
    %mul3A_137 = arith.constant 640 : i32
    %mul3A_138 = arith.muli %arg1, %mul3A_137 : i32
    %add3A_139 = arith.constant 256 : i32
    %add3A_140 = arith.addi %mul3A_138, %add3A_139 : i32
    %dma_start3A_141 = arith.constant 0 : i32
    %dma_start3A_142 = tpu.memref_slice %arg5[%arg0, %add3A_140, %dma_start3A_141] : memref<2x10240x128xf32, #tpu.memory_space<hbm>> -> memref<1x128x128xf32, #tpu.memory_space<hbm>>
    %dma_start3A_143 = tpu.memref_squeeze %dma_start3A_142 : memref<1x128x128xf32, #tpu.memory_space<hbm>> -> memref<128x128xf32, #tpu.memory_space<hbm>>
    %dma_start3A_144 = arith.constant 0 : i32
    %dma_start3A_145 = tpu.memref_slice %arg18[%add3A_140, %dma_start3A_144] : memref<10240x128xf32, #tpu.memory_space<vmem_shared>> -> memref<128x128xf32, #tpu.memory_space<vmem_shared>>
    tpu.enqueue_dma source(%dma_start3A_145 : memref<128x128xf32, #tpu.memory_space<vmem_shared>>) target(%dma_start3A_143 : memref<128x128xf32, #tpu.memory_space<hbm>>) target_semaphore(%arg16 : memref<!tpu.dma_semaphore, #tpu.memory_space<semaphore_mem>>)
    %mul3A_146 = arith.constant 640 : i32
    %mul3A_147 = arith.muli %arg1, %mul3A_146 : i32
    %add3A_148 = arith.constant 384 : i32
    %add3A_149 = arith.addi %mul3A_147, %add3A_148 : i32
    %dma_start3A_150 = arith.constant 0 : i32
    %dma_start3A_151 = tpu.memref_slice %arg5[%arg0, %add3A_149, %dma_start3A_150] : memref<2x10240x128xf32, #tpu.memory_space<hbm>> -> memref<1x128x128xf32, #tpu.memory_space<hbm>>
    %dma_start3A_152 = tpu.memref_squeeze %dma_start3A_151 : memref<1x128x128xf32, #tpu.memory_space<hbm>> -> memref<128x128xf32, #tpu.memory_space<hbm>>
    %dma_start3A_153 = arith.constant 0 : i32
    %dma_start3A_154 = tpu.memref_slice %arg18[%add3A_149, %dma_start3A_153] : memref<10240x128xf32, #tpu.memory_space<vmem_shared>> -> memref<128x128xf32, #tpu.memory_space<vmem_shared>>
    tpu.enqueue_dma source(%dma_start3A_154 : memref<128x128xf32, #tpu.memory_space<vmem_shared>>) target(%dma_start3A_152 : memref<128x128xf32, #tpu.memory_space<hbm>>) target_semaphore(%arg16 : memref<!tpu.dma_semaphore, #tpu.memory_space<semaphore_mem>>)
    %mul3A_155 = arith.constant 640 : i32
    %mul3A_156 = arith.muli %arg1, %mul3A_155 : i32
    %add3A_157 = arith.constant 512 : i32
    %add3A_158 = arith.addi %mul3A_156, %add3A_157 : i32
    %dma_start3A_159 = arith.constant 0 : i32
    %dma_start3A_160 = tpu.memref_slice %arg5[%arg0, %add3A_158, %dma_start3A_159] : memref<2x10240x128xf32, #tpu.memory_space<hbm>> -> memref<1x128x128xf32, #tpu.memory_space<hbm>>
    %dma_start3A_161 = tpu.memref_squeeze %dma_start3A_160 : memref<1x128x128xf32, #tpu.memory_space<hbm>> -> memref<128x128xf32, #tpu.memory_space<hbm>>
    %dma_start3A_162 = arith.constant 0 : i32
    %dma_start3A_163 = tpu.memref_slice %arg18[%add3A_158, %dma_start3A_162] : memref<10240x128xf32, #tpu.memory_space<vmem_shared>> -> memref<128x128xf32, #tpu.memory_space<vmem_shared>>
    tpu.enqueue_dma source(%dma_start3A_163 : memref<128x128xf32, #tpu.memory_space<vmem_shared>>) target(%dma_start3A_161 : memref<128x128xf32, #tpu.memory_space<hbm>>) target_semaphore(%arg16 : memref<!tpu.dma_semaphore, #tpu.memory_space<semaphore_mem>>)
    %mul3A_164 = arith.constant 640 : i32
    %mul3A_165 = arith.muli %arg1, %mul3A_164 : i32
    %add3A_166 = arith.constant 0 : i32
    %add3A_167 = arith.addi %mul3A_165, %add3A_166 : i32
    %dma_wait3A_168 = arith.constant 0 : i32
    %dma_wait3A_169 = tpu.memref_slice %arg5[%arg0, %add3A_167, %dma_wait3A_168] : memref<2x10240x128xf32, #tpu.memory_space<hbm>> -> memref<1x128x128xf32, #tpu.memory_space<hbm>>
    %dma_wait3A_170 = tpu.memref_squeeze %dma_wait3A_169 : memref<1x128x128xf32, #tpu.memory_space<hbm>> -> memref<128x128xf32, #tpu.memory_space<hbm>>
    %dma_wait3A_171 = arith.constant 0 : i32
    %dma_wait3A_172 = tpu.memref_slice %arg18[%add3A_167, %dma_wait3A_171] : memref<10240x128xf32, #tpu.memory_space<vmem_shared>> -> memref<128x128xf32, #tpu.memory_space<vmem_shared>>
    tpu.wait_dma2 semaphore(%arg16 : memref<!tpu.dma_semaphore, #tpu.memory_space<semaphore_mem>>) src(%dma_wait3A_172 : memref<128x128xf32, #tpu.memory_space<vmem_shared>>) dst(%dma_wait3A_170 : memref<128x128xf32, #tpu.memory_space<hbm>>)
    %mul3A_173 = arith.constant 640 : i32
    %mul3A_174 = arith.muli %arg1, %mul3A_173 : i32
    %add3A_175 = arith.constant 128 : i32
    %add3A_176 = arith.addi %mul3A_174, %add3A_175 : i32
    %dma_wait3A_177 = arith.constant 0 : i32
    %dma_wait3A_178 = tpu.memref_slice %arg5[%arg0, %add3A_176, %dma_wait3A_177] : memref<2x10240x128xf32, #tpu.memory_space<hbm>> -> memref<1x128x128xf32, #tpu.memory_space<hbm>>
    %dma_wait3A_179 = tpu.memref_squeeze %dma_wait3A_178 : memref<1x128x128xf32, #tpu.memory_space<hbm>> -> memref<128x128xf32, #tpu.memory_space<hbm>>
    %dma_wait3A_180 = arith.constant 0 : i32
    %dma_wait3A_181 = tpu.memref_slice %arg18[%add3A_176, %dma_wait3A_180] : memref<10240x128xf32, #tpu.memory_space<vmem_shared>> -> memref<128x128xf32, #tpu.memory_space<vmem_shared>>
    tpu.wait_dma2 semaphore(%arg16 : memref<!tpu.dma_semaphore, #tpu.memory_space<semaphore_mem>>) src(%dma_wait3A_181 : memref<128x128xf32, #tpu.memory_space<vmem_shared>>) dst(%dma_wait3A_179 : memref<128x128xf32, #tpu.memory_space<hbm>>)
    %mul3A_182 = arith.constant 640 : i32
    %mul3A_183 = arith.muli %arg1, %mul3A_182 : i32
    %add3A_184 = arith.constant 256 : i32
    %add3A_185 = arith.addi %mul3A_183, %add3A_184 : i32
    %dma_wait3A_186 = arith.constant 0 : i32
    %dma_wait3A_187 = tpu.memref_slice %arg5[%arg0, %add3A_185, %dma_wait3A_186] : memref<2x10240x128xf32, #tpu.memory_space<hbm>> -> memref<1x128x128xf32, #tpu.memory_space<hbm>>
    %dma_wait3A_188 = tpu.memref_squeeze %dma_wait3A_187 : memref<1x128x128xf32, #tpu.memory_space<hbm>> -> memref<128x128xf32, #tpu.memory_space<hbm>>
    %dma_wait3A_189 = arith.constant 0 : i32
    %dma_wait3A_190 = tpu.memref_slice %arg18[%add3A_185, %dma_wait3A_189] : memref<10240x128xf32, #tpu.memory_space<vmem_shared>> -> memref<128x128xf32, #tpu.memory_space<vmem_shared>>
    tpu.wait_dma2 semaphore(%arg16 : memref<!tpu.dma_semaphore, #tpu.memory_space<semaphore_mem>>) src(%dma_wait3A_190 : memref<128x128xf32, #tpu.memory_space<vmem_shared>>) dst(%dma_wait3A_188 : memref<128x128xf32, #tpu.memory_space<hbm>>)
    %mul3A_191 = arith.constant 640 : i32
    %mul3A_192 = arith.muli %arg1, %mul3A_191 : i32
    %add3A_193 = arith.constant 384 : i32
    %add3A_194 = arith.addi %mul3A_192, %add3A_193 : i32
    %dma_wait3A_195 = arith.constant 0 : i32
    %dma_wait3A_196 = tpu.memref_slice %arg5[%arg0, %add3A_194, %dma_wait3A_195] : memref<2x10240x128xf32, #tpu.memory_space<hbm>> -> memref<1x128x128xf32, #tpu.memory_space<hbm>>
    %dma_wait3A_197 = tpu.memref_squeeze %dma_wait3A_196 : memref<1x128x128xf32, #tpu.memory_space<hbm>> -> memref<128x128xf32, #tpu.memory_space<hbm>>
    %dma_wait3A_198 = arith.constant 0 : i32
    %dma_wait3A_199 = tpu.memref_slice %arg18[%add3A_194, %dma_wait3A_198] : memref<10240x128xf32, #tpu.memory_space<vmem_shared>> -> memref<128x128xf32, #tpu.memory_space<vmem_shared>>
    tpu.wait_dma2 semaphore(%arg16 : memref<!tpu.dma_semaphore, #tpu.memory_space<semaphore_mem>>) src(%dma_wait3A_199 : memref<128x128xf32, #tpu.memory_space<vmem_shared>>) dst(%dma_wait3A_197 : memref<128x128xf32, #tpu.memory_space<hbm>>)
    %mul3A_200 = arith.constant 640 : i32
    %mul3A_201 = arith.muli %arg1, %mul3A_200 : i32
    %add3A_202 = arith.constant 512 : i32
    %add3A_203 = arith.addi %mul3A_201, %add3A_202 : i32
    %dma_wait3A_204 = arith.constant 0 : i32
    %dma_wait3A_205 = tpu.memref_slice %arg5[%arg0, %add3A_203, %dma_wait3A_204] : memref<2x10240x128xf32, #tpu.memory_space<hbm>> -> memref<1x128x128xf32, #tpu.memory_space<hbm>>
    %dma_wait3A_206 = tpu.memref_squeeze %dma_wait3A_205 : memref<1x128x128xf32, #tpu.memory_space<hbm>> -> memref<128x128xf32, #tpu.memory_space<hbm>>
    %dma_wait3A_207 = arith.constant 0 : i32
    %dma_wait3A_208 = tpu.memref_slice %arg18[%add3A_203, %dma_wait3A_207] : memref<10240x128xf32, #tpu.memory_space<vmem_shared>> -> memref<128x128xf32, #tpu.memory_space<vmem_shared>>
    tpu.wait_dma2 semaphore(%arg16 : memref<!tpu.dma_semaphore, #tpu.memory_space<semaphore_mem>>) src(%dma_wait3A_208 : memref<128x128xf32, #tpu.memory_space<vmem_shared>>) dst(%dma_wait3A_206 : memref<128x128xf32, #tpu.memory_space<hbm>>)
    return
  }
}

module attributes {stable_mosaic.version = 14 : i64} {
  func.func @_tc_pre_body(%arg0: i32, %arg1: memref<512x128xf32, #tpu.memory_space<vmem>>, %arg2: memref<128x128xf32, #tpu.memory_space<vmem>>, %arg3: memref<32x512xf32, #tpu.memory_space<vmem>>, %arg4: memref<512x128xf32, #tpu.memory_space<vmem>>) attributes {dimension_semantics = [#tpu.dimension_semantics<arbitrary>], iteration_bounds = array<i64: 20>, scalar_prefetch = 0 : i64, scratch_operands = 0 : i64, tpu.core_type = #tpu.core_type<tc>, window_params = [{transform_indices = @transform_0, window_bounds = array<i64: 512, 128>}, {pipeline_mode = #tpu.pipeline_mode<synchronous>, transform_indices = @transform_1, window_bounds = array<i64: 128, 128>}, {transform_indices = @transform_2, window_bounds = array<i64: 32, 512>}, {transform_indices = @transform_3, window_bounds = array<i64: 512, 128>}]} {
    %get3A = arith.constant 0 : index
    %get3A_0 = arith.constant 0 : index
    %get3A_1 = vector.load %arg3[%get3A, %get3A_0] : memref<32x512xf32, #tpu.memory_space<vmem>>, vector<32x512xf32>
    %reduce_sum3A = arith.constant dense<0.000000e+00> : vector<512xf32>
    %reduce_sum3A_2 = vector.multi_reduction <add>, %get3A_1, %reduce_sum3A [0] : vector<32x512xf32> to vector<512xf32>
    %reshape3A = vector.shape_cast %reduce_sum3A_2 : vector<512xf32> to vector<512x1xf32>
    %max3A = arith.constant 1.000000e+00 : f32
    %max3A_3 = vector.broadcast %max3A : f32 to vector<512x1xf32>
    %max3A_4 = arith.maximumf %reshape3A, %max3A_3 : vector<512x1xf32>
    %rsqrt3A = math.rsqrt %max3A_4 : vector<512x1xf32>
    %get3A_5 = arith.constant 0 : index
    %get3A_6 = arith.constant 0 : index
    %get3A_7 = vector.load %arg1[%get3A_5, %get3A_6] : memref<512x128xf32, #tpu.memory_space<vmem>>, vector<512x128xf32>
    %get3A_8 = arith.constant 0 : index
    %get3A_9 = arith.constant 0 : index
    %get3A_10 = vector.load %arg2[%get3A_8, %get3A_9] : memref<128x128xf32, #tpu.memory_space<vmem>>, vector<128x128xf32>
    %dot_general3A = arith.constant dense<0.000000e+00> : vector<512x128xf32>
    %dot_general3A_11 = tpu.matmul %get3A_7, %get3A_10, %dot_general3A {dimension_numbers = #tpu.dot_dimension_numbers<[1], [0], [0], [1], [0, 0, 1, 1], [], []>, transpose_lhs_hint = false} : vector<512x128xf32>, vector<128x128xf32>, vector<512x128xf32> -> vector<512x128xf32>
    %mul3A = vector.broadcast %rsqrt3A : vector<512x1xf32> to vector<512x128xf32>
    %mul3A_12 = arith.mulf %dot_general3A_11, %mul3A : vector<512x128xf32>
    %swap3A = arith.constant 0 : index
    %swap3A_13 = arith.constant 0 : index
    %swap3A_14 = vector.load %arg4[%swap3A, %swap3A_13] : memref<512x128xf32, #tpu.memory_space<vmem>>, vector<512x128xf32>
    tpu.vector_store %arg4[%swap3A, %swap3A_13], %mul3A_12 {strides = array<i32>} : memref<512x128xf32, #tpu.memory_space<vmem>>, vector<512x128xf32>,
    return
  }
  func.func @transform_0(%arg0: i32) -> (i32, i32) {
    %c0_i32 = arith.constant 0 : i32
    %c0_i32_0 = arith.constant 0 : i32
    return %arg0, %c0_i32 : i32, i32
  }
  func.func @transform_1(%arg0: i32) -> (i32, i32) {
    %c0_i32 = arith.constant 0 : i32
    %c0_i32_0 = arith.constant 0 : i32
    %c0_i32_1 = arith.constant 0 : i32
    return %c0_i32, %c0_i32_0 : i32, i32
  }
  func.func @transform_2(%arg0: i32) -> (i32, i32) {
    %c0_i32 = arith.constant 0 : i32
    %c0_i32_0 = arith.constant 0 : i32
    return %c0_i32, %arg0 : i32, i32
  }
  func.func @transform_3(%arg0: i32) -> (i32, i32) {
    %c0_i32 = arith.constant 0 : i32
    %c0_i32_0 = arith.constant 0 : i32
    return %arg0, %c0_i32 : i32, i32
  }
}

module attributes {stable_mosaic.version = 14 : i64} {
  func.func @_tc_mid_body(%arg0: i32, %arg1: memref<2x512x128xf32, #tpu.memory_space<vmem>>, %arg2: memref<32x512xf32, #tpu.memory_space<vmem>>, %arg3: memref<32x512xf32, #tpu.memory_space<vmem>>, %arg4: memref<128xf32, #tpu.memory_space<vmem>>, %arg5: memref<128x128xf32, #tpu.memory_space<vmem>>, %arg6: memref<512x128xf32, #tpu.memory_space<vmem>>) attributes {dimension_semantics = [#tpu.dimension_semantics<arbitrary>], iteration_bounds = array<i64: 20>, scalar_prefetch = 0 : i64, scratch_operands = 0 : i64, tpu.core_type = #tpu.core_type<tc>, window_params = [{transform_indices = @transform_0, window_bounds = array<i64: 2, 512, 128>}, {transform_indices = @transform_1, window_bounds = array<i64: 32, 512>}, {transform_indices = @transform_2, window_bounds = array<i64: 32, 512>}, {pipeline_mode = #tpu.pipeline_mode<synchronous>, transform_indices = @transform_3, window_bounds = array<i64: 128>}, {pipeline_mode = #tpu.pipeline_mode<synchronous>, transform_indices = @transform_4, window_bounds = array<i64: 128, 128>}, {transform_indices = @transform_5, window_bounds = array<i64: 512, 128>}]} {
    %get3A = arith.constant 0 : index
    %get3A_0 = arith.constant 0 : index
    %get3A_1 = arith.constant 0 : index
    %get3A_2 = vector.load %arg1[%get3A, %get3A_0, %get3A_1] : memref<2x512x128xf32, #tpu.memory_space<vmem>>, vector<1x512x128xf32>
    %get3A_3 = vector.shape_cast %get3A_2 : vector<1x512x128xf32> to vector<512x128xf32>
    %get3A_4 = arith.constant 1 : index
    %get3A_5 = arith.constant 0 : index
    %get3A_6 = arith.constant 0 : index
    %get3A_7 = vector.load %arg1[%get3A_4, %get3A_5, %get3A_6] : memref<2x512x128xf32, #tpu.memory_space<vmem>>, vector<1x512x128xf32>
    %get3A_8 = vector.shape_cast %get3A_7 : vector<1x512x128xf32> to vector<512x128xf32>
    %add3A = arith.addf %get3A_3, %get3A_8 : vector<512x128xf32>
    %get3A_9 = arith.constant 0 : index
    %get3A_10 = arith.constant 0 : index
    %get3A_11 = vector.load %arg3[%get3A_9, %get3A_10] : memref<32x512xf32, #tpu.memory_space<vmem>>, vector<32x512xf32>
    %reduce_sum3A = arith.constant dense<0.000000e+00> : vector<512xf32>
    %reduce_sum3A_12 = vector.multi_reduction <add>, %get3A_11, %reduce_sum3A [0] : vector<32x512xf32> to vector<512xf32>
    %reshape3A = vector.shape_cast %reduce_sum3A_12 : vector<512xf32> to vector<512x1xf32>
    %max3A = arith.constant 1.000000e+00 : f32
    %max3A_13 = vector.broadcast %max3A : f32 to vector<512x1xf32>
    %max3A_14 = arith.maximumf %reshape3A, %max3A_13 : vector<512x1xf32>
    %rsqrt3A = math.rsqrt %max3A_14 : vector<512x1xf32>
    %get3A_15 = arith.constant 0 : index
    %get3A_16 = arith.constant 0 : index
    %get3A_17 = vector.load %arg2[%get3A_15, %get3A_16] : memref<32x512xf32, #tpu.memory_space<vmem>>, vector<32x512xf32>
    %reduce_sum3A_18 = arith.constant dense<0.000000e+00> : vector<512xf32>
    %reduce_sum3A_19 = vector.multi_reduction <add>, %get3A_17, %reduce_sum3A_18 [0] : vector<32x512xf32> to vector<512xf32>
    %reshape3A_20 = vector.shape_cast %reduce_sum3A_19 : vector<512xf32> to vector<512x1xf32>
    %max3A_21 = arith.constant 1.000000e+00 : f32
    %max3A_22 = vector.broadcast %max3A_21 : f32 to vector<512x1xf32>
    %max3A_23 = arith.maximumf %reshape3A_20, %max3A_22 : vector<512x1xf32>
    %rsqrt3A_24 = math.rsqrt %max3A_23 : vector<512x1xf32>
    %mul3A = vector.broadcast %rsqrt3A : vector<512x1xf32> to vector<512x128xf32>
    %mul3A_25 = arith.mulf %add3A, %mul3A : vector<512x128xf32>
    %get3A_26 = arith.constant 0 : index
    %get3A_27 = vector.load %arg4[%get3A_26] : memref<128xf32, #tpu.memory_space<vmem>>, vector<128xf32>
    %reshape3A_28 = vector.shape_cast %get3A_27 : vector<128xf32> to vector<1x128xf32>
    %add3A_29 = vector.broadcast %reshape3A_28 : vector<1x128xf32> to vector<512x128xf32>
    %add3A_30 = arith.addf %mul3A_25, %add3A_29 : vector<512x128xf32>
    %max3A_31 = arith.constant 0.000000e+00 : f32
    %max3A_32 = vector.broadcast %max3A_31 : f32 to vector<512x128xf32>
    %max3A_33 = arith.maximumf %add3A_30, %max3A_32 : vector<512x128xf32>
    %get3A_34 = arith.constant 0 : index
    %get3A_35 = arith.constant 0 : index
    %get3A_36 = vector.load %arg5[%get3A_34, %get3A_35] : memref<128x128xf32, #tpu.memory_space<vmem>>, vector<128x128xf32>
    %dot_general3A = arith.constant dense<0.000000e+00> : vector<512x128xf32>
    %dot_general3A_37 = tpu.matmul %max3A_33, %get3A_36, %dot_general3A {dimension_numbers = #tpu.dot_dimension_numbers<[1], [0], [0], [1], [0, 0, 1, 1], [], []>, transpose_lhs_hint = false} : vector<512x128xf32>, vector<128x128xf32>, vector<512x128xf32> -> vector<512x128xf32>
    %mul3A_38 = vector.broadcast %rsqrt3A_24 : vector<512x1xf32> to vector<512x128xf32>
    %mul3A_39 = arith.mulf %dot_general3A_37, %mul3A_38 : vector<512x128xf32>
    %swap3A = arith.constant 0 : index
    %swap3A_40 = arith.constant 0 : index
    %swap3A_41 = vector.load %arg6[%swap3A, %swap3A_40] : memref<512x128xf32, #tpu.memory_space<vmem>>, vector<512x128xf32>
    tpu.vector_store %arg6[%swap3A, %swap3A_40], %mul3A_39 {strides = array<i32>} : memref<512x128xf32, #tpu.memory_space<vmem>>, vector<512x128xf32>,
    return
  }
  func.func @transform_0(%arg0: i32) -> (i32, i32, i32) {
    %c0_i32 = arith.constant 0 : i32
    %c0_i32_0 = arith.constant 0 : i32
    %c0_i32_1 = arith.constant 0 : i32
    return %c0_i32, %arg0, %c0_i32_0 : i32, i32, i32
  }
  func.func @transform_1(%arg0: i32) -> (i32, i32) {
    %c0_i32 = arith.constant 0 : i32
    %c0_i32_0 = arith.constant 0 : i32
    return %c0_i32, %arg0 : i32, i32
  }
  func.func @transform_2(%arg0: i32) -> (i32, i32) {
    %c0_i32 = arith.constant 0 : i32
    %c0_i32_0 = arith.constant 0 : i32
    return %c0_i32, %arg0 : i32, i32
  }
  func.func @transform_3(%arg0: i32) -> i32 {
    %c0_i32 = arith.constant 0 : i32
    %c0_i32_0 = arith.constant 0 : i32
    return %c0_i32 : i32
  }
  func.func @transform_4(%arg0: i32) -> (i32, i32) {
    %c0_i32 = arith.constant 0 : i32
    %c0_i32_0 = arith.constant 0 : i32
    %c0_i32_1 = arith.constant 0 : i32
    return %c0_i32, %c0_i32_0 : i32, i32
  }
  func.func @transform_5(%arg0: i32) -> (i32, i32) {
    %c0_i32 = arith.constant 0 : i32
    %c0_i32_0 = arith.constant 0 : i32
    return %arg0, %c0_i32 : i32, i32
  }
}

module attributes {stable_mosaic.version = 14 : i64} {
  func.func @_tc_post_body(%arg0: i32, %arg1: memref<2x512x128xf32, #tpu.memory_space<vmem>>, %arg2: memref<32x512xf32, #tpu.memory_space<vmem>>, %arg3: memref<128xf32, #tpu.memory_space<vmem>>, %arg4: memref<512x128xf32, #tpu.memory_space<vmem>>) attributes {dimension_semantics = [#tpu.dimension_semantics<arbitrary>], iteration_bounds = array<i64: 20>, scalar_prefetch = 0 : i64, scratch_operands = 0 : i64, tpu.core_type = #tpu.core_type<tc>, window_params = [{transform_indices = @transform_0, window_bounds = array<i64: 2, 512, 128>}, {transform_indices = @transform_1, window_bounds = array<i64: 32, 512>}, {pipeline_mode = #tpu.pipeline_mode<synchronous>, transform_indices = @transform_2, window_bounds = array<i64: 128>}, {transform_indices = @transform_3, window_bounds = array<i64: 512, 128>}]} {
    %get3A = arith.constant 0 : index
    %get3A_0 = arith.constant 0 : index
    %get3A_1 = arith.constant 0 : index
    %get3A_2 = vector.load %arg1[%get3A, %get3A_0, %get3A_1] : memref<2x512x128xf32, #tpu.memory_space<vmem>>, vector<1x512x128xf32>
    %get3A_3 = vector.shape_cast %get3A_2 : vector<1x512x128xf32> to vector<512x128xf32>
    %get3A_4 = arith.constant 1 : index
    %get3A_5 = arith.constant 0 : index
    %get3A_6 = arith.constant 0 : index
    %get3A_7 = vector.load %arg1[%get3A_4, %get3A_5, %get3A_6] : memref<2x512x128xf32, #tpu.memory_space<vmem>>, vector<1x512x128xf32>
    %get3A_8 = vector.shape_cast %get3A_7 : vector<1x512x128xf32> to vector<512x128xf32>
    %add3A = arith.addf %get3A_3, %get3A_8 : vector<512x128xf32>
    %get3A_9 = arith.constant 0 : index
    %get3A_10 = arith.constant 0 : index
    %get3A_11 = vector.load %arg2[%get3A_9, %get3A_10] : memref<32x512xf32, #tpu.memory_space<vmem>>, vector<32x512xf32>
    %reduce_sum3A = arith.constant dense<0.000000e+00> : vector<512xf32>
    %reduce_sum3A_12 = vector.multi_reduction <add>, %get3A_11, %reduce_sum3A [0] : vector<32x512xf32> to vector<512xf32>
    %reshape3A = vector.shape_cast %reduce_sum3A_12 : vector<512xf32> to vector<512x1xf32>
    %max3A = arith.constant 1.000000e+00 : f32
    %max3A_13 = vector.broadcast %max3A : f32 to vector<512x1xf32>
    %max3A_14 = arith.maximumf %reshape3A, %max3A_13 : vector<512x1xf32>
    %rsqrt3A = math.rsqrt %max3A_14 : vector<512x1xf32>
    %mul3A = vector.broadcast %rsqrt3A : vector<512x1xf32> to vector<512x128xf32>
    %mul3A_15 = arith.mulf %add3A, %mul3A : vector<512x128xf32>
    %get3A_16 = arith.constant 0 : index
    %get3A_17 = vector.load %arg3[%get3A_16] : memref<128xf32, #tpu.memory_space<vmem>>, vector<128xf32>
    %reshape3A_18 = vector.shape_cast %get3A_17 : vector<128xf32> to vector<1x128xf32>
    %add3A_19 = vector.broadcast %reshape3A_18 : vector<1x128xf32> to vector<512x128xf32>
    %add3A_20 = arith.addf %mul3A_15, %add3A_19 : vector<512x128xf32>
    %swap3A = arith.constant 0 : index
    %swap3A_21 = arith.constant 0 : index
    %swap3A_22 = vector.load %arg4[%swap3A, %swap3A_21] : memref<512x128xf32, #tpu.memory_space<vmem>>, vector<512x128xf32>
    tpu.vector_store %arg4[%swap3A, %swap3A_21], %add3A_20 {strides = array<i32>} : memref<512x128xf32, #tpu.memory_space<vmem>>, vector<512x128xf32>,
    return
  }
  func.func @transform_0(%arg0: i32) -> (i32, i32, i32) {
    %c0_i32 = arith.constant 0 : i32
    %c0_i32_0 = arith.constant 0 : i32
    %c0_i32_1 = arith.constant 0 : i32
    return %c0_i32, %arg0, %c0_i32_0 : i32, i32, i32
  }
  func.func @transform_1(%arg0: i32) -> (i32, i32) {
    %c0_i32 = arith.constant 0 : i32
    %c0_i32_0 = arith.constant 0 : i32
    return %c0_i32, %arg0 : i32, i32
  }
  func.func @transform_2(%arg0: i32) -> i32 {
    %c0_i32 = arith.constant 0 : i32
    %c0_i32_0 = arith.constant 0 : i32
    return %c0_i32 : i32
  }
  func.func @transform_3(%arg0: i32) -> (i32, i32) {
    %c0_i32 = arith.constant 0 : i32
    %c0_i32_0 = arith.constant 0 : i32
    return %arg0, %c0_i32 : i32, i32
  }
}

</mosaic_0001>

<sc_bundles>
// kernel: kernel.10.cloned.1.call-start
scs
__scs_entry_jumppad:
0x0: {  	(pc) =	sbr.rel $0x88, $3  }
0x1: {  	(tag) =	ssettag $0x0;
	lr =	simm.s32 $0x1  }
0x2: {  	[smem:$0x3F99] =	sst lr;
	_ =	strace $0xD0000000  }
0x3: {  	_ = 	snop  }
0x4: {  	_ = 	snop  }
0x5: {  	_ = 	snop  }
0x6: {  	_ = 	snop  }
0x7: {  	_ = 	snop  }
__scs_overlays_trampoline_lowered:
0x8: {  	[smem:$0x3FA8] =	sst s0  }
0x9: {  	[smem:$0x3FA9] =	sst s1  }
0xa: {  	[smem:$0x3FAA] =	sst s2  }
0xb: {  	[smem:$0x3FAB] =	sst s3  }
0xc: {  	[smem:$0x3FAC] =	sst s4  }
0xd: {  	[smem:$0x3FAD] =	sst s5  }
0xe: {  	[smem:$0x3FAE] =	sst s6  }
0xf: {  	[smem:$0x3FAF] =	sst s7  }
0x10: {  	[smem:$0x3FB0] =	sst s8  }
0x11: {  	[smem:$0x3FB1] =	sst s9;
	s0 =	simm.s32 @!p0 $0x0  }
0x12: {  	s1 =	sld [smem:$0x3F97];
	s0 =	simm.s32 @p0 $0x1  }
0x13: {  	[smem:$0x3FB2] =	sst s0;
	s0 =	simm.s32 @!p1 $0x0  }
0x14: {  	s2 =	sld [smem:$0x3F96];
	s0 =	simm.s32 @p1 $0x1  }
0x15: {  	[smem:$0x3FB3] =	sst s0;
	s0 =	simm.s32 @!p2 $0x0  }
0x16: {  	s3 =	sld [smem:$0x3FDB];
	s0 =	simm.s32 @p2 $0x1  }
0x17: {  	s4 =	simm.s32 $0x1BF5;
	[smem:$0x3FB5] =	sst s0  }
0x18: {  	s0 =	sld [smem:$0x3F98];
	_ =	swait.ge [sflag:s4], $0x0  }
0x19: {  	s7 =	sld [smem:$0x3F99]  }
0x1a: {  	s8 =	sadd.s32 $0xFFFFE003, lr  }
0x1b: {  	s9 =	sadd.s32 $0xFFFFFEF7, lr;
	s5 =	simm.s32 $0xFFFFFFFF;
	p2 =	slt.u32 s8, $0xFFFFF086  }
0x1c: {  	p1 =	slt.u32 s9, $0xF7A;
	s5 =	simm.s32 @!p2 $0x0  }
0x1d: {  	s5 =	simm.s32 @p1 $0x1;
	p0 =	seq.s32 s7, s2  }
0x1e: {  	s7 =	smul.u32 @!p0 $0xF7A, s2;
	p2 =	seq.s32 @!p0 s5, $0x0  }
0x1f: {  	s9 =	smul.u32 $0xF7A, s1;
	s8 =	simm.s32 @!p0 $0x1BF5;
	p2 =	por !p2, p0  }
0x20: {  	[sflag:s8] =	ssyncset.s32 @!p0 $0xFFFFF086;
	s6 =	sadd.s32 @!p0 s3, s7;
	s7 =	simm.s32 @!p0 $0x108  }
0x21: {  	s3 =	sadd.s32 s3, s9;
	s6 =	sadd.s32 @!p0 $0x88, s6;
	s7 =	simm.s32 @p2 $0x1082  }
0x22: {  	[simem:s7], [sflag:s8] =	dma.local @!p0 [hbm:s6], $0xF7A  }
0x23: {  	s9 =	sor.u32 $0xD0000000, s2;
	s6 =	simm.s32 $0x108;
	_ =	swait.ge @!p0 [sflag:s8], $0x0  }
0x24: {  	s3 =	sadd.s32 $0x88, s3;
	s6 =	simm.s32 @!p1 $0x1082;
	[sflag:s4] =	ssyncset.s32 $0xFFFFF086  }
0x25: {  	[simem:s6], [sflag:s4] =	dma.local [hbm:s3], $0xF7A  }
0x26: {  	[smem:$0x3F99] =	sst s1;
	(tag) =	ssettag s2;
	_ =	strace s9  }
0x27: {  	s1 =	sld [smem:$0x3FA9]  }
0x28: {  	s2 =	sld [smem:$0x3FAA]  }
0x29: {  	s4 =	sld [smem:$0x3FAC]  }
0x2a: {  	p0 =	seq.s32 s5, $0x0;
	s5 =	sld [smem:$0x3FAD]  }
0x2b: {  	s6 =	sld [smem:$0x3FAE]  }
0x2c: {  	s7 =	sld [smem:$0x3FAF]  }
0x2d: {  	s3 =	simm.s32 $0x108;
	s8 =	sld [smem:$0x3FB0]  }
0x2e: {  	s3 =	simm.s32 @!p0 $0x1082;
	s9 =	sld [smem:$0x3FB1]  }
0x2f: {  	lr =	sadd.s32 s0, s3;
	s0 =	sld [smem:$0x3FA8]  }
0x30: {  	s3 =	sld [smem:$0x3FAB]  }
0x31: {  	[smem:$0x3FB4] =	sst s10  }
0x32: {  	s10 =	sld [smem:$0x3FB2];
	_ =	sdelay $0x3  }
0x33: {  	p0 =	seq.s32 s10, $0x1;
	s10 =	sld [smem:$0x3FB4];
	_ =	sdelay $0x3  }
0x34: {  	[smem:$0x3FB4] =	sst s10  }
0x35: {  	s10 =	sld [smem:$0x3FB3];
	_ =	sdelay $0x3  }
0x36: {  	p1 =	seq.s32 s10, $0x1;
	s10 =	sld [smem:$0x3FB4];
	_ =	sdelay $0x3  }
0x37: {  	[smem:$0x3FB4] =	sst s10  }
0x38: {  	s10 =	sld [smem:$0x3FB5]  }
0x39: {  	_ = 	snop;
	(pc) =	sbr.ind lr, $3  }
0x3a: {  	_ = 	snop  }
0x3b: {  	_ = 	snop  }
0x3c: {  	p2 =	seq.s32 s10, $0x1;
	s10 =	sld [smem:$0x3FB4]  }
0x3d: {  	_ =	shalt  }
0x3e: {  	_ =	shalt  }
0x3f: {  	_ =	shalt  }
0x40: {  	_ =	shalt  }
0x41: {  	_ =	shalt  }
0x42: {  	_ =	shalt  }
0x43: {  	_ =	shalt  }
0x44: {  	_ =	shalt  }
0x45: {  	_ =	shalt  }
0x46: {  	_ =	shalt  }
0x47: {  	_ =	shalt  }
0x48: {  	_ =	shalt  }
0x49: {  	_ =	shalt  }
0x4a: {  	_ =	shalt  }
0x4b: {  	_ =	shalt  }
0x4c: {  	_ =	shalt  }
0x4d: {  	_ =	shalt  }
0x4e: {  	_ =	shalt  }
0x4f: {  	_ =	shalt  }
0x50: {  	_ =	shalt  }
0x51: {  	_ =	shalt  }
0x52: {  	_ =	shalt  }
0x53: {  	_ =	shalt  }
0x54: {  	_ =	shalt  }
0x55: {  	_ =	shalt  }
0x56: {  	_ =	shalt  }
0x57: {  	_ =	shalt  }
0x58: {  	_ =	shalt  }
0x59: {  	_ =	shalt  }
0x5a: {  	_ =	shalt  }
0x5b: {  	_ =	shalt  }
0x5c: {  	_ =	shalt  }
0x5d: {  	_ =	shalt  }
0x5e: {  	_ =	shalt  }
0x5f: {  	_ =	shalt  }
0x60: {  	_ =	shalt  }
0x61: {  	_ =	shalt  }
0x62: {  	_ =	shalt  }
0x63: {  	_ =	shalt  }
0x64: {  	_ =	shalt  }
0x65: {  	_ =	shalt  }
0x66: {  	_ =	shalt  }
0x67: {  	_ =	shalt  }
0x68: {  	_ =	shalt  }
0x69: {  	_ =	shalt  }
0x6a: {  	_ =	shalt  }
0x6b: {  	_ =	shalt  }
0x6c: {  	_ =	shalt  }
0x6d: {  	_ =	shalt  }
0x6e: {  	_ =	shalt  }
0x6f: {  	_ =	shalt  }
0x70: {  	_ =	shalt  }
0x71: {  	_ =	shalt  }
0x72: {  	_ =	shalt  }
0x73: {  	_ =	shalt  }
0x74: {  	_ =	shalt  }
0x75: {  	_ =	shalt  }
0x76: {  	_ =	shalt  }
0x77: {  	_ =	shalt  }
0x78: {  	_ =	shalt  }
0x79: {  	_ =	shalt  }
0x7a: {  	_ =	shalt  }
0x7b: {  	_ =	shalt  }
0x7c: {  	_ =	shalt  }
0x7d: {  	_ =	shalt  }
0x7e: {  	_ =	shalt  }
0x7f: {  	_ =	shalt  }
0x80: {  	_ =	shalt  }
0x81: {  	_ =	shalt  }
0x82: {  	_ =	shalt  }
0x83: {  	_ =	shalt  }
0x84: {  	_ =	shalt  }
0x85: {  	_ =	shalt  }
0x86: {  	_ =	shalt  }
0x87: {  	_ =	shalt  }
.Lfunc_end0:
.L_simem_size_0:
called_computation_lowered:
.L_overlay_start_0:
0x88: {  	s2 =	sld [smem:$0x3FD9]  }
0x89: {  	s3 =	sld [smem:$0x3FFE];
	_ =	sdelay $0x1  }
0x8a: {  	s1 =	srdreg.scid  }
0x8b: {  	s0 =	sand.u32 $0x1, s1  }
0x8c: {  	s17 =	sshll.u32 s0, $0xA;
	s2 =	sadd.s32 s3, s2  }
0x8d: {  	s2 =	sadd.s32 s2, s17  }
0x8e: {  	[smem:$0x3FC0] =	sst s2  }
0x8f: {  	_ = 	snop  }
0x90: {  	s2 =	sld [smem:$0x3FD0];
	(tm) =	ssettm $0x1  }
0x91: {  	s18 =	sld [smem:$0x3FFB];
	_ =	sdelay $0x3  }
0x92: {  	_ =	strace s18  }
0x93: {  	s3 =	sld [smem:$0x3FFC];
	_ =	sdelay $0x3  }
0x94: {  	_ =	strace s3  }
0x95: {  	s3 =	sld [smem:$0x3FFD];
	_ =	sdelay $0x3  }
0x96: {  	_ =	strace s3  }
0x97: {  	_ =	strace $0x8FFFFFFF  }
0x98: {  	s19 =	sld [smem:$0x3FDB];
	_ =	sdelay $0x1  }
0x99: {  	s4 =	simm.s32 $_scs_section_size  }
0x9a: {  	s5 =	simm.s32 $_size__tile_overlayer_lowered;
	s6 =	simm.s32 $_tile_overlayer_lowered  }
0x9b: {  	s22 =	simm.s32 $0x1BFF;
	s21 =	sshll.u32 s6, $0x1;
	s3 =	sadd.s32 s4, s19  }
0x9c: {  	s7 =	simm.s32 $0x0;
	s20 =	sshll.u32 s5, $0x1;
	s5 =	sadd.s32 s21, s3  }
0x9d: {  	[timem:s7], [sflag:s22] =	dma.local [hbm:s5], s20  }
0x9e: {  	_ =	swait.ge [sflag:s22], s20  }
0x9f: {  	s4 =	ssub.s32 $0x0, s20;
	[sflag:s22] =	ssyncset.done $0x0  }
0xa0: {  	[sflag:s22] =	ssyncadd.s32 s4;
	_ =	sdelay $0x1  }
0xa1: {  	s23 =	simm.s32 $0x1B8B  }
0xa2: {  	_ =	swait.ge [sflag:s23], $0x1  }
0xa3: {  	[sflag:s23] =	ssyncset.done $0x0  }
0xa4: {  	s25 =	simm.s32 $0x1B8E;
	s24 =	sld [smem:$0x3FFE];
	[sflag:s23] =	ssyncadd.s32 $0xFFFFFFFF  }
0xa5: {  	s26 =	simm.s32 $execute0_lowered;
	[smem:$0x3FD2] =	sst s25  }
0xa6: {  	s5 =	sshll.u32 s26, $0x1;
	_ =	strace $0x80000046;
	[dreg:$0x1] =	wrdreg $0xFFFFFFFF  }
0xa7: {  	s28 =	simm.s32 $_size_execute0_lowered;
	s3 =	sadd.s32 s3, s5;
	[dreg:$0x0] =	wrdreg $0x0  }
0xa8: {  	s5 =	sshll.u32 s28, $0x1;
	[dreg:$0x2] =	wrdreg s3  }
0xa9: {  	[dreg:$0x3] =	wrdreg s5  }
0xaa: {  	[dreg:$0x4] =	wrdreg $0xC0  }
0xab: {  	_ =	task [dreg:s7], $0x5FFFF  }
0xac: {  	[dreg:$0x1] =	wrdreg $0xFFFFFFFF  }
0xad: {  	[dreg:$0x0] =	wrdreg $0x60  }
0xae: {  	[dreg:$0x2] =	wrdreg s2  }
0xaf: {  	[dreg:$0x3] =	wrdreg s24  }
0xb0: {  	[dreg:$0x4] =	wrdreg $0x9  }
0xb1: {  	_ =	task.clear_ibuf [dreg:s7], $0x5FFFF;
	_ =	strace $0x90000046  }
0xb2: {  	s29 =	simm.s32 $0x9;
	_ =	strace $0x80000048  }
0xb3: {  	_ =	swait.ge [sflag:s29], $0x1  }
0xb4: {  	[sflag:s29] =	ssyncadd.s32 $0xFFFFFFFF  }
0xb5: {  	_ =	strace $0x90000048  }
0xb6: {  	_ =	sfence  }
0xb7: {  	s30 =	sld [smem:$0x0];
	_ =	sdelay $0x2  }
0xb8: {  	s31 =	sshll.u32 s1, $0xD;
	s1 =	sshrl.u32 s1, $0x2  }
0xb9: {  	s3 =	sand.u32 $0x4000, s31;
	s1 =	sadd.s32 s1, s30  }
0xba: {  	s0 =	sor.u32 s3, s0;
	s1 =	sshll.u32 s1, $0x11  }
0xbb: {  	s0 =	sor.u32 s1, s0  }
0xbc: {  	s0 =	sadd.s32 $0x8F2B, s0  }
0xbd: {  	[sflag:s0] =	ssyncadd.remote.s32 $0x1  }
0xbe: {  	_ =	sfence.sel $0xFFFF  }
0xbf: {  	[dreg:$0x0] =	wrdreg $0xFFFFFFFF;
	(pc) =	sbr.abs _section_cstart, $3  }
0xc0: {  	[dreg:$0x1] =	wrdreg $0xFFFFFFFF  }
0xc1: {  	_ =	task.clear_ibuf [dreg:s7], $0x2FFFF;
	_ =	strace $0x9FFFFFFF  }
0xc2: {  	(tm) =	ssettm $0x7FFFFFFF  }
0xc3: {  	_ =	shalt  }
tec
execute0_lowered:
.L_overlay_start_1:
0x0: {  	(tag) =	ssettag $0x1  }
0x1: {  	s0 =	srdreg.scid;
	s5 =	rddreg [dreg:$0x0]  }
0x2: {  	s6 =	rddreg [dreg:$0x1];
	s3 =	sand.u32 $0x1, s0  }
0x3: {  	s2 =	simm.s32 $0x0;
	s0 =	stileid.u32;
	s1 =	sshll.u32 s3, $0x4  }
0x4: {  	s9 =	simm.s32 $0x2800;
	s10 =	simm.s32 $0x5000;
	s4 =	sor.u32 s0, s1  }
0x5: {  	s11 =	simm.s32 $0x7800;
	s12 =	simm.s32 $0x80;
	s1 =	sshrl.u32 s4, $0x3  }
0x6: {  	s13 =	simm.s32 $0x400;
	s8 =	sshll.u32 s0, $0x7;
	s7 =	smul.u32 $0x14000, s1  }
0x7: {  	[smem:$0x7FF] =	sst s2;
	s3 =	ssub.s32 $0x2, s3;
	s8 =	sand.u32 $0x380, s8  }
0x8: {  	s31 =	sshrl.u32 s3, $0x1;
	s4 =	smul.u32 $0x500, s4;
	s7 =	sor.u32 s8, s7  }
0x9: {  	s1 =	rddreg [dreg:$0x2];
	_ =	strace $0x80000047;
	s7 =	sshrl.u32 s7, $0x3  }
0xa: {  	s30 =	sadd.s32 s4, s6;
	s8 =	simm.s32 $0x1;
	s6 =	sadd.s32 s7, s6  }
0xb: {  	s7 =	ssub.s32 s3, s31;
	s3 =	sadd.s32 s5, s4;
	s4 =	sadd.s32 $0xD200, s30  }
0xc: {  	v0 =	vimm.f32 $0.0e+00;
	v1 =	vimm.f32 $1.000000000e+00;
	s5 =	sadd.s32 $0x17200, s6;
	s6 =	sadd.s32 $0x21200, s6;
	s7 =	smax.u32 s7, $0x1  }
.LBB2_1:
0xd: {  	s14 =	simm.s32 $0x40;
	s15 =	simm.s32 $0x0  }
.LBB2_2:
0xe: {  	p0 =	sne.s32 s14, $0x9FC0;
	[tilespmem:s15+$0x5000] =	vst v0;
	s16 =	smov.u32 s14;
	s14 =	sadd.s32 $0x40, s14  }
.Ltmp0:
0xf: {  	[tilespmem:s15+$0x7800] =	vst v0;
	(pc) =	sbr.rel @p0 .LBB2_2-.Ltmp0, $2  }
0x10: {  	_ =	sdelay $0x2  }
0x11: {  	s15 =	sshra.s32 s16, $0x2  }
0x12: {  	[tilespmem:s15+$0x5000] =	vst v0  }
0x13: {  	[tilespmem:s15+$0x7800] =	vst v0;
	s14 =	simm.s32 $0x0  }
0x14: {  	[tilespmem:s14], [sflag:$0x1] =	stream.linear.gather [hbm4b:s3+s14], $0x2800, $0x38;
	[tilespmem:$0xA000] =	vst v63  }
0x15: {  	_ =	swait.ge [sflag:s8], $0x2800  }
0x16: {  	[sflag:s8] =	ssyncset.done $0x0  }
0x17: {  	[sflag:s8] =	ssyncadd.s32 $0xFFFFD800  }
0x18: {  	[tilespmem:s9], [sflag:$0x1] =	stream.linear.gather [hbm4b:s4+s14], $0x2800, $0x38;
	[tilespmem:$0xA000] =	vst v63  }
0x19: {  	_ =	swait.ge [sflag:s8], $0x2800  }
0x1a: {  	[sflag:s8] =	ssyncset.done $0x0  }
0x1b: {  	s15 =	simm.s32 $0x0;
	[sflag:s8] =	ssyncadd.s32 $0xFFFFD800  }
0x1c: {  	s14 =	simm.s32 $0x40;
	v2 =	vld [tilespmem:s15+$0x0]  }
.LBB2_4:
0x1d: {  	p0 =	sne.s32 s14, $0x9FC0;
	v3 =	vld [tilespmem:s15+$0x2800];
	_ =	sdelay $0x4  }
.Ltmp1:
0x1e: {  	(pc) =	sbr.rel @p0 .LBB2_4-.Ltmp1, $4  }
0x1f: {  	_ = 	snop  }
0x20: {  	[tilespmem:v2+s10+$0x0] =	vst.idx.add.f32.msk $0xffff, v1  }
0x21: {  	s15 =	sshra.s32 s14, $0x2;
	[tilespmem:v3+s11+$0x0] =	vst.idx.add.f32.msk $0xffff, v1  }
0x22: {  	s14 =	sadd.s32 $0x40, s14;
	v2 =	vld [tilespmem:s15+$0x0]  }
0x23: {  	_ = 	snop  }
0x24: {  	v3 =	vld [tilespmem:s15+$0x2800];
	_ =	sdelay $0x6  }
0x25: {  	[tilespmem:v2+s10+$0x0] =	vst.idx.add.f32.msk $0xffff, v1  }
0x26: {  	[tilespmem:v3+s11+$0x0] =	vst.idx.add.f32.msk $0xffff, v1  }
0x27: {  	[hbm4b:s5+s12] =	stream.strided.scatter [tilespmem:s10], [sflag:$0x1], $0x2800, s13, s12, $0x38;
	[tilespmem:$0xA000] =	vst v63  }
0x28: {  	s2 =	sadd.s32 $0x1, s2;
	_ =	swait.ge [sflag:s8], $0x2800  }
0x29: {  	p0 =	sne.s32 s2, s7;
	[sflag:s8] =	ssyncset.done $0x0  }
.Ltmp2:
0x2a: {  	[sflag:s8] =	ssyncadd.s32 $0xFFFFD800;
	(pc) =	sbr.rel @p0 .LBB2_1-.Ltmp2, $4  }
0x2b: {  	[hbm4b:s6+s12] =	stream.strided.scatter [tilespmem:s11], [sflag:$0x1], $0x2800, s13, s12, $0x38;
	[tilespmem:$0xA000] =	vst v63  }
0x2c: {  	_ =	swait.ge [sflag:s8], $0x2800  }
0x2d: {  	[sflag:s8] =	ssyncset.done $0x0  }
0x2e: {  	[sflag:s8] =	ssyncadd.s32 $0xFFFFD800  }
0x2f: {  	_ =	sfence.sel $0x180000  }
0x30: {  	[bflag:$0x0] =	sbarrier.arrive $0xFFFF  }
0x31: {  	p0 =	sne.s32 s0, $0x0;
	_ =	strace $0x90000047  }
0x32: {  	s0 =	sadd.s32 @!p0 $0x100000, s1;
	[bflag:$0x2] =	sbarrier.arrive $0xFFFF  }
0x33: {  	[sflag:s0] =	ssyncadd.tile.s32 @!p0 $0x1;
	_ =	shalt  }
.Lfunc_end2:
_tile_overlayer_lowered:
.L_overlay_start_2:
0x34: {  	(tag) =	ssettag $0x2  }
0x35: {  	s0 =	rddreg [dreg:$0x0];
	s2 =	stileid.u32  }
0x36: {  	s1 =	rddreg [dreg:$0x1];
	p0 =	sne.s32 s2, $0x0  }
0x37: {  	s3 =	rddreg [dreg:$0x2];
	[bflag:$0x3] =	sbarrier.arrive $0xFFFF;
	s2 =	simm.s32 @!p0 $0x1C01  }
0x38: {  	[timem:s3], [sflag:s2] =	dma.local @!p0 [hbm:s0], s1  }
0x39: {  	s0 =	simm.s32 @!p0 $0x1  }
0x3a: {  	_ =	swait.ge @!p0 [sflag:s0], s1  }
0x3b: {  	s1 =	ssub.s32 @!p0 $0x0, s1;
	[sflag:s0] =	ssyncset.done @!p0 $0x0  }
0x3c: {  	[sflag:s0] =	ssyncadd.s32 @!p0 s1  }
0x3d: {  	[bflag:$0x3] =	sbarrier.arrive $0xFFFF  }
0x3e: {  	_ =	shalt  }

// kernel: kernel.13.cloned.1.call-start
scs
__scs_entry_jumppad:
0x0: {  	(pc) =	sbr.rel $0x88, $3  }
0x1: {  	(tag) =	ssettag $0x0;
	lr =	simm.s32 $0x1  }
0x2: {  	[smem:$0x3F99] =	sst lr;
	_ =	strace $0xD0000000  }
0x3: {  	_ = 	snop  }
0x4: {  	_ = 	snop  }
0x5: {  	_ = 	snop  }
0x6: {  	_ = 	snop  }
0x7: {  	_ = 	snop  }
__scs_overlays_trampoline_lowered:
0x8: {  	[smem:$0x3FA8] =	sst s0  }
0x9: {  	[smem:$0x3FA9] =	sst s1  }
0xa: {  	[smem:$0x3FAA] =	sst s2  }
0xb: {  	[smem:$0x3FAB] =	sst s3  }
0xc: {  	[smem:$0x3FAC] =	sst s4  }
0xd: {  	[smem:$0x3FAD] =	sst s5  }
0xe: {  	[smem:$0x3FAE] =	sst s6  }
0xf: {  	[smem:$0x3FAF] =	sst s7  }
0x10: {  	[smem:$0x3FB0] =	sst s8  }
0x11: {  	[smem:$0x3FB1] =	sst s9;
	s0 =	simm.s32 @!p0 $0x0  }
0x12: {  	s1 =	sld [smem:$0x3F97];
	s0 =	simm.s32 @p0 $0x1  }
0x13: {  	[smem:$0x3FB2] =	sst s0;
	s0 =	simm.s32 @!p1 $0x0  }
0x14: {  	s2 =	sld [smem:$0x3F96];
	s0 =	simm.s32 @p1 $0x1  }
0x15: {  	[smem:$0x3FB3] =	sst s0;
	s0 =	simm.s32 @!p2 $0x0  }
0x16: {  	s3 =	sld [smem:$0x3FDB];
	s0 =	simm.s32 @p2 $0x1  }
0x17: {  	s4 =	simm.s32 $0x1BF5;
	[smem:$0x3FB5] =	sst s0  }
0x18: {  	s0 =	sld [smem:$0x3F98];
	_ =	swait.ge [sflag:s4], $0x0  }
0x19: {  	s7 =	sld [smem:$0x3F99]  }
0x1a: {  	s8 =	sadd.s32 $0xFFFFE003, lr  }
0x1b: {  	s9 =	sadd.s32 $0xFFFFFEF7, lr;
	s5 =	simm.s32 $0xFFFFFFFF;
	p2 =	slt.u32 s8, $0xFFFFF086  }
0x1c: {  	p1 =	slt.u32 s9, $0xF7A;
	s5 =	simm.s32 @!p2 $0x0  }
0x1d: {  	s5 =	simm.s32 @p1 $0x1;
	p0 =	seq.s32 s7, s2  }
0x1e: {  	s7 =	smul.u32 @!p0 $0xF7A, s2;
	p2 =	seq.s32 @!p0 s5, $0x0  }
0x1f: {  	s9 =	smul.u32 $0xF7A, s1;
	s8 =	simm.s32 @!p0 $0x1BF5;
	p2 =	por !p2, p0  }
0x20: {  	[sflag:s8] =	ssyncset.s32 @!p0 $0xFFFFF086;
	s6 =	sadd.s32 @!p0 s3, s7;
	s7 =	simm.s32 @!p0 $0x108  }
0x21: {  	s3 =	sadd.s32 s3, s9;
	s6 =	sadd.s32 @!p0 $0x88, s6;
	s7 =	simm.s32 @p2 $0x1082  }
0x22: {  	[simem:s7], [sflag:s8] =	dma.local @!p0 [hbm:s6], $0xF7A  }
0x23: {  	s9 =	sor.u32 $0xD0000000, s2;
	s6 =	simm.s32 $0x108;
	_ =	swait.ge @!p0 [sflag:s8], $0x0  }
0x24: {  	s3 =	sadd.s32 $0x88, s3;
	s6 =	simm.s32 @!p1 $0x1082;
	[sflag:s4] =	ssyncset.s32 $0xFFFFF086  }
0x25: {  	[simem:s6], [sflag:s4] =	dma.local [hbm:s3], $0xF7A  }
0x26: {  	[smem:$0x3F99] =	sst s1;
	(tag) =	ssettag s2;
	_ =	strace s9  }
0x27: {  	s1 =	sld [smem:$0x3FA9]  }
0x28: {  	s2 =	sld [smem:$0x3FAA]  }
0x29: {  	s4 =	sld [smem:$0x3FAC]  }
0x2a: {  	p0 =	seq.s32 s5, $0x0;
	s5 =	sld [smem:$0x3FAD]  }
0x2b: {  	s6 =	sld [smem:$0x3FAE]  }
0x2c: {  	s7 =	sld [smem:$0x3FAF]  }
0x2d: {  	s3 =	simm.s32 $0x108;
	s8 =	sld [smem:$0x3FB0]  }
0x2e: {  	s3 =	simm.s32 @!p0 $0x1082;
	s9 =	sld [smem:$0x3FB1]  }
0x2f: {  	lr =	sadd.s32 s0, s3;
	s0 =	sld [smem:$0x3FA8]  }
0x30: {  	s3 =	sld [smem:$0x3FAB]  }
0x31: {  	[smem:$0x3FB4] =	sst s10  }
0x32: {  	s10 =	sld [smem:$0x3FB2];
	_ =	sdelay $0x3  }
0x33: {  	p0 =	seq.s32 s10, $0x1;
	s10 =	sld [smem:$0x3FB4];
	_ =	sdelay $0x3  }
0x34: {  	[smem:$0x3FB4] =	sst s10  }
0x35: {  	s10 =	sld [smem:$0x3FB3];
	_ =	sdelay $0x3  }
0x36: {  	p1 =	seq.s32 s10, $0x1;
	s10 =	sld [smem:$0x3FB4];
	_ =	sdelay $0x3  }
0x37: {  	[smem:$0x3FB4] =	sst s10  }
0x38: {  	s10 =	sld [smem:$0x3FB5]  }
0x39: {  	_ = 	snop;
	(pc) =	sbr.ind lr, $3  }
0x3a: {  	_ = 	snop  }
0x3b: {  	_ = 	snop  }
0x3c: {  	p2 =	seq.s32 s10, $0x1;
	s10 =	sld [smem:$0x3FB4]  }
0x3d: {  	_ =	shalt  }
0x3e: {  	_ =	shalt  }
0x3f: {  	_ =	shalt  }
0x40: {  	_ =	shalt  }
0x41: {  	_ =	shalt  }
0x42: {  	_ =	shalt  }
0x43: {  	_ =	shalt  }
0x44: {  	_ =	shalt  }
0x45: {  	_ =	shalt  }
0x46: {  	_ =	shalt  }
0x47: {  	_ =	shalt  }
0x48: {  	_ =	shalt  }
0x49: {  	_ =	shalt  }
0x4a: {  	_ =	shalt  }
0x4b: {  	_ =	shalt  }
0x4c: {  	_ =	shalt  }
0x4d: {  	_ =	shalt  }
0x4e: {  	_ =	shalt  }
0x4f: {  	_ =	shalt  }
0x50: {  	_ =	shalt  }
0x51: {  	_ =	shalt  }
0x52: {  	_ =	shalt  }
0x53: {  	_ =	shalt  }
0x54: {  	_ =	shalt  }
0x55: {  	_ =	shalt  }
0x56: {  	_ =	shalt  }
0x57: {  	_ =	shalt  }
0x58: {  	_ =	shalt  }
0x59: {  	_ =	shalt  }
0x5a: {  	_ =	shalt  }
0x5b: {  	_ =	shalt  }
0x5c: {  	_ =	shalt  }
0x5d: {  	_ =	shalt  }
0x5e: {  	_ =	shalt  }
0x5f: {  	_ =	shalt  }
0x60: {  	_ =	shalt  }
0x61: {  	_ =	shalt  }
0x62: {  	_ =	shalt  }
0x63: {  	_ =	shalt  }
0x64: {  	_ =	shalt  }
0x65: {  	_ =	shalt  }
0x66: {  	_ =	shalt  }
0x67: {  	_ =	shalt  }
0x68: {  	_ =	shalt  }
0x69: {  	_ =	shalt  }
0x6a: {  	_ =	shalt  }
0x6b: {  	_ =	shalt  }
0x6c: {  	_ =	shalt  }
0x6d: {  	_ =	shalt  }
0x6e: {  	_ =	shalt  }
0x6f: {  	_ =	shalt  }
0x70: {  	_ =	shalt  }
0x71: {  	_ =	shalt  }
0x72: {  	_ =	shalt  }
0x73: {  	_ =	shalt  }
0x74: {  	_ =	shalt  }
0x75: {  	_ =	shalt  }
0x76: {  	_ =	shalt  }
0x77: {  	_ =	shalt  }
0x78: {  	_ =	shalt  }
0x79: {  	_ =	shalt  }
0x7a: {  	_ =	shalt  }
0x7b: {  	_ =	shalt  }
0x7c: {  	_ =	shalt  }
0x7d: {  	_ =	shalt  }
0x7e: {  	_ =	shalt  }
0x7f: {  	_ =	shalt  }
0x80: {  	_ =	shalt  }
0x81: {  	_ =	shalt  }
0x82: {  	_ =	shalt  }
0x83: {  	_ =	shalt  }
0x84: {  	_ =	shalt  }
0x85: {  	_ =	shalt  }
0x86: {  	_ =	shalt  }
0x87: {  	_ =	shalt  }
.Lfunc_end0:
.L_simem_size_0:
called_computation.1_lowered:
.L_overlay_start_0:
0x88: {  	s2 =	sld [smem:$0x3FD9]  }
0x89: {  	s3 =	sld [smem:$0x3FFE];
	_ =	sdelay $0x1  }
0x8a: {  	s1 =	srdreg.scid  }
0x8b: {  	s0 =	sand.u32 $0x1, s1  }
0x8c: {  	s17 =	sshll.u32 s0, $0xA;
	s2 =	sadd.s32 s3, s2  }
0x8d: {  	s2 =	sadd.s32 s2, s17  }
0x8e: {  	[smem:$0x3FC0] =	sst s2  }
0x8f: {  	_ = 	snop  }
0x90: {  	s2 =	sld [smem:$0x3FD0];
	(tm) =	ssettm $0x1  }
0x91: {  	s18 =	sld [smem:$0x3FFB];
	_ =	sdelay $0x3  }
0x92: {  	_ =	strace s18  }
0x93: {  	s3 =	sld [smem:$0x3FFC];
	_ =	sdelay $0x3  }
0x94: {  	_ =	strace s3  }
0x95: {  	s3 =	sld [smem:$0x3FFD];
	_ =	sdelay $0x3  }
0x96: {  	_ =	strace s3  }
0x97: {  	_ =	strace $0x8FFFFFFF  }
0x98: {  	s19 =	sld [smem:$0x3FDB];
	_ =	sdelay $0x1  }
0x99: {  	s4 =	simm.s32 $_scs_section_size  }
0x9a: {  	s5 =	simm.s32 $_size__tile_overlayer_lowered;
	s6 =	simm.s32 $_tile_overlayer_lowered  }
0x9b: {  	s22 =	simm.s32 $0x1BFF;
	s21 =	sshll.u32 s6, $0x1;
	s3 =	sadd.s32 s4, s19  }
0x9c: {  	s7 =	simm.s32 $0x0;
	s20 =	sshll.u32 s5, $0x1;
	s5 =	sadd.s32 s21, s3  }
0x9d: {  	[timem:s7], [sflag:s22] =	dma.local [hbm:s5], s20  }
0x9e: {  	_ =	swait.ge [sflag:s22], s20  }
0x9f: {  	s4 =	ssub.s32 $0x0, s20;
	[sflag:s22] =	ssyncset.done $0x0  }
0xa0: {  	[sflag:s22] =	ssyncadd.s32 s4;
	_ =	sdelay $0x1  }
0xa1: {  	s23 =	simm.s32 $0x1B8B  }
0xa2: {  	_ =	swait.ge [sflag:s23], $0x1  }
0xa3: {  	[sflag:s23] =	ssyncset.done $0x0  }
0xa4: {  	s25 =	simm.s32 $0x1B8E;
	s24 =	sld [smem:$0x3FFE];
	[sflag:s23] =	ssyncadd.s32 $0xFFFFFFFF  }
0xa5: {  	s26 =	simm.s32 $execute0_lowered;
	[smem:$0x3FD2] =	sst s25  }
0xa6: {  	s5 =	sshll.u32 s26, $0x1;
	_ =	strace $0x80000049;
	[dreg:$0x1] =	wrdreg $0xFFFFFFFF  }
0xa7: {  	s28 =	simm.s32 $_size_execute0_lowered;
	s3 =	sadd.s32 s3, s5;
	[dreg:$0x0] =	wrdreg $0x0  }
0xa8: {  	s5 =	sshll.u32 s28, $0x1;
	[dreg:$0x2] =	wrdreg s3  }
0xa9: {  	[dreg:$0x3] =	wrdreg s5  }
0xaa: {  	[dreg:$0x4] =	wrdreg $0xC0  }
0xab: {  	_ =	task [dreg:s7], $0x5FFFF  }
0xac: {  	[dreg:$0x1] =	wrdreg $0xFFFFFFFF  }
0xad: {  	[dreg:$0x0] =	wrdreg $0x60  }
0xae: {  	[dreg:$0x2] =	wrdreg s2  }
0xaf: {  	[dreg:$0x3] =	wrdreg s24  }
0xb0: {  	[dreg:$0x4] =	wrdreg $0x82000  }
0xb1: {  	[dreg:$0x5] =	wrdreg $0x9  }
0xb2: {  	_ =	task.clear_ibuf [dreg:s7], $0x6FFFF;
	_ =	strace $0x90000049  }
0xb3: {  	s29 =	simm.s32 $0x9;
	_ =	strace $0x8000004B  }
0xb4: {  	_ =	swait.ge [sflag:s29], $0x1  }
0xb5: {  	[sflag:s29] =	ssyncadd.s32 $0xFFFFFFFF  }
0xb6: {  	_ =	strace $0x9000004B  }
0xb7: {  	_ =	sfence  }
0xb8: {  	s30 =	sld [smem:$0x0];
	_ =	sdelay $0x2  }
0xb9: {  	s31 =	sshll.u32 s1, $0xD;
	s1 =	sshrl.u32 s1, $0x2  }
0xba: {  	s3 =	sand.u32 $0x4000, s31;
	s1 =	sadd.s32 s1, s30  }
0xbb: {  	s0 =	sor.u32 s3, s0;
	s1 =	sshll.u32 s1, $0x11  }
0xbc: {  	s0 =	sor.u32 s1, s0  }
0xbd: {  	s0 =	sadd.s32 $0x8F2B, s0  }
0xbe: {  	[sflag:s0] =	ssyncadd.remote.s32 $0x1  }
0xbf: {  	_ =	sfence.sel $0xFFFF  }
0xc0: {  	[dreg:$0x0] =	wrdreg $0xFFFFFFFF;
	(pc) =	sbr.abs _section_cstart, $3  }
0xc1: {  	[dreg:$0x1] =	wrdreg $0xFFFFFFFF  }
0xc2: {  	_ =	task.clear_ibuf [dreg:s7], $0x2FFFF;
	_ =	strace $0x9FFFFFFF  }
0xc3: {  	(tm) =	ssettm $0x7FFFFFFF  }
tec
execute0_lowered:
.L_overlay_start_1:
0x0: {  	(tag) =	ssettag $0x1  }
0x1: {  	s1 =	rddreg [dreg:$0x0]  }
0x2: {  	s0 =	rddreg [dreg:$0x1]  }
0x3: {  	s2 =	rddreg [dreg:$0x2]  }
0x4: {  	s3 =	simm.s32 $0x0;
	s5 =	srdreg.scid;
	s21 =	stileid.u32  }
0x5: {  	s28 =	simm.s32 $0x80;
	s29 =	simm.s32 $0x180;
	s30 =	simm.s32 $0x1  }
0x6: {  	s31 =	simm.s32 $0x3;
	[smem:$0x7FF] =	sst s3;
	s7 =	smul.u32 $0x50000, s21  }
0x7: {  	s4 =	sadd.s32 $0x3200, s0;
	s10 =	sadd.s32 $0xD200, s0;
	s12 =	smul.u32 $0x14000, s21  }
0x8: {  	s11 =	sand.u32 $0x1, s5;
	s0 =	sadd.s32 $0x2B200, s0;
	s22 =	smul.u32 $0x2800, s21  }
0x9: {  	_ =	strace $0x8000004A;
	s5 =	ssub.s32 $0x2, s11;
	s19 =	smul.u32 $0x140000, s11  }
0xa: {  	s6 =	sshll.u32 s11, $0x4;
	s11 =	smul.u32 $0x28000, s11;
	s8 =	sshrl.u32 s5, $0x1  }
0xb: {  	s6 =	sor.u32 s21, s6;
	s23 =	sshrl.u32 s7, $0x2;
	s15 =	sadd.s32 $0x4000, s12  }
0xc: {  	s16 =	sadd.s32 $0x8000, s12;
	s17 =	sadd.s32 $0xC000, s12;
	s18 =	sadd.s32 $0x10000, s12  }
0xd: {  	s13 =	ssub.s32 s5, s8;
	s14 =	smul.u32 $0x2800, s6;
	s5 =	sadd.s32 s23, s2  }
0xe: {  	s6 =	sadd.s32 s15, s2;
	s7 =	sadd.s32 s16, s2;
	s8 =	sadd.s32 s17, s2  }
0xf: {  	s9 =	sadd.s32 s18, s2;
	s12 =	sadd.s32 s12, s19;
	s15 =	sadd.s32 s19, s15  }
0x10: {  	s16 =	sadd.s32 s19, s16;
	s23 =	sadd.s32 s19, s17;
	s12 =	sshrl.u32 s12, $0x3  }
0x11: {  	s11 =	sadd.s32 s22, s11;
	s14 =	sshrl.u32 s14, $0x3;
	s12 =	sadd.s32 s0, s12  }
0x12: {  	s20 =	sadd.s32 s4, s14;
	s24 =	sor.u32 $0x10, s14;
	[dreg:$0x8] =	wrdreg s12  }
0x13: {  	s14 =	sadd.s32 s10, s14;
	s12 =	sshrl.u32 s15, $0x3;
	[dreg:$0x4] =	wrdreg s20  }
0x14: {  	[dreg:$0x5] =	wrdreg s14;
	s25 =	sadd.s32 s4, s24;
	s26 =	sadd.s32 s10, s24  }
0x15: {  	s12 =	sadd.s32 s0, s12;
	s20 =	sshrl.u32 s16, $0x3;
	[dreg:$0x6] =	wrdreg s25  }
0x16: {  	s24 =	sadd.s32 s19, s18;
	s19 =	smax.u32 s13, $0x1;
	[dreg:$0x7] =	wrdreg s26  }
0x17: {  	s13 =	simm.s32 $0x0;
	[dreg:$0x9] =	wrdreg s12;
	s12 =	sadd.s32 s0, s20  }
0x18: {  	s15 =	sshrl.u32 s24, $0x3;
	s25 =	sor.u32 $0x180, s11;
	s11 =	sor.u32 $0x100, s11  }
0x19: {  	s24 =	simm.s32 $0x200;
	[dreg:$0xa] =	wrdreg s12;
	s12 =	sshrl.u32 s23, $0x3  }
0x1a: {  	s18 =	sadd.s32 s0, s15;
	s26 =	sshrl.u32 s11, $0x3;
	s11 =	simm.s32 $0x7  }
0x1b: {  	s17 =	sadd.s32 s0, s12;
	s0 =	sshrl.u32 s25, $0x3;
	s22 =	sadd.s32 s26, s10  }
0x1c: {  	s23 =	sadd.s32 s26, s4;
	s25 =	simm.s32 $0x5;
	s26 =	simm.s32 $0x100  }
0x1d: {  	s12 =	simm.s32 $0x6;
	s20 =	sadd.s32 s0, s10;
	s21 =	sadd.s32 s0, s4  }
0x1e: {  	v0 =	vimm.f32 $0.0e+00;
	s0 =	simm.s32 $0x2;
	s4 =	simm.s32 $0x4;
	s10 =	simm.s32 $0x4200  }
.LBB2_1:
0x1f: {  	s14 =	simm.s32 $0x0;
	s15 =	simm.s32 $0x200  }
.LBB2_2:
0x20: {  	p0 =	sne.s32 s15, $0xFE00;
	[tilespmem:s14+$0x270] =	vst v0  }
0x21: {  	[tilespmem:s14+$0x200] =	vst v0  }
0x22: {  	[tilespmem:s14+$0x210] =	vst v0  }
.Ltmp0:
0x23: {  	[tilespmem:s14+$0x220] =	vst v0;
	(pc) =	sbr.rel @p0 .LBB2_2-.Ltmp0, $4  }
0x24: {  	[tilespmem:s14+$0x230] =	vst v0  }
0x25: {  	[tilespmem:s14+$0x240] =	vst v0  }
0x26: {  	[tilespmem:s14+$0x250] =	vst v0  }
0x27: {  	[tilespmem:s14+$0x260] =	vst v0;
	s14 =	sshra.s32 s15, $0x2;
	s15 =	sadd.s32 $0x200, s15  }
0x28: {  	[tilespmem:s14+$0x270] =	vst v0  }
0x29: {  	[tilespmem:s14+$0x200] =	vst v0  }
0x2a: {  	[tilespmem:s14+$0x210] =	vst v0  }
0x2b: {  	[tilespmem:s14+$0x220] =	vst v0  }
0x2c: {  	[tilespmem:s14+$0x230] =	vst v0  }
0x2d: {  	[tilespmem:s14+$0x240] =	vst v0  }
0x2e: {  	[tilespmem:s14+$0x250] =	vst v0  }
0x2f: {  	[tilespmem:s14+$0x260] =	vst v0  }
0x30: {  	[spmem:s5] =	stream.linear.scatter [tilespmem:s24], [sflag:$0x5], $0x4000, $0x38;
	[tilespmem:$0x1C200] =	vst v63  }
0x31: {  	_ = 	snop  }
0x32: {  	[spmem:s6] =	stream.linear.scatter [tilespmem:s24], [sflag:$0x5], $0x4000, $0x38;
	[tilespmem:$0x1C200] =	vst v63  }
0x33: {  	_ = 	snop  }
0x34: {  	[spmem:s7] =	stream.linear.scatter [tilespmem:s24], [sflag:$0x5], $0x4000, $0x38;
	[tilespmem:$0x1C200] =	vst v63  }
0x35: {  	_ = 	snop  }
0x36: {  	[spmem:s8] =	stream.linear.scatter [tilespmem:s24], [sflag:$0x5], $0x4000, $0x38;
	[tilespmem:$0x1C200] =	vst v63  }
0x37: {  	_ = 	snop  }
0x38: {  	[spmem:s9] =	stream.linear.scatter [tilespmem:s24], [sflag:$0x5], $0x4000, $0x38;
	[tilespmem:$0x1C200] =	vst v63  }
0x39: {  	_ =	swait.ge [sflag:s25], $0x4000  }
0x3a: {  	[sflag:s25] =	ssyncset.done $0x0  }
0x3b: {  	[sflag:s25] =	ssyncadd.s32 $0xFFFFC000  }
0x3c: {  	_ =	swait.ge [sflag:s25], $0x4000  }
0x3d: {  	[sflag:s25] =	ssyncset.done $0x0  }
0x3e: {  	[sflag:s25] =	ssyncadd.s32 $0xFFFFC000  }
0x3f: {  	_ =	swait.ge [sflag:s25], $0x4000  }
0x40: {  	[sflag:s25] =	ssyncset.done $0x0  }
0x41: {  	[sflag:s25] =	ssyncadd.s32 $0xFFFFC000  }
0x42: {  	_ =	swait.ge [sflag:s25], $0x4000  }
0x43: {  	[sflag:s25] =	ssyncset.done $0x0  }
0x44: {  	[sflag:s25] =	ssyncadd.s32 $0xFFFFC000  }
0x45: {  	_ =	swait.ge [sflag:s25], $0x4000  }
0x46: {  	[sflag:s25] =	ssyncset.done $0x0  }
0x47: {  	[sflag:s25] =	ssyncadd.s32 $0xFFFFC000  }
0x48: {  	[bflag:$0x0] =	sbarrier.arrive $0xFFFF  }
0x49: {  	s14 =	simm.s32 $0x0;
	s15 =	rddreg [dreg:$0x4]  }
0x4a: {  	[tilespmem:s14], [sflag:$0x1] =	stream.linear.gather [hbm4b:s15+s14], $0x80, $0x38;
	[tilespmem:$0x1C200] =	vst v63  }
0x4b: {  	s16 =	rddreg [dreg:$0x5]  }
0x4c: {  	[tilespmem:s26], [sflag:$0x3] =	stream.linear.gather [hbm4b:s16+s14], $0x80, $0x38;
	[tilespmem:$0x1C200] =	vst v63  }
0x4d: {  	s16 =	rddreg [dreg:$0x6]  }
0x4e: {  	[tilespmem:s28], [sflag:$0x2] =	stream.linear.gather [hbm4b:s16+s14], $0x80, $0x38;
	[tilespmem:$0x1C200] =	vst v63  }
0x4f: {  	s16 =	rddreg [dreg:$0x7]  }
0x50: {  	[tilespmem:s29], [sflag:$0x4] =	stream.linear.gather [hbm4b:s16+s14], $0x80, $0x38;
	[tilespmem:$0x1C200] =	vst v63  }
0x51: {  	_ =	swait.ge [sflag:s30], $0x80  }
0x52: {  	[sflag:s30] =	ssyncset.done $0x0  }
0x53: {  	[sflag:s30] =	ssyncadd.s32 $0xFFFFFF80  }
0x54: {  	_ =	swait.ge [sflag:s31], $0x80  }
0x55: {  	[sflag:s31] =	ssyncset.done $0x0  }
0x56: {  	[sflag:s31] =	ssyncadd.s32 $0xFFFFFF80  }
0x57: {  	[tilespmem:s24], [sflag:$0x5] =	stream.indirect.gather [hbm4b:s1+s28], $0x80, s14, s28, $0xb8;
	[tilespmem:$0x1C200] =	vst v63  }
0x58: {  	_ =	swait.ge [sflag:s0], $0x80  }
0x59: {  	[sflag:s0] =	ssyncset.done $0x0  }
0x5a: {  	[sflag:s0] =	ssyncadd.s32 $0xFFFFFF80  }
0x5b: {  	_ =	swait.ge [sflag:s4], $0x80  }
0x5c: {  	[sflag:s4] =	ssyncset.done $0x0  }
0x5d: {  	[sflag:s4] =	ssyncadd.s32 $0xFFFFFF80  }
0x5e: {  	[tilespmem:s10], [sflag:$0x6] =	stream.indirect.gather [hbm4b:s1+s28], $0x80, s28, s28, $0xb8;
	[tilespmem:$0x1C200] =	vst v63  }
0x5f: {  	_ =	swait.ge [sflag:s25], $0x4000  }
0x60: {  	[sflag:s25] =	ssyncset.done $0x0  }
0x61: {  	[sflag:s25] =	ssyncadd.s32 $0xFFFFC000  }
0x62: {  	[spmem:s2] =	stream.indirect.scatter.add.f32 [tilespmem:s24], [sflag:$0x7], $0x80, s26, s28, $0xb8;
	[tilespmem:$0x1C200] =	vst v63  }
0x63: {  	_ =	swait.ge [sflag:s11], $0x4000  }
0x64: {  	[sflag:s11] =	ssyncset.done $0x0  }
0x65: {  	s16 =	sadd.s32 $0x0, s23;
	[sflag:s11] =	ssyncadd.s32 $0xFFFFC000  }
0x66: {  	[tilespmem:s3], [sflag:$0x1] =	stream.linear.gather [hbm4b:s16+s3], $0x80, $0x38;
	[tilespmem:$0x1C200] =	vst v63  }
0x67: {  	s15 =	sadd.s32 $0x0, s22  }
0x68: {  	[tilespmem:s26], [sflag:$0x3] =	stream.linear.gather [hbm4b:s15+s3], $0x80, $0x38;
	[tilespmem:$0x1C200] =	vst v63  }
0x69: {  	_ =	swait.ge [sflag:s30], $0x80  }
0x6a: {  	[sflag:s30] =	ssyncset.done $0x0  }
0x6b: {  	[sflag:s30] =	ssyncadd.s32 $0xFFFFFF80  }
0x6c: {  	_ =	swait.ge [sflag:s31], $0x80  }
0x6d: {  	[sflag:s31] =	ssyncset.done $0x0  }
0x6e: {  	[sflag:s31] =	ssyncadd.s32 $0xFFFFFF80  }
0x6f: {  	[tilespmem:s24], [sflag:$0x5] =	stream.indirect.gather [hbm4b:s1+s28], $0x80, s3, s28, $0xb8;
	[tilespmem:$0x1C200] =	vst v63  }
0x70: {  	_ =	swait.ge [sflag:s12], $0x4000  }
0x71: {  	[sflag:s12] =	ssyncset.done $0x0  }
0x72: {  	[sflag:s12] =	ssyncadd.s32 $0xFFFFC000  }
0x73: {  	[spmem:s2] =	stream.indirect.scatter.add.f32 [tilespmem:s10], [sflag:$0x7], $0x80, s29, s28, $0xb8;
	[tilespmem:$0x1C200] =	vst v63  }
0x74: {  	_ =	swait.ge [sflag:s11], $0x4000  }
0x75: {  	s14 =	simm.s32 $0x20;
	[sflag:s11] =	ssyncset.done $0x0  }
0x76: {  	s16 =	sadd.s32 $0x0, s21;
	s15 =	sadd.s32 $0x0, s20;
	[sflag:s11] =	ssyncadd.s32 $0xFFFFC000  }
0x77: {  	[tilespmem:s28], [sflag:$0x2] =	stream.linear.gather [hbm4b:s16+s3], $0x80, $0x38;
	[tilespmem:$0x1C200] =	vst v63  }
.LBB2_4:
0x78: {  	[tilespmem:s29], [sflag:$0x4] =	stream.linear.gather [hbm4b:s15+s3], $0x80, $0x38;
	[tilespmem:$0x1C200] =	vst v63  }
0x79: {  	s15 =	smov.u32 s14  }
0x7a: {  	p0 =	sne.s32 s14, $0x4C0;
	s14 =	sadd.s32 $0x20, s14;
	_ =	swait.ge [sflag:s0], $0x80  }
0x7b: {  	[sflag:s0] =	ssyncset.done $0x0  }
0x7c: {  	[sflag:s0] =	ssyncadd.s32 $0xFFFFFF80  }
0x7d: {  	_ =	swait.ge [sflag:s4], $0x80  }
0x7e: {  	[sflag:s4] =	ssyncset.done $0x0  }
0x7f: {  	[sflag:s4] =	ssyncadd.s32 $0xFFFFFF80  }
0x80: {  	[tilespmem:s10], [sflag:$0x6] =	stream.indirect.gather [hbm4b:s1+s28], $0x80, s28, s28, $0xb8;
	[tilespmem:$0x1C200] =	vst v63  }
0x81: {  	_ =	swait.ge [sflag:s25], $0x4000  }
0x82: {  	[sflag:s25] =	ssyncset.done $0x0  }
0x83: {  	[sflag:s25] =	ssyncadd.s32 $0xFFFFC000  }
0x84: {  	[spmem:s2] =	stream.indirect.scatter.add.f32 [tilespmem:s24], [sflag:$0x7], $0x80, s26, s28, $0xb8;
	[tilespmem:$0x1C200] =	vst v63  }
0x85: {  	_ =	swait.ge [sflag:s11], $0x4000  }
0x86: {  	[sflag:s11] =	ssyncset.done $0x0  }
0x87: {  	s16 =	sadd.s32 s15, s23;
	[sflag:s11] =	ssyncadd.s32 $0xFFFFC000  }
0x88: {  	[tilespmem:s3], [sflag:$0x1] =	stream.linear.gather [hbm4b:s16+s3], $0x80, $0x38;
	[tilespmem:$0x1C200] =	vst v63  }
0x89: {  	s16 =	sadd.s32 s15, s22  }
0x8a: {  	[tilespmem:s26], [sflag:$0x3] =	stream.linear.gather [hbm4b:s16+s3], $0x80, $0x38;
	[tilespmem:$0x1C200] =	vst v63  }
0x8b: {  	_ =	swait.ge [sflag:s30], $0x80  }
0x8c: {  	[sflag:s30] =	ssyncset.done $0x0  }
0x8d: {  	[sflag:s30] =	ssyncadd.s32 $0xFFFFFF80  }
0x8e: {  	_ =	swait.ge [sflag:s31], $0x80  }
0x8f: {  	[sflag:s31] =	ssyncset.done $0x0  }
0x90: {  	[sflag:s31] =	ssyncadd.s32 $0xFFFFFF80  }
0x91: {  	[tilespmem:s24], [sflag:$0x5] =	stream.indirect.gather [hbm4b:s1+s28], $0x80, s3, s28, $0xb8;
	[tilespmem:$0x1C200] =	vst v63  }
0x92: {  	_ =	swait.ge [sflag:s12], $0x4000  }
0x93: {  	[sflag:s12] =	ssyncset.done $0x0  }
0x94: {  	[sflag:s12] =	ssyncadd.s32 $0xFFFFC000  }
0x95: {  	[spmem:s2] =	stream.indirect.scatter.add.f32 [tilespmem:s10], [sflag:$0x7], $0x80, s29, s28, $0xb8;
	[tilespmem:$0x1C200] =	vst v63  }
.Ltmp1:
0x96: {  	_ =	swait.ge [sflag:s11], $0x4000;
	(pc) =	sbr.rel @p0 .LBB2_4-.Ltmp1, $4  }
0x97: {  	[sflag:s11] =	ssyncset.done $0x0  }
0x98: {  	s16 =	sadd.s32 s15, s21;
	[sflag:s11] =	ssyncadd.s32 $0xFFFFC000  }
0x99: {  	[tilespmem:s28], [sflag:$0x2] =	stream.linear.gather [hbm4b:s16+s3], $0x80, $0x38;
	[tilespmem:$0x1C200] =	vst v63  }
0x9a: {  	s15 =	sadd.s32 s15, s20  }
0x9b: {  	[tilespmem:s29], [sflag:$0x4] =	stream.linear.gather [hbm4b:s15+s3], $0x80, $0x38;
	[tilespmem:$0x1C200] =	vst v63  }
0x9c: {  	_ =	swait.ge [sflag:s0], $0x80  }
0x9d: {  	[sflag:s0] =	ssyncset.done $0x0  }
0x9e: {  	[sflag:s0] =	ssyncadd.s32 $0xFFFFFF80  }
0x9f: {  	_ =	swait.ge [sflag:s4], $0x80  }
0xa0: {  	[sflag:s4] =	ssyncset.done $0x0  }
0xa1: {  	[sflag:s4] =	ssyncadd.s32 $0xFFFFFF80  }
0xa2: {  	[tilespmem:s10], [sflag:$0x6] =	stream.indirect.gather [hbm4b:s1+s28], $0x80, s28, s28, $0xb8;
	[tilespmem:$0x1C200] =	vst v63  }
0xa3: {  	_ =	swait.ge [sflag:s25], $0x4000  }
0xa4: {  	[sflag:s25] =	ssyncset.done $0x0  }
0xa5: {  	[sflag:s25] =	ssyncadd.s32 $0xFFFFC000  }
0xa6: {  	[spmem:s2] =	stream.indirect.scatter.add.f32 [tilespmem:s24], [sflag:$0x7], $0x80, s26, s28, $0xb8;
	[tilespmem:$0x1C200] =	vst v63  }
0xa7: {  	_ =	swait.ge [sflag:s11], $0x4000  }
0xa8: {  	[sflag:s11] =	ssyncset.done $0x0  }
0xa9: {  	[sflag:s11] =	ssyncadd.s32 $0xFFFFC000  }
0xaa: {  	_ =	swait.ge [sflag:s12], $0x4000  }
0xab: {  	[sflag:s12] =	ssyncset.done $0x0  }
0xac: {  	[sflag:s12] =	ssyncadd.s32 $0xFFFFC000  }
0xad: {  	[spmem:s2] =	stream.indirect.scatter.add.f32 [tilespmem:s10], [sflag:$0x7], $0x80, s29, s28, $0xb8;
	[tilespmem:$0x1C200] =	vst v63  }
0xae: {  	_ =	swait.ge [sflag:s11], $0x4000  }
0xaf: {  	[sflag:s11] =	ssyncset.done $0x0  }
0xb0: {  	s14 =	stileid.u32;
	[sflag:s11] =	ssyncadd.s32 $0xFFFFC000  }
0xb1: {  	s14 =	sshll.u32 s14, $0x6;
	[bflag:$0x0] =	sbarrier.arrive $0xFFFF  }
0xb2: {  	s15 =	sshrl.u32 s5, $0x3;
	s14 =	sor.u32 $0x1C05, s14;
	s16 =	rddreg [dreg:$0x8]  }
0xb3: {  	[hbm:s16], [sflag:s14] =	dma.local [spmem:s15], $0x800  }
0xb4: {  	s15 =	sshrl.u32 s6, $0x3;
	s16 =	rddreg [dreg:$0x9]  }
0xb5: {  	[hbm:s16], [sflag:s14] =	dma.local [spmem:s15], $0x800  }
0xb6: {  	s15 =	sshrl.u32 s7, $0x3;
	s16 =	rddreg [dreg:$0xa]  }
0xb7: {  	[hbm:s16], [sflag:s14] =	dma.local [spmem:s15], $0x800  }
0xb8: {  	s16 =	sshrl.u32 s8, $0x3  }
0xb9: {  	[hbm:s17], [sflag:s14] =	dma.local [spmem:s16], $0x800  }
0xba: {  	s16 =	sshrl.u32 s9, $0x3  }
0xbb: {  	[hbm:s18], [sflag:s14] =	dma.local [spmem:s16], $0x800  }
0xbc: {  	_ =	swait.ge [sflag:s25], $0x800  }
0xbd: {  	[sflag:s25] =	ssyncset.done $0x0  }
0xbe: {  	[sflag:s25] =	ssyncadd.s32 $0xFFFFF800  }
0xbf: {  	_ =	swait.ge [sflag:s25], $0x800  }
0xc0: {  	[sflag:s25] =	ssyncset.done $0x0  }
0xc1: {  	[sflag:s25] =	ssyncadd.s32 $0xFFFFF800  }
0xc2: {  	_ =	swait.ge [sflag:s25], $0x800  }
0xc3: {  	[sflag:s25] =	ssyncset.done $0x0  }
0xc4: {  	s13 =	sadd.s32 $0x1, s13;
	[sflag:s25] =	ssyncadd.s32 $0xFFFFF800  }
0xc5: {  	p0 =	sne.s32 s13, s19;
	_ =	swait.ge [sflag:s25], $0x800  }
.Ltmp2:
0xc6: {  	[sflag:s25] =	ssyncset.done $0x0;
	(pc) =	sbr.rel @p0 .LBB2_1-.Ltmp2, $4  }
0xc7: {  	[sflag:s25] =	ssyncadd.s32 $0xFFFFF800  }
0xc8: {  	_ =	swait.ge [sflag:s25], $0x800  }
0xc9: {  	[sflag:s25] =	ssyncset.done $0x0  }
0xca: {  	[sflag:s25] =	ssyncadd.s32 $0xFFFFF800  }
0xcb: {  	_ =	sfence.sel $0x180000  }
0xcc: {  	[bflag:$0x0] =	sbarrier.arrive $0xFFFF  }
0xcd: {  	_ =	strace $0x9000004A  }
0xce: {  	s0 =	stileid.u32;
	[bflag:$0x2] =	sbarrier.arrive $0xFFFF  }
0xcf: {  	p0 =	sne.s32 s0, $0x0;
	s0 =	rddreg [dreg:$0x3]  }
0xd0: {  	s0 =	sadd.s32 @!p0 $0x100000, s0  }
0xd1: {  	[sflag:s0] =	ssyncadd.tile.s32 @!p0 $0x1;
	_ =	shalt  }
.Lfunc_end2:
_tile_overlayer_lowered:
.L_overlay_start_2:
0xd2: {  	(tag) =	ssettag $0x2  }
0xd3: {  	s0 =	rddreg [dreg:$0x0];
	s2 =	stileid.u32  }
0xd4: {  	s1 =	rddreg [dreg:$0x1];
	p0 =	sne.s32 s2, $0x0  }
0xd5: {  	s3 =	rddreg [dreg:$0x2];
	[bflag:$0x3] =	sbarrier.arrive $0xFFFF;
	s2 =	simm.s32 @!p0 $0x1C07  }
0xd6: {  	[timem:s3], [sflag:s2] =	dma.local @!p0 [hbm:s0], s1  }
0xd7: {  	s0 =	simm.s32 @!p0 $0x7  }
0xd8: {  	_ =	swait.ge @!p0 [sflag:s0], s1  }
0xd9: {  	s1 =	ssub.s32 @!p0 $0x0, s1;
	[sflag:s0] =	ssyncset.done @!p0 $0x0  }
0xda: {  	[sflag:s0] =	ssyncadd.s32 @!p0 s1  }
0xdb: {  	[bflag:$0x3] =	sbarrier.arrive $0xFFFF  }
0xdc: {  	_ =	shalt  }

// kernel: kernel.16.cloned.1.call-start
scs
__scs_entry_jumppad:
0x0: {  	(pc) =	sbr.rel $0x88, $3  }
0x1: {  	(tag) =	ssettag $0x0;
	lr =	simm.s32 $0x1  }
0x2: {  	[smem:$0x3F99] =	sst lr;
	_ =	strace $0xD0000000  }
0x3: {  	_ = 	snop  }
0x4: {  	_ = 	snop  }
0x5: {  	_ = 	snop  }
0x6: {  	_ = 	snop  }
0x7: {  	_ = 	snop  }
__scs_overlays_trampoline_lowered:
0x8: {  	[smem:$0x3FA8] =	sst s0  }
0x9: {  	[smem:$0x3FA9] =	sst s1  }
0xa: {  	[smem:$0x3FAA] =	sst s2  }
0xb: {  	[smem:$0x3FAB] =	sst s3  }
0xc: {  	[smem:$0x3FAC] =	sst s4  }
0xd: {  	[smem:$0x3FAD] =	sst s5  }
0xe: {  	[smem:$0x3FAE] =	sst s6  }
0xf: {  	[smem:$0x3FAF] =	sst s7  }
0x10: {  	[smem:$0x3FB0] =	sst s8  }
0x11: {  	[smem:$0x3FB1] =	sst s9;
	s0 =	simm.s32 @!p0 $0x0  }
0x12: {  	s1 =	sld [smem:$0x3F97];
	s0 =	simm.s32 @p0 $0x1  }
0x13: {  	[smem:$0x3FB2] =	sst s0;
	s0 =	simm.s32 @!p1 $0x0  }
0x14: {  	s2 =	sld [smem:$0x3F96];
	s0 =	simm.s32 @p1 $0x1  }
0x15: {  	[smem:$0x3FB3] =	sst s0;
	s0 =	simm.s32 @!p2 $0x0  }
0x16: {  	s3 =	sld [smem:$0x3FDB];
	s0 =	simm.s32 @p2 $0x1  }
0x17: {  	s4 =	simm.s32 $0x1BF5;
	[smem:$0x3FB5] =	sst s0  }
0x18: {  	s0 =	sld [smem:$0x3F98];
	_ =	swait.ge [sflag:s4], $0x0  }
0x19: {  	s7 =	sld [smem:$0x3F99]  }
0x1a: {  	s8 =	sadd.s32 $0xFFFFE003, lr  }
0x1b: {  	s9 =	sadd.s32 $0xFFFFFEF7, lr;
	s5 =	simm.s32 $0xFFFFFFFF;
	p2 =	slt.u32 s8, $0xFFFFF086  }
0x1c: {  	p1 =	slt.u32 s9, $0xF7A;
	s5 =	simm.s32 @!p2 $0x0  }
0x1d: {  	s5 =	simm.s32 @p1 $0x1;
	p0 =	seq.s32 s7, s2  }
0x1e: {  	s7 =	smul.u32 @!p0 $0xF7A, s2;
	p2 =	seq.s32 @!p0 s5, $0x0  }
0x1f: {  	s9 =	smul.u32 $0xF7A, s1;
	s8 =	simm.s32 @!p0 $0x1BF5;
	p2 =	por !p2, p0  }
0x20: {  	[sflag:s8] =	ssyncset.s32 @!p0 $0xFFFFF086;
	s6 =	sadd.s32 @!p0 s3, s7;
	s7 =	simm.s32 @!p0 $0x108  }
0x21: {  	s3 =	sadd.s32 s3, s9;
	s6 =	sadd.s32 @!p0 $0x88, s6;
	s7 =	simm.s32 @p2 $0x1082  }
0x22: {  	[simem:s7], [sflag:s8] =	dma.local @!p0 [hbm:s6], $0xF7A  }
0x23: {  	s9 =	sor.u32 $0xD0000000, s2;
	s6 =	simm.s32 $0x108;
	_ =	swait.ge @!p0 [sflag:s8], $0x0  }
0x24: {  	s3 =	sadd.s32 $0x88, s3;
	s6 =	simm.s32 @!p1 $0x1082;
	[sflag:s4] =	ssyncset.s32 $0xFFFFF086  }
0x25: {  	[simem:s6], [sflag:s4] =	dma.local [hbm:s3], $0xF7A  }
0x26: {  	[smem:$0x3F99] =	sst s1;
	(tag) =	ssettag s2;
	_ =	strace s9  }
0x27: {  	s1 =	sld [smem:$0x3FA9]  }
0x28: {  	s2 =	sld [smem:$0x3FAA]  }
0x29: {  	s4 =	sld [smem:$0x3FAC]  }
0x2a: {  	p0 =	seq.s32 s5, $0x0;
	s5 =	sld [smem:$0x3FAD]  }
0x2b: {  	s6 =	sld [smem:$0x3FAE]  }
0x2c: {  	s7 =	sld [smem:$0x3FAF]  }
0x2d: {  	s3 =	simm.s32 $0x108;
	s8 =	sld [smem:$0x3FB0]  }
0x2e: {  	s3 =	simm.s32 @!p0 $0x1082;
	s9 =	sld [smem:$0x3FB1]  }
0x2f: {  	lr =	sadd.s32 s0, s3;
	s0 =	sld [smem:$0x3FA8]  }
0x30: {  	s3 =	sld [smem:$0x3FAB]  }
0x31: {  	[smem:$0x3FB4] =	sst s10  }
0x32: {  	s10 =	sld [smem:$0x3FB2];
	_ =	sdelay $0x3  }
0x33: {  	p0 =	seq.s32 s10, $0x1;
	s10 =	sld [smem:$0x3FB4];
	_ =	sdelay $0x3  }
0x34: {  	[smem:$0x3FB4] =	sst s10  }
0x35: {  	s10 =	sld [smem:$0x3FB3];
	_ =	sdelay $0x3  }
0x36: {  	p1 =	seq.s32 s10, $0x1;
	s10 =	sld [smem:$0x3FB4];
	_ =	sdelay $0x3  }
0x37: {  	[smem:$0x3FB4] =	sst s10  }
0x38: {  	s10 =	sld [smem:$0x3FB5]  }
0x39: {  	_ = 	snop;
	(pc) =	sbr.ind lr, $3  }
0x3a: {  	_ = 	snop  }
0x3b: {  	_ = 	snop  }
0x3c: {  	p2 =	seq.s32 s10, $0x1;
	s10 =	sld [smem:$0x3FB4]  }
0x3d: {  	_ =	shalt  }
0x3e: {  	_ =	shalt  }
0x3f: {  	_ =	shalt  }
0x40: {  	_ =	shalt  }
0x41: {  	_ =	shalt  }
0x42: {  	_ =	shalt  }
0x43: {  	_ =	shalt  }
0x44: {  	_ =	shalt  }
0x45: {  	_ =	shalt  }
0x46: {  	_ =	shalt  }
0x47: {  	_ =	shalt  }
0x48: {  	_ =	shalt  }
0x49: {  	_ =	shalt  }
0x4a: {  	_ =	shalt  }
0x4b: {  	_ =	shalt  }
0x4c: {  	_ =	shalt  }
0x4d: {  	_ =	shalt  }
0x4e: {  	_ =	shalt  }
0x4f: {  	_ =	shalt  }
0x50: {  	_ =	shalt  }
0x51: {  	_ =	shalt  }
0x52: {  	_ =	shalt  }
0x53: {  	_ =	shalt  }
0x54: {  	_ =	shalt  }
0x55: {  	_ =	shalt  }
0x56: {  	_ =	shalt  }
0x57: {  	_ =	shalt  }
0x58: {  	_ =	shalt  }
0x59: {  	_ =	shalt  }
0x5a: {  	_ =	shalt  }
0x5b: {  	_ =	shalt  }
0x5c: {  	_ =	shalt  }
0x5d: {  	_ =	shalt  }
0x5e: {  	_ =	shalt  }
0x5f: {  	_ =	shalt  }
0x60: {  	_ =	shalt  }
0x61: {  	_ =	shalt  }
0x62: {  	_ =	shalt  }
0x63: {  	_ =	shalt  }
0x64: {  	_ =	shalt  }
0x65: {  	_ =	shalt  }
0x66: {  	_ =	shalt  }
0x67: {  	_ =	shalt  }
0x68: {  	_ =	shalt  }
0x69: {  	_ =	shalt  }
0x6a: {  	_ =	shalt  }
0x6b: {  	_ =	shalt  }
0x6c: {  	_ =	shalt  }
0x6d: {  	_ =	shalt  }
0x6e: {  	_ =	shalt  }
0x6f: {  	_ =	shalt  }
0x70: {  	_ =	shalt  }
0x71: {  	_ =	shalt  }
0x72: {  	_ =	shalt  }
0x73: {  	_ =	shalt  }
0x74: {  	_ =	shalt  }
0x75: {  	_ =	shalt  }
0x76: {  	_ =	shalt  }
0x77: {  	_ =	shalt  }
0x78: {  	_ =	shalt  }
0x79: {  	_ =	shalt  }
0x7a: {  	_ =	shalt  }
0x7b: {  	_ =	shalt  }
0x7c: {  	_ =	shalt  }
0x7d: {  	_ =	shalt  }
0x7e: {  	_ =	shalt  }
0x7f: {  	_ =	shalt  }
0x80: {  	_ =	shalt  }
0x81: {  	_ =	shalt  }
0x82: {  	_ =	shalt  }
0x83: {  	_ =	shalt  }
0x84: {  	_ =	shalt  }
0x85: {  	_ =	shalt  }
0x86: {  	_ =	shalt  }
0x87: {  	_ =	shalt  }
.Lfunc_end0:
.L_simem_size_0:
called_computation.2_lowered:
.L_overlay_start_0:
0x88: {  	s2 =	sld [smem:$0x3FD9]  }
0x89: {  	s3 =	sld [smem:$0x3FFE];
	_ =	sdelay $0x1  }
0x8a: {  	s1 =	srdreg.scid  }
0x8b: {  	s0 =	sand.u32 $0x1, s1  }
0x8c: {  	s17 =	sshll.u32 s0, $0xA;
	s2 =	sadd.s32 s3, s2  }
0x8d: {  	s2 =	sadd.s32 s2, s17  }
0x8e: {  	[smem:$0x3FC0] =	sst s2  }
0x8f: {  	_ = 	snop  }
0x90: {  	s2 =	sld [smem:$0x3FD0];
	(tm) =	ssettm $0x1  }
0x91: {  	s18 =	sld [smem:$0x3FFB];
	_ =	sdelay $0x3  }
0x92: {  	_ =	strace s18  }
0x93: {  	s3 =	sld [smem:$0x3FFC];
	_ =	sdelay $0x3  }
0x94: {  	_ =	strace s3  }
0x95: {  	s3 =	sld [smem:$0x3FFD];
	_ =	sdelay $0x3  }
0x96: {  	_ =	strace s3  }
0x97: {  	_ =	strace $0x8FFFFFFF  }
0x98: {  	s19 =	sld [smem:$0x3FDB];
	_ =	sdelay $0x1  }
0x99: {  	s4 =	simm.s32 $_scs_section_size  }
0x9a: {  	s5 =	simm.s32 $_size__tile_overlayer_lowered;
	s6 =	simm.s32 $_tile_overlayer_lowered  }
0x9b: {  	s22 =	simm.s32 $0x1BFF;
	s21 =	sshll.u32 s6, $0x1;
	s3 =	sadd.s32 s4, s19  }
0x9c: {  	s7 =	simm.s32 $0x0;
	s20 =	sshll.u32 s5, $0x1;
	s5 =	sadd.s32 s21, s3  }
0x9d: {  	[timem:s7], [sflag:s22] =	dma.local [hbm:s5], s20  }
0x9e: {  	_ =	swait.ge [sflag:s22], s20  }
0x9f: {  	s4 =	ssub.s32 $0x0, s20;
	[sflag:s22] =	ssyncset.done $0x0  }
0xa0: {  	[sflag:s22] =	ssyncadd.s32 s4;
	_ =	sdelay $0x1  }
0xa1: {  	s23 =	simm.s32 $0x1B8B  }
0xa2: {  	_ =	swait.ge [sflag:s23], $0x1  }
0xa3: {  	[sflag:s23] =	ssyncset.done $0x0  }
0xa4: {  	s25 =	simm.s32 $0x1B8E;
	s24 =	sld [smem:$0x3FFE];
	[sflag:s23] =	ssyncadd.s32 $0xFFFFFFFF  }
0xa5: {  	s26 =	simm.s32 $execute0_lowered;
	[smem:$0x3FD2] =	sst s25  }
0xa6: {  	s5 =	sshll.u32 s26, $0x1;
	_ =	strace $0x8000004C;
	[dreg:$0x1] =	wrdreg $0xFFFFFFFF  }
0xa7: {  	s28 =	simm.s32 $_size_execute0_lowered;
	s3 =	sadd.s32 s3, s5;
	[dreg:$0x0] =	wrdreg $0x0  }
0xa8: {  	s5 =	sshll.u32 s28, $0x1;
	[dreg:$0x2] =	wrdreg s3  }
0xa9: {  	[dreg:$0x3] =	wrdreg s5  }
0xaa: {  	[dreg:$0x4] =	wrdreg $0xC0  }
0xab: {  	_ =	task [dreg:s7], $0x5FFFF  }
0xac: {  	[dreg:$0x1] =	wrdreg $0xFFFFFFFF  }
0xad: {  	[dreg:$0x0] =	wrdreg $0x60  }
0xae: {  	[dreg:$0x2] =	wrdreg s2  }
0xaf: {  	[dreg:$0x3] =	wrdreg s24  }
0xb0: {  	[dreg:$0x4] =	wrdreg $0x82000  }
0xb1: {  	[dreg:$0x5] =	wrdreg $0x9  }
0xb2: {  	_ =	task.clear_ibuf [dreg:s7], $0x6FFFF;
	_ =	strace $0x9000004C  }
0xb3: {  	s29 =	simm.s32 $0x9;
	_ =	strace $0x8000004E  }
0xb4: {  	_ =	swait.ge [sflag:s29], $0x1  }
0xb5: {  	[sflag:s29] =	ssyncadd.s32 $0xFFFFFFFF  }
0xb6: {  	_ =	strace $0x9000004E  }
0xb7: {  	_ =	sfence  }
0xb8: {  	s30 =	sld [smem:$0x0];
	_ =	sdelay $0x2  }
0xb9: {  	s31 =	sshll.u32 s1, $0xD;
	s1 =	sshrl.u32 s1, $0x2  }
0xba: {  	s3 =	sand.u32 $0x4000, s31;
	s1 =	sadd.s32 s1, s30  }
0xbb: {  	s0 =	sor.u32 s3, s0;
	s1 =	sshll.u32 s1, $0x11  }
0xbc: {  	s0 =	sor.u32 s1, s0  }
0xbd: {  	s0 =	sadd.s32 $0x8F2B, s0  }
0xbe: {  	[sflag:s0] =	ssyncadd.remote.s32 $0x1  }
0xbf: {  	_ =	sfence.sel $0xFFFF  }
0xc0: {  	[dreg:$0x0] =	wrdreg $0xFFFFFFFF;
	(pc) =	sbr.abs _section_cstart, $3  }
0xc1: {  	[dreg:$0x1] =	wrdreg $0xFFFFFFFF  }
0xc2: {  	_ =	task.clear_ibuf [dreg:s7], $0x2FFFF;
	_ =	strace $0x9FFFFFFF  }
0xc3: {  	(tm) =	ssettm $0x7FFFFFFF  }
tec
execute0_lowered:
.L_overlay_start_1:
0x0: {  	(tag) =	ssettag $0x1  }
0x1: {  	s1 =	rddreg [dreg:$0x0]  }
0x2: {  	s0 =	rddreg [dreg:$0x1]  }
0x3: {  	s2 =	rddreg [dreg:$0x2]  }
0x4: {  	s3 =	simm.s32 $0x0;
	s5 =	srdreg.scid;
	s21 =	stileid.u32  }
0x5: {  	s28 =	simm.s32 $0x80;
	s29 =	simm.s32 $0x180;
	s30 =	simm.s32 $0x1  }
0x6: {  	s31 =	simm.s32 $0x3;
	[smem:$0x7FF] =	sst s3;
	s7 =	smul.u32 $0x50000, s21  }
0x7: {  	s4 =	sadd.s32 $0x3200, s0;
	s10 =	sadd.s32 $0xD200, s0;
	s12 =	smul.u32 $0x14000, s21  }
0x8: {  	s11 =	sand.u32 $0x1, s5;
	s0 =	sadd.s32 $0x17200, s0;
	s22 =	smul.u32 $0x2800, s21  }
0x9: {  	_ =	strace $0x8000004D;
	s5 =	ssub.s32 $0x2, s11;
	s19 =	smul.u32 $0x140000, s11  }
0xa: {  	s6 =	sshll.u32 s11, $0x4;
	s11 =	smul.u32 $0x28000, s11;
	s8 =	sshrl.u32 s5, $0x1  }
0xb: {  	s6 =	sor.u32 s21, s6;
	s23 =	sshrl.u32 s7, $0x2;
	s15 =	sadd.s32 $0x4000, s12  }
0xc: {  	s16 =	sadd.s32 $0x8000, s12;
	s17 =	sadd.s32 $0xC000, s12;
	s18 =	sadd.s32 $0x10000, s12  }
0xd: {  	s13 =	ssub.s32 s5, s8;
	s14 =	smul.u32 $0x2800, s6;
	s5 =	sadd.s32 s23, s2  }
0xe: {  	s6 =	sadd.s32 s15, s2;
	s7 =	sadd.s32 s16, s2;
	s8 =	sadd.s32 s17, s2  }
0xf: {  	s9 =	sadd.s32 s18, s2;
	s12 =	sadd.s32 s12, s19;
	s15 =	sadd.s32 s19, s15  }
0x10: {  	s16 =	sadd.s32 s19, s16;
	s23 =	sadd.s32 s19, s17;
	s12 =	sshrl.u32 s12, $0x3  }
0x11: {  	s11 =	sadd.s32 s22, s11;
	s14 =	sshrl.u32 s14, $0x3;
	s12 =	sadd.s32 s0, s12  }
0x12: {  	s20 =	sadd.s32 s4, s14;
	s24 =	sor.u32 $0x10, s14;
	[dreg:$0x8] =	wrdreg s12  }
0x13: {  	s14 =	sadd.s32 s10, s14;
	s12 =	sshrl.u32 s15, $0x3;
	[dreg:$0x4] =	wrdreg s20  }
0x14: {  	[dreg:$0x5] =	wrdreg s14;
	s25 =	sadd.s32 s4, s24;
	s26 =	sadd.s32 s10, s24  }
0x15: {  	s12 =	sadd.s32 s0, s12;
	s20 =	sshrl.u32 s16, $0x3;
	[dreg:$0x6] =	wrdreg s25  }
0x16: {  	s24 =	sadd.s32 s19, s18;
	s19 =	smax.u32 s13, $0x1;
	[dreg:$0x7] =	wrdreg s26  }
0x17: {  	s13 =	simm.s32 $0x0;
	[dreg:$0x9] =	wrdreg s12;
	s12 =	sadd.s32 s0, s20  }
0x18: {  	s15 =	sshrl.u32 s24, $0x3;
	s25 =	sor.u32 $0x180, s11;
	s11 =	sor.u32 $0x100, s11  }
0x19: {  	s24 =	simm.s32 $0x200;
	[dreg:$0xa] =	wrdreg s12;
	s12 =	sshrl.u32 s23, $0x3  }
0x1a: {  	s18 =	sadd.s32 s0, s15;
	s26 =	sshrl.u32 s11, $0x3;
	s11 =	simm.s32 $0x7  }
0x1b: {  	s17 =	sadd.s32 s0, s12;
	s0 =	sshrl.u32 s25, $0x3;
	s22 =	sadd.s32 s26, s10  }
0x1c: {  	s23 =	sadd.s32 s26, s4;
	s25 =	simm.s32 $0x5;
	s26 =	simm.s32 $0x100  }
0x1d: {  	s12 =	simm.s32 $0x6;
	s20 =	sadd.s32 s0, s10;
	s21 =	sadd.s32 s0, s4  }
0x1e: {  	v0 =	vimm.f32 $0.0e+00;
	s0 =	simm.s32 $0x2;
	s4 =	simm.s32 $0x4;
	s10 =	simm.s32 $0x4200  }
.LBB2_1:
0x1f: {  	s14 =	simm.s32 $0x0;
	s15 =	simm.s32 $0x200  }
.LBB2_2:
0x20: {  	p0 =	sne.s32 s15, $0xFE00;
	[tilespmem:s14+$0x270] =	vst v0  }
0x21: {  	[tilespmem:s14+$0x200] =	vst v0  }
0x22: {  	[tilespmem:s14+$0x210] =	vst v0  }
.Ltmp0:
0x23: {  	[tilespmem:s14+$0x220] =	vst v0;
	(pc) =	sbr.rel @p0 .LBB2_2-.Ltmp0, $4  }
0x24: {  	[tilespmem:s14+$0x230] =	vst v0  }
0x25: {  	[tilespmem:s14+$0x240] =	vst v0  }
0x26: {  	[tilespmem:s14+$0x250] =	vst v0  }
0x27: {  	[tilespmem:s14+$0x260] =	vst v0;
	s14 =	sshra.s32 s15, $0x2;
	s15 =	sadd.s32 $0x200, s15  }
0x28: {  	[tilespmem:s14+$0x270] =	vst v0  }
0x29: {  	[tilespmem:s14+$0x200] =	vst v0  }
0x2a: {  	[tilespmem:s14+$0x210] =	vst v0  }
0x2b: {  	[tilespmem:s14+$0x220] =	vst v0  }
0x2c: {  	[tilespmem:s14+$0x230] =	vst v0  }
0x2d: {  	[tilespmem:s14+$0x240] =	vst v0  }
0x2e: {  	[tilespmem:s14+$0x250] =	vst v0  }
0x2f: {  	[tilespmem:s14+$0x260] =	vst v0  }
0x30: {  	[spmem:s5] =	stream.linear.scatter [tilespmem:s24], [sflag:$0x5], $0x4000, $0x38;
	[tilespmem:$0x1C200] =	vst v63  }
0x31: {  	_ = 	snop  }
0x32: {  	[spmem:s6] =	stream.linear.scatter [tilespmem:s24], [sflag:$0x5], $0x4000, $0x38;
	[tilespmem:$0x1C200] =	vst v63  }
0x33: {  	_ = 	snop  }
0x34: {  	[spmem:s7] =	stream.linear.scatter [tilespmem:s24], [sflag:$0x5], $0x4000, $0x38;
	[tilespmem:$0x1C200] =	vst v63  }
0x35: {  	_ = 	snop  }
0x36: {  	[spmem:s8] =	stream.linear.scatter [tilespmem:s24], [sflag:$0x5], $0x4000, $0x38;
	[tilespmem:$0x1C200] =	vst v63  }
0x37: {  	_ = 	snop  }
0x38: {  	[spmem:s9] =	stream.linear.scatter [tilespmem:s24], [sflag:$0x5], $0x4000, $0x38;
	[tilespmem:$0x1C200] =	vst v63  }
0x39: {  	_ =	swait.ge [sflag:s25], $0x4000  }
0x3a: {  	[sflag:s25] =	ssyncset.done $0x0  }
0x3b: {  	[sflag:s25] =	ssyncadd.s32 $0xFFFFC000  }
0x3c: {  	_ =	swait.ge [sflag:s25], $0x4000  }
0x3d: {  	[sflag:s25] =	ssyncset.done $0x0  }
0x3e: {  	[sflag:s25] =	ssyncadd.s32 $0xFFFFC000  }
0x3f: {  	_ =	swait.ge [sflag:s25], $0x4000  }
0x40: {  	[sflag:s25] =	ssyncset.done $0x0  }
0x41: {  	[sflag:s25] =	ssyncadd.s32 $0xFFFFC000  }
0x42: {  	_ =	swait.ge [sflag:s25], $0x4000  }
0x43: {  	[sflag:s25] =	ssyncset.done $0x0  }
0x44: {  	[sflag:s25] =	ssyncadd.s32 $0xFFFFC000  }
0x45: {  	_ =	swait.ge [sflag:s25], $0x4000  }
0x46: {  	[sflag:s25] =	ssyncset.done $0x0  }
0x47: {  	[sflag:s25] =	ssyncadd.s32 $0xFFFFC000  }
0x48: {  	[bflag:$0x0] =	sbarrier.arrive $0xFFFF  }
0x49: {  	s14 =	simm.s32 $0x0;
	s15 =	rddreg [dreg:$0x4]  }
0x4a: {  	[tilespmem:s14], [sflag:$0x1] =	stream.linear.gather [hbm4b:s15+s14], $0x80, $0x38;
	[tilespmem:$0x1C200] =	vst v63  }
0x4b: {  	s16 =	rddreg [dreg:$0x5]  }
0x4c: {  	[tilespmem:s26], [sflag:$0x3] =	stream.linear.gather [hbm4b:s16+s14], $0x80, $0x38;
	[tilespmem:$0x1C200] =	vst v63  }
0x4d: {  	s16 =	rddreg [dreg:$0x6]  }
0x4e: {  	[tilespmem:s28], [sflag:$0x2] =	stream.linear.gather [hbm4b:s16+s14], $0x80, $0x38;
	[tilespmem:$0x1C200] =	vst v63  }
0x4f: {  	s16 =	rddreg [dreg:$0x7]  }
0x50: {  	[tilespmem:s29], [sflag:$0x4] =	stream.linear.gather [hbm4b:s16+s14], $0x80, $0x38;
	[tilespmem:$0x1C200] =	vst v63  }
0x51: {  	_ =	swait.ge [sflag:s30], $0x80  }
0x52: {  	[sflag:s30] =	ssyncset.done $0x0  }
0x53: {  	[sflag:s30] =	ssyncadd.s32 $0xFFFFFF80  }
0x54: {  	_ =	swait.ge [sflag:s31], $0x80  }
0x55: {  	[sflag:s31] =	ssyncset.done $0x0  }
0x56: {  	[sflag:s31] =	ssyncadd.s32 $0xFFFFFF80  }
0x57: {  	[tilespmem:s24], [sflag:$0x5] =	stream.indirect.gather [hbm4b:s1+s28], $0x80, s14, s28, $0xb8;
	[tilespmem:$0x1C200] =	vst v63  }
0x58: {  	_ =	swait.ge [sflag:s0], $0x80  }
0x59: {  	[sflag:s0] =	ssyncset.done $0x0  }
0x5a: {  	[sflag:s0] =	ssyncadd.s32 $0xFFFFFF80  }
0x5b: {  	_ =	swait.ge [sflag:s4], $0x80  }
0x5c: {  	[sflag:s4] =	ssyncset.done $0x0  }
0x5d: {  	[sflag:s4] =	ssyncadd.s32 $0xFFFFFF80  }
0x5e: {  	[tilespmem:s10], [sflag:$0x6] =	stream.indirect.gather [hbm4b:s1+s28], $0x80, s28, s28, $0xb8;
	[tilespmem:$0x1C200] =	vst v63  }
0x5f: {  	_ =	swait.ge [sflag:s25], $0x4000  }
0x60: {  	[sflag:s25] =	ssyncset.done $0x0  }
0x61: {  	[sflag:s25] =	ssyncadd.s32 $0xFFFFC000  }
0x62: {  	[spmem:s2] =	stream.indirect.scatter.add.f32 [tilespmem:s24], [sflag:$0x7], $0x80, s26, s28, $0xb8;
	[tilespmem:$0x1C200] =	vst v63  }
0x63: {  	_ =	swait.ge [sflag:s11], $0x4000  }
0x64: {  	[sflag:s11] =	ssyncset.done $0x0  }
0x65: {  	s16 =	sadd.s32 $0x0, s23;
	[sflag:s11] =	ssyncadd.s32 $0xFFFFC000  }
0x66: {  	[tilespmem:s3], [sflag:$0x1] =	stream.linear.gather [hbm4b:s16+s3], $0x80, $0x38;
	[tilespmem:$0x1C200] =	vst v63  }
0x67: {  	s15 =	sadd.s32 $0x0, s22  }
0x68: {  	[tilespmem:s26], [sflag:$0x3] =	stream.linear.gather [hbm4b:s15+s3], $0x80, $0x38;
	[tilespmem:$0x1C200] =	vst v63  }
0x69: {  	_ =	swait.ge [sflag:s30], $0x80  }
0x6a: {  	[sflag:s30] =	ssyncset.done $0x0  }
0x6b: {  	[sflag:s30] =	ssyncadd.s32 $0xFFFFFF80  }
0x6c: {  	_ =	swait.ge [sflag:s31], $0x80  }
0x6d: {  	[sflag:s31] =	ssyncset.done $0x0  }
0x6e: {  	[sflag:s31] =	ssyncadd.s32 $0xFFFFFF80  }
0x6f: {  	[tilespmem:s24], [sflag:$0x5] =	stream.indirect.gather [hbm4b:s1+s28], $0x80, s3, s28, $0xb8;
	[tilespmem:$0x1C200] =	vst v63  }
0x70: {  	_ =	swait.ge [sflag:s12], $0x4000  }
0x71: {  	[sflag:s12] =	ssyncset.done $0x0  }
0x72: {  	[sflag:s12] =	ssyncadd.s32 $0xFFFFC000  }
0x73: {  	[spmem:s2] =	stream.indirect.scatter.add.f32 [tilespmem:s10], [sflag:$0x7], $0x80, s29, s28, $0xb8;
	[tilespmem:$0x1C200] =	vst v63  }
0x74: {  	_ =	swait.ge [sflag:s11], $0x4000  }
0x75: {  	s14 =	simm.s32 $0x20;
	[sflag:s11] =	ssyncset.done $0x0  }
0x76: {  	s16 =	sadd.s32 $0x0, s21;
	s15 =	sadd.s32 $0x0, s20;
	[sflag:s11] =	ssyncadd.s32 $0xFFFFC000  }
0x77: {  	[tilespmem:s28], [sflag:$0x2] =	stream.linear.gather [hbm4b:s16+s3], $0x80, $0x38;
	[tilespmem:$0x1C200] =	vst v63  }
.LBB2_4:
0x78: {  	[tilespmem:s29], [sflag:$0x4] =	stream.linear.gather [hbm4b:s15+s3], $0x80, $0x38;
	[tilespmem:$0x1C200] =	vst v63  }
0x79: {  	s15 =	smov.u32 s14  }
0x7a: {  	p0 =	sne.s32 s14, $0x4C0;
	s14 =	sadd.s32 $0x20, s14;
	_ =	swait.ge [sflag:s0], $0x80  }
0x7b: {  	[sflag:s0] =	ssyncset.done $0x0  }
0x7c: {  	[sflag:s0] =	ssyncadd.s32 $0xFFFFFF80  }
0x7d: {  	_ =	swait.ge [sflag:s4], $0x80  }
0x7e: {  	[sflag:s4] =	ssyncset.done $0x0  }
0x7f: {  	[sflag:s4] =	ssyncadd.s32 $0xFFFFFF80  }
0x80: {  	[tilespmem:s10], [sflag:$0x6] =	stream.indirect.gather [hbm4b:s1+s28], $0x80, s28, s28, $0xb8;
	[tilespmem:$0x1C200] =	vst v63  }
0x81: {  	_ =	swait.ge [sflag:s25], $0x4000  }
0x82: {  	[sflag:s25] =	ssyncset.done $0x0  }
0x83: {  	[sflag:s25] =	ssyncadd.s32 $0xFFFFC000  }
0x84: {  	[spmem:s2] =	stream.indirect.scatter.add.f32 [tilespmem:s24], [sflag:$0x7], $0x80, s26, s28, $0xb8;
	[tilespmem:$0x1C200] =	vst v63  }
0x85: {  	_ =	swait.ge [sflag:s11], $0x4000  }
0x86: {  	[sflag:s11] =	ssyncset.done $0x0  }
0x87: {  	s16 =	sadd.s32 s15, s23;
	[sflag:s11] =	ssyncadd.s32 $0xFFFFC000  }
0x88: {  	[tilespmem:s3], [sflag:$0x1] =	stream.linear.gather [hbm4b:s16+s3], $0x80, $0x38;
	[tilespmem:$0x1C200] =	vst v63  }
0x89: {  	s16 =	sadd.s32 s15, s22  }
0x8a: {  	[tilespmem:s26], [sflag:$0x3] =	stream.linear.gather [hbm4b:s16+s3], $0x80, $0x38;
	[tilespmem:$0x1C200] =	vst v63  }
0x8b: {  	_ =	swait.ge [sflag:s30], $0x80  }
0x8c: {  	[sflag:s30] =	ssyncset.done $0x0  }
0x8d: {  	[sflag:s30] =	ssyncadd.s32 $0xFFFFFF80  }
0x8e: {  	_ =	swait.ge [sflag:s31], $0x80  }
0x8f: {  	[sflag:s31] =	ssyncset.done $0x0  }
0x90: {  	[sflag:s31] =	ssyncadd.s32 $0xFFFFFF80  }
0x91: {  	[tilespmem:s24], [sflag:$0x5] =	stream.indirect.gather [hbm4b:s1+s28], $0x80, s3, s28, $0xb8;
	[tilespmem:$0x1C200] =	vst v63  }
0x92: {  	_ =	swait.ge [sflag:s12], $0x4000  }
0x93: {  	[sflag:s12] =	ssyncset.done $0x0  }
0x94: {  	[sflag:s12] =	ssyncadd.s32 $0xFFFFC000  }
0x95: {  	[spmem:s2] =	stream.indirect.scatter.add.f32 [tilespmem:s10], [sflag:$0x7], $0x80, s29, s28, $0xb8;
	[tilespmem:$0x1C200] =	vst v63  }
.Ltmp1:
0x96: {  	_ =	swait.ge [sflag:s11], $0x4000;
	(pc) =	sbr.rel @p0 .LBB2_4-.Ltmp1, $4  }
0x97: {  	[sflag:s11] =	ssyncset.done $0x0  }
0x98: {  	s16 =	sadd.s32 s15, s21;
	[sflag:s11] =	ssyncadd.s32 $0xFFFFC000  }
0x99: {  	[tilespmem:s28], [sflag:$0x2] =	stream.linear.gather [hbm4b:s16+s3], $0x80, $0x38;
	[tilespmem:$0x1C200] =	vst v63  }
0x9a: {  	s15 =	sadd.s32 s15, s20  }
0x9b: {  	[tilespmem:s29], [sflag:$0x4] =	stream.linear.gather [hbm4b:s15+s3], $0x80, $0x38;
	[tilespmem:$0x1C200] =	vst v63  }
0x9c: {  	_ =	swait.ge [sflag:s0], $0x80  }
0x9d: {  	[sflag:s0] =	ssyncset.done $0x0  }
0x9e: {  	[sflag:s0] =	ssyncadd.s32 $0xFFFFFF80  }
0x9f: {  	_ =	swait.ge [sflag:s4], $0x80  }
0xa0: {  	[sflag:s4] =	ssyncset.done $0x0  }
0xa1: {  	[sflag:s4] =	ssyncadd.s32 $0xFFFFFF80  }
0xa2: {  	[tilespmem:s10], [sflag:$0x6] =	stream.indirect.gather [hbm4b:s1+s28], $0x80, s28, s28, $0xb8;
	[tilespmem:$0x1C200] =	vst v63  }
0xa3: {  	_ =	swait.ge [sflag:s25], $0x4000  }
0xa4: {  	[sflag:s25] =	ssyncset.done $0x0  }
0xa5: {  	[sflag:s25] =	ssyncadd.s32 $0xFFFFC000  }
0xa6: {  	[spmem:s2] =	stream.indirect.scatter.add.f32 [tilespmem:s24], [sflag:$0x7], $0x80, s26, s28, $0xb8;
	[tilespmem:$0x1C200] =	vst v63  }
0xa7: {  	_ =	swait.ge [sflag:s11], $0x4000  }
0xa8: {  	[sflag:s11] =	ssyncset.done $0x0  }
0xa9: {  	[sflag:s11] =	ssyncadd.s32 $0xFFFFC000  }
0xaa: {  	_ =	swait.ge [sflag:s12], $0x4000  }
0xab: {  	[sflag:s12] =	ssyncset.done $0x0  }
0xac: {  	[sflag:s12] =	ssyncadd.s32 $0xFFFFC000  }
0xad: {  	[spmem:s2] =	stream.indirect.scatter.add.f32 [tilespmem:s10], [sflag:$0x7], $0x80, s29, s28, $0xb8;
	[tilespmem:$0x1C200] =	vst v63  }
0xae: {  	_ =	swait.ge [sflag:s11], $0x4000  }
0xaf: {  	[sflag:s11] =	ssyncset.done $0x0  }
0xb0: {  	s14 =	stileid.u32;
	[sflag:s11] =	ssyncadd.s32 $0xFFFFC000  }
0xb1: {  	s14 =	sshll.u32 s14, $0x6;
	[bflag:$0x0] =	sbarrier.arrive $0xFFFF  }
0xb2: {  	s15 =	sshrl.u32 s5, $0x3;
	s14 =	sor.u32 $0x1C05, s14;
	s16 =	rddreg [dreg:$0x8]  }
0xb3: {  	[hbm:s16], [sflag:s14] =	dma.local [spmem:s15], $0x800  }
0xb4: {  	s15 =	sshrl.u32 s6, $0x3;
	s16 =	rddreg [dreg:$0x9]  }
0xb5: {  	[hbm:s16], [sflag:s14] =	dma.local [spmem:s15], $0x800  }
0xb6: {  	s15 =	sshrl.u32 s7, $0x3;
	s16 =	rddreg [dreg:$0xa]  }
0xb7: {  	[hbm:s16], [sflag:s14] =	dma.local [spmem:s15], $0x800  }
0xb8: {  	s16 =	sshrl.u32 s8, $0x3  }
0xb9: {  	[hbm:s17], [sflag:s14] =	dma.local [spmem:s16], $0x800  }
0xba: {  	s16 =	sshrl.u32 s9, $0x3  }
0xbb: {  	[hbm:s18], [sflag:s14] =	dma.local [spmem:s16], $0x800  }
0xbc: {  	_ =	swait.ge [sflag:s25], $0x800  }
0xbd: {  	[sflag:s25] =	ssyncset.done $0x0  }
0xbe: {  	[sflag:s25] =	ssyncadd.s32 $0xFFFFF800  }
0xbf: {  	_ =	swait.ge [sflag:s25], $0x800  }
0xc0: {  	[sflag:s25] =	ssyncset.done $0x0  }
0xc1: {  	[sflag:s25] =	ssyncadd.s32 $0xFFFFF800  }
0xc2: {  	_ =	swait.ge [sflag:s25], $0x800  }
0xc3: {  	[sflag:s25] =	ssyncset.done $0x0  }
0xc4: {  	s13 =	sadd.s32 $0x1, s13;
	[sflag:s25] =	ssyncadd.s32 $0xFFFFF800  }
0xc5: {  	p0 =	sne.s32 s13, s19;
	_ =	swait.ge [sflag:s25], $0x800  }
.Ltmp2:
0xc6: {  	[sflag:s25] =	ssyncset.done $0x0;
	(pc) =	sbr.rel @p0 .LBB2_1-.Ltmp2, $4  }
0xc7: {  	[sflag:s25] =	ssyncadd.s32 $0xFFFFF800  }
0xc8: {  	_ =	swait.ge [sflag:s25], $0x800  }
0xc9: {  	[sflag:s25] =	ssyncset.done $0x0  }
0xca: {  	[sflag:s25] =	ssyncadd.s32 $0xFFFFF800  }
0xcb: {  	_ =	sfence.sel $0x180000  }
0xcc: {  	[bflag:$0x0] =	sbarrier.arrive $0xFFFF  }
0xcd: {  	_ =	strace $0x9000004D  }
0xce: {  	s0 =	stileid.u32;
	[bflag:$0x2] =	sbarrier.arrive $0xFFFF  }
0xcf: {  	p0 =	sne.s32 s0, $0x0;
	s0 =	rddreg [dreg:$0x3]  }
0xd0: {  	s0 =	sadd.s32 @!p0 $0x100000, s0  }
0xd1: {  	[sflag:s0] =	ssyncadd.tile.s32 @!p0 $0x1;
	_ =	shalt  }
.Lfunc_end2:
_tile_overlayer_lowered:
.L_overlay_start_2:
0xd2: {  	(tag) =	ssettag $0x2  }
0xd3: {  	s0 =	rddreg [dreg:$0x0];
	s2 =	stileid.u32  }
0xd4: {  	s1 =	rddreg [dreg:$0x1];
	p0 =	sne.s32 s2, $0x0  }
0xd5: {  	s3 =	rddreg [dreg:$0x2];
	[bflag:$0x3] =	sbarrier.arrive $0xFFFF;
	s2 =	simm.s32 @!p0 $0x1C07  }
0xd6: {  	[timem:s3], [sflag:s2] =	dma.local @!p0 [hbm:s0], s1  }
0xd7: {  	s0 =	simm.s32 @!p0 $0x7  }
0xd8: {  	_ =	swait.ge @!p0 [sflag:s0], s1  }
0xd9: {  	s1 =	ssub.s32 @!p0 $0x0, s1;
	[sflag:s0] =	ssyncset.done @!p0 $0x0  }
0xda: {  	[sflag:s0] =	ssyncadd.s32 @!p0 s1  }
0xdb: {  	[bflag:$0x3] =	sbarrier.arrive $0xFFFF  }
0xdc: {  	_ =	shalt  }

// kernel: kernel.19.cloned.1.call-start
scs
__scs_entry_jumppad:
0x0: {  	(pc) =	sbr.rel $0x88, $3  }
0x1: {  	(tag) =	ssettag $0x0;
	lr =	simm.s32 $0x1  }
0x2: {  	[smem:$0x3F99] =	sst lr;
	_ =	strace $0xD0000000  }
0x3: {  	_ = 	snop  }
0x4: {  	_ = 	snop  }
0x5: {  	_ = 	snop  }
0x6: {  	_ = 	snop  }
0x7: {  	_ = 	snop  }
__scs_overlays_trampoline_lowered:
0x8: {  	[smem:$0x3FA8] =	sst s0  }
0x9: {  	[smem:$0x3FA9] =	sst s1  }
0xa: {  	[smem:$0x3FAA] =	sst s2  }
0xb: {  	[smem:$0x3FAB] =	sst s3  }
0xc: {  	[smem:$0x3FAC] =	sst s4  }
0xd: {  	[smem:$0x3FAD] =	sst s5  }
0xe: {  	[smem:$0x3FAE] =	sst s6  }
0xf: {  	[smem:$0x3FAF] =	sst s7  }
0x10: {  	[smem:$0x3FB0] =	sst s8  }
0x11: {  	[smem:$0x3FB1] =	sst s9;
	s0 =	simm.s32 @!p0 $0x0  }
0x12: {  	s1 =	sld [smem:$0x3F97];
	s0 =	simm.s32 @p0 $0x1  }
0x13: {  	[smem:$0x3FB2] =	sst s0;
	s0 =	simm.s32 @!p1 $0x0  }
0x14: {  	s2 =	sld [smem:$0x3F96];
	s0 =	simm.s32 @p1 $0x1  }
0x15: {  	[smem:$0x3FB3] =	sst s0;
	s0 =	simm.s32 @!p2 $0x0  }
0x16: {  	s3 =	sld [smem:$0x3FDB];
	s0 =	simm.s32 @p2 $0x1  }
0x17: {  	s4 =	simm.s32 $0x1BF5;
	[smem:$0x3FB5] =	sst s0  }
0x18: {  	s0 =	sld [smem:$0x3F98];
	_ =	swait.ge [sflag:s4], $0x0  }
0x19: {  	s7 =	sld [smem:$0x3F99]  }
0x1a: {  	s8 =	sadd.s32 $0xFFFFE003, lr  }
0x1b: {  	s9 =	sadd.s32 $0xFFFFFEF7, lr;
	s5 =	simm.s32 $0xFFFFFFFF;
	p2 =	slt.u32 s8, $0xFFFFF086  }
0x1c: {  	p1 =	slt.u32 s9, $0xF7A;
	s5 =	simm.s32 @!p2 $0x0  }
0x1d: {  	s5 =	simm.s32 @p1 $0x1;
	p0 =	seq.s32 s7, s2  }
0x1e: {  	s7 =	smul.u32 @!p0 $0xF7A, s2;
	p2 =	seq.s32 @!p0 s5, $0x0  }
0x1f: {  	s9 =	smul.u32 $0xF7A, s1;
	s8 =	simm.s32 @!p0 $0x1BF5;
	p2 =	por !p2, p0  }
0x20: {  	[sflag:s8] =	ssyncset.s32 @!p0 $0xFFFFF086;
	s6 =	sadd.s32 @!p0 s3, s7;
	s7 =	simm.s32 @!p0 $0x108  }
0x21: {  	s3 =	sadd.s32 s3, s9;
	s6 =	sadd.s32 @!p0 $0x88, s6;
	s7 =	simm.s32 @p2 $0x1082  }
0x22: {  	[simem:s7], [sflag:s8] =	dma.local @!p0 [hbm:s6], $0xF7A  }
0x23: {  	s9 =	sor.u32 $0xD0000000, s2;
	s6 =	simm.s32 $0x108;
	_ =	swait.ge @!p0 [sflag:s8], $0x0  }
0x24: {  	s3 =	sadd.s32 $0x88, s3;
	s6 =	simm.s32 @!p1 $0x1082;
	[sflag:s4] =	ssyncset.s32 $0xFFFFF086  }
0x25: {  	[simem:s6], [sflag:s4] =	dma.local [hbm:s3], $0xF7A  }
0x26: {  	[smem:$0x3F99] =	sst s1;
	(tag) =	ssettag s2;
	_ =	strace s9  }
0x27: {  	s1 =	sld [smem:$0x3FA9]  }
0x28: {  	s2 =	sld [smem:$0x3FAA]  }
0x29: {  	s4 =	sld [smem:$0x3FAC]  }
0x2a: {  	p0 =	seq.s32 s5, $0x0;
	s5 =	sld [smem:$0x3FAD]  }
0x2b: {  	s6 =	sld [smem:$0x3FAE]  }
0x2c: {  	s7 =	sld [smem:$0x3FAF]  }
0x2d: {  	s3 =	simm.s32 $0x108;
	s8 =	sld [smem:$0x3FB0]  }
0x2e: {  	s3 =	simm.s32 @!p0 $0x1082;
	s9 =	sld [smem:$0x3FB1]  }
0x2f: {  	lr =	sadd.s32 s0, s3;
	s0 =	sld [smem:$0x3FA8]  }
0x30: {  	s3 =	sld [smem:$0x3FAB]  }
0x31: {  	[smem:$0x3FB4] =	sst s10  }
0x32: {  	s10 =	sld [smem:$0x3FB2];
	_ =	sdelay $0x3  }
0x33: {  	p0 =	seq.s32 s10, $0x1;
	s10 =	sld [smem:$0x3FB4];
	_ =	sdelay $0x3  }
0x34: {  	[smem:$0x3FB4] =	sst s10  }
0x35: {  	s10 =	sld [smem:$0x3FB3];
	_ =	sdelay $0x3  }
0x36: {  	p1 =	seq.s32 s10, $0x1;
	s10 =	sld [smem:$0x3FB4];
	_ =	sdelay $0x3  }
0x37: {  	[smem:$0x3FB4] =	sst s10  }
0x38: {  	s10 =	sld [smem:$0x3FB5]  }
0x39: {  	_ = 	snop;
	(pc) =	sbr.ind lr, $3  }
0x3a: {  	_ = 	snop  }
0x3b: {  	_ = 	snop  }
0x3c: {  	p2 =	seq.s32 s10, $0x1;
	s10 =	sld [smem:$0x3FB4]  }
0x3d: {  	_ =	shalt  }
0x3e: {  	_ =	shalt  }
0x3f: {  	_ =	shalt  }
0x40: {  	_ =	shalt  }
0x41: {  	_ =	shalt  }
0x42: {  	_ =	shalt  }
0x43: {  	_ =	shalt  }
0x44: {  	_ =	shalt  }
0x45: {  	_ =	shalt  }
0x46: {  	_ =	shalt  }
0x47: {  	_ =	shalt  }
0x48: {  	_ =	shalt  }
0x49: {  	_ =	shalt  }
0x4a: {  	_ =	shalt  }
0x4b: {  	_ =	shalt  }
0x4c: {  	_ =	shalt  }
0x4d: {  	_ =	shalt  }
0x4e: {  	_ =	shalt  }
0x4f: {  	_ =	shalt  }
0x50: {  	_ =	shalt  }
0x51: {  	_ =	shalt  }
0x52: {  	_ =	shalt  }
0x53: {  	_ =	shalt  }
0x54: {  	_ =	shalt  }
0x55: {  	_ =	shalt  }
0x56: {  	_ =	shalt  }
0x57: {  	_ =	shalt  }
0x58: {  	_ =	shalt  }
0x59: {  	_ =	shalt  }
0x5a: {  	_ =	shalt  }
0x5b: {  	_ =	shalt  }
0x5c: {  	_ =	shalt  }
0x5d: {  	_ =	shalt  }
0x5e: {  	_ =	shalt  }
0x5f: {  	_ =	shalt  }
0x60: {  	_ =	shalt  }
0x61: {  	_ =	shalt  }
0x62: {  	_ =	shalt  }
0x63: {  	_ =	shalt  }
0x64: {  	_ =	shalt  }
0x65: {  	_ =	shalt  }
0x66: {  	_ =	shalt  }
0x67: {  	_ =	shalt  }
0x68: {  	_ =	shalt  }
0x69: {  	_ =	shalt  }
0x6a: {  	_ =	shalt  }
0x6b: {  	_ =	shalt  }
0x6c: {  	_ =	shalt  }
0x6d: {  	_ =	shalt  }
0x6e: {  	_ =	shalt  }
0x6f: {  	_ =	shalt  }
0x70: {  	_ =	shalt  }
0x71: {  	_ =	shalt  }
0x72: {  	_ =	shalt  }
0x73: {  	_ =	shalt  }
0x74: {  	_ =	shalt  }
0x75: {  	_ =	shalt  }
0x76: {  	_ =	shalt  }
0x77: {  	_ =	shalt  }
0x78: {  	_ =	shalt  }
0x79: {  	_ =	shalt  }
0x7a: {  	_ =	shalt  }
0x7b: {  	_ =	shalt  }
0x7c: {  	_ =	shalt  }
0x7d: {  	_ =	shalt  }
0x7e: {  	_ =	shalt  }
0x7f: {  	_ =	shalt  }
0x80: {  	_ =	shalt  }
0x81: {  	_ =	shalt  }
0x82: {  	_ =	shalt  }
0x83: {  	_ =	shalt  }
0x84: {  	_ =	shalt  }
0x85: {  	_ =	shalt  }
0x86: {  	_ =	shalt  }
0x87: {  	_ =	shalt  }
.Lfunc_end0:
.L_simem_size_0:
called_computation.3_lowered:
.L_overlay_start_0:
0x88: {  	s2 =	sld [smem:$0x3FD9]  }
0x89: {  	s3 =	sld [smem:$0x3FFE];
	_ =	sdelay $0x1  }
0x8a: {  	s1 =	srdreg.scid  }
0x8b: {  	s0 =	sand.u32 $0x1, s1  }
0x8c: {  	s17 =	sshll.u32 s0, $0xA;
	s2 =	sadd.s32 s3, s2  }
0x8d: {  	s2 =	sadd.s32 s2, s17  }
0x8e: {  	[smem:$0x3FC0] =	sst s2  }
0x8f: {  	_ = 	snop  }
0x90: {  	s2 =	sld [smem:$0x3FD0];
	(tm) =	ssettm $0x1  }
0x91: {  	s18 =	sld [smem:$0x3FFB];
	_ =	sdelay $0x3  }
0x92: {  	_ =	strace s18  }
0x93: {  	s3 =	sld [smem:$0x3FFC];
	_ =	sdelay $0x3  }
0x94: {  	_ =	strace s3  }
0x95: {  	s3 =	sld [smem:$0x3FFD];
	_ =	sdelay $0x3  }
0x96: {  	_ =	strace s3  }
0x97: {  	_ =	strace $0x8FFFFFFF  }
0x98: {  	s19 =	sld [smem:$0x3FDB];
	_ =	sdelay $0x1  }
0x99: {  	s4 =	simm.s32 $_scs_section_size  }
0x9a: {  	s5 =	simm.s32 $_size__tile_overlayer_lowered;
	s6 =	simm.s32 $_tile_overlayer_lowered  }
0x9b: {  	s22 =	simm.s32 $0x1BFF;
	s21 =	sshll.u32 s6, $0x1;
	s3 =	sadd.s32 s4, s19  }
0x9c: {  	s7 =	simm.s32 $0x0;
	s20 =	sshll.u32 s5, $0x1;
	s5 =	sadd.s32 s21, s3  }
0x9d: {  	[timem:s7], [sflag:s22] =	dma.local [hbm:s5], s20  }
0x9e: {  	_ =	swait.ge [sflag:s22], s20  }
0x9f: {  	s4 =	ssub.s32 $0x0, s20;
	[sflag:s22] =	ssyncset.done $0x0  }
0xa0: {  	[sflag:s22] =	ssyncadd.s32 s4;
	_ =	sdelay $0x1  }
0xa1: {  	s23 =	simm.s32 $0x1B8B  }
0xa2: {  	_ =	swait.ge [sflag:s23], $0x1  }
0xa3: {  	[sflag:s23] =	ssyncset.done $0x0  }
0xa4: {  	s25 =	simm.s32 $0x1B8E;
	s24 =	sld [smem:$0x3FFE];
	[sflag:s23] =	ssyncadd.s32 $0xFFFFFFFF  }
0xa5: {  	s26 =	simm.s32 $execute0_lowered;
	[smem:$0x3FD2] =	sst s25  }
0xa6: {  	s5 =	sshll.u32 s26, $0x1;
	_ =	strace $0x8000004F;
	[dreg:$0x1] =	wrdreg $0xFFFFFFFF  }
0xa7: {  	s28 =	simm.s32 $_size_execute0_lowered;
	s3 =	sadd.s32 s3, s5;
	[dreg:$0x0] =	wrdreg $0x0  }
0xa8: {  	s5 =	sshll.u32 s28, $0x1;
	[dreg:$0x2] =	wrdreg s3  }
0xa9: {  	[dreg:$0x3] =	wrdreg s5  }
0xaa: {  	[dreg:$0x4] =	wrdreg $0xC0  }
0xab: {  	_ =	task [dreg:s7], $0x5FFFF  }
0xac: {  	[dreg:$0x1] =	wrdreg $0xFFFFFFFF  }
0xad: {  	[dreg:$0x0] =	wrdreg $0x60  }
0xae: {  	[dreg:$0x2] =	wrdreg s2  }
0xaf: {  	[dreg:$0x3] =	wrdreg s24  }
0xb0: {  	[dreg:$0x4] =	wrdreg $0x82000  }
0xb1: {  	[dreg:$0x5] =	wrdreg $0x9  }
0xb2: {  	_ =	task.clear_ibuf [dreg:s7], $0x6FFFF;
	_ =	strace $0x9000004F  }
0xb3: {  	s29 =	simm.s32 $0x9;
	_ =	strace $0x80000051  }
0xb4: {  	_ =	swait.ge [sflag:s29], $0x1  }
0xb5: {  	[sflag:s29] =	ssyncadd.s32 $0xFFFFFFFF  }
0xb6: {  	_ =	strace $0x90000051  }
0xb7: {  	_ =	sfence  }
0xb8: {  	s30 =	sld [smem:$0x0];
	_ =	sdelay $0x2  }
0xb9: {  	s31 =	sshll.u32 s1, $0xD;
	s1 =	sshrl.u32 s1, $0x2  }
0xba: {  	s3 =	sand.u32 $0x4000, s31;
	s1 =	sadd.s32 s1, s30  }
0xbb: {  	s0 =	sor.u32 s3, s0;
	s1 =	sshll.u32 s1, $0x11  }
0xbc: {  	s0 =	sor.u32 s1, s0  }
0xbd: {  	s0 =	sadd.s32 $0x8F2B, s0  }
0xbe: {  	[sflag:s0] =	ssyncadd.remote.s32 $0x1  }
0xbf: {  	_ =	sfence.sel $0xFFFF  }
0xc0: {  	[dreg:$0x0] =	wrdreg $0xFFFFFFFF;
	(pc) =	sbr.abs _section_cstart, $3  }
0xc1: {  	[dreg:$0x1] =	wrdreg $0xFFFFFFFF  }
0xc2: {  	_ =	task.clear_ibuf [dreg:s7], $0x2FFFF;
	_ =	strace $0x9FFFFFFF  }
0xc3: {  	(tm) =	ssettm $0x7FFFFFFF  }
tec
execute0_lowered:
.L_overlay_start_1:
0x0: {  	(tag) =	ssettag $0x1  }
0x1: {  	s1 =	rddreg [dreg:$0x0]  }
0x2: {  	s0 =	rddreg [dreg:$0x1]  }
0x3: {  	s2 =	rddreg [dreg:$0x2]  }
0x4: {  	s3 =	simm.s32 $0x0;
	s5 =	srdreg.scid;
	s21 =	stileid.u32  }
0x5: {  	s28 =	simm.s32 $0x80;
	s29 =	simm.s32 $0x180;
	s30 =	simm.s32 $0x1  }
0x6: {  	s31 =	simm.s32 $0x3;
	[smem:$0x7FF] =	sst s3;
	s7 =	smul.u32 $0x50000, s21  }
0x7: {  	s4 =	sadd.s32 $0x3200, s0;
	s10 =	sadd.s32 $0xD200, s0;
	s12 =	smul.u32 $0x14000, s21  }
0x8: {  	s11 =	sand.u32 $0x1, s5;
	s0 =	sadd.s32 $0x17200, s0;
	s22 =	smul.u32 $0x2800, s21  }
0x9: {  	_ =	strace $0x80000050;
	s5 =	ssub.s32 $0x2, s11;
	s19 =	smul.u32 $0x140000, s11  }
0xa: {  	s6 =	sshll.u32 s11, $0x4;
	s11 =	smul.u32 $0x28000, s11;
	s8 =	sshrl.u32 s5, $0x1  }
0xb: {  	s6 =	sor.u32 s21, s6;
	s23 =	sshrl.u32 s7, $0x2;
	s15 =	sadd.s32 $0x4000, s12  }
0xc: {  	s16 =	sadd.s32 $0x8000, s12;
	s17 =	sadd.s32 $0xC000, s12;
	s18 =	sadd.s32 $0x10000, s12  }
0xd: {  	s13 =	ssub.s32 s5, s8;
	s14 =	smul.u32 $0x2800, s6;
	s5 =	sadd.s32 s23, s2  }
0xe: {  	s6 =	sadd.s32 s15, s2;
	s7 =	sadd.s32 s16, s2;
	s8 =	sadd.s32 s17, s2  }
0xf: {  	s9 =	sadd.s32 s18, s2;
	s12 =	sadd.s32 s12, s19;
	s15 =	sadd.s32 s19, s15  }
0x10: {  	s16 =	sadd.s32 s19, s16;
	s23 =	sadd.s32 s19, s17;
	s12 =	sshrl.u32 s12, $0x3  }
0x11: {  	s11 =	sadd.s32 s22, s11;
	s14 =	sshrl.u32 s14, $0x3;
	s12 =	sadd.s32 s0, s12  }
0x12: {  	s20 =	sadd.s32 s4, s14;
	s24 =	sor.u32 $0x10, s14;
	[dreg:$0x8] =	wrdreg s12  }
0x13: {  	s14 =	sadd.s32 s10, s14;
	s12 =	sshrl.u32 s15, $0x3;
	[dreg:$0x4] =	wrdreg s20  }
0x14: {  	[dreg:$0x5] =	wrdreg s14;
	s25 =	sadd.s32 s4, s24;
	s26 =	sadd.s32 s10, s24  }
0x15: {  	s12 =	sadd.s32 s0, s12;
	s20 =	sshrl.u32 s16, $0x3;
	[dreg:$0x6] =	wrdreg s25  }
0x16: {  	s24 =	sadd.s32 s19, s18;
	s19 =	smax.u32 s13, $0x1;
	[dreg:$0x7] =	wrdreg s26  }
0x17: {  	s13 =	simm.s32 $0x0;
	[dreg:$0x9] =	wrdreg s12;
	s12 =	sadd.s32 s0, s20  }
0x18: {  	s15 =	sshrl.u32 s24, $0x3;
	s25 =	sor.u32 $0x180, s11;
	s11 =	sor.u32 $0x100, s11  }
0x19: {  	s24 =	simm.s32 $0x200;
	[dreg:$0xa] =	wrdreg s12;
	s12 =	sshrl.u32 s23, $0x3  }
0x1a: {  	s18 =	sadd.s32 s0, s15;
	s26 =	sshrl.u32 s11, $0x3;
	s11 =	simm.s32 $0x7  }
0x1b: {  	s17 =	sadd.s32 s0, s12;
	s0 =	sshrl.u32 s25, $0x3;
	s22 =	sadd.s32 s26, s10  }
0x1c: {  	s23 =	sadd.s32 s26, s4;
	s25 =	simm.s32 $0x5;
	s26 =	simm.s32 $0x100  }
0x1d: {  	s12 =	simm.s32 $0x6;
	s20 =	sadd.s32 s0, s10;
	s21 =	sadd.s32 s0, s4  }
0x1e: {  	v0 =	vimm.f32 $0.0e+00;
	s0 =	simm.s32 $0x2;
	s4 =	simm.s32 $0x4;
	s10 =	simm.s32 $0x4200  }
.LBB2_1:
0x1f: {  	s14 =	simm.s32 $0x0;
	s15 =	simm.s32 $0x200  }
.LBB2_2:
0x20: {  	p0 =	sne.s32 s15, $0xFE00;
	[tilespmem:s14+$0x270] =	vst v0  }
0x21: {  	[tilespmem:s14+$0x200] =	vst v0  }
0x22: {  	[tilespmem:s14+$0x210] =	vst v0  }
.Ltmp0:
0x23: {  	[tilespmem:s14+$0x220] =	vst v0;
	(pc) =	sbr.rel @p0 .LBB2_2-.Ltmp0, $4  }
0x24: {  	[tilespmem:s14+$0x230] =	vst v0  }
0x25: {  	[tilespmem:s14+$0x240] =	vst v0  }
0x26: {  	[tilespmem:s14+$0x250] =	vst v0  }
0x27: {  	[tilespmem:s14+$0x260] =	vst v0;
	s14 =	sshra.s32 s15, $0x2;
	s15 =	sadd.s32 $0x200, s15  }
0x28: {  	[tilespmem:s14+$0x270] =	vst v0  }
0x29: {  	[tilespmem:s14+$0x200] =	vst v0  }
0x2a: {  	[tilespmem:s14+$0x210] =	vst v0  }
0x2b: {  	[tilespmem:s14+$0x220] =	vst v0  }
0x2c: {  	[tilespmem:s14+$0x230] =	vst v0  }
0x2d: {  	[tilespmem:s14+$0x240] =	vst v0  }
0x2e: {  	[tilespmem:s14+$0x250] =	vst v0  }
0x2f: {  	[tilespmem:s14+$0x260] =	vst v0  }
0x30: {  	[spmem:s5] =	stream.linear.scatter [tilespmem:s24], [sflag:$0x5], $0x4000, $0x38;
	[tilespmem:$0x1C200] =	vst v63  }
0x31: {  	_ = 	snop  }
0x32: {  	[spmem:s6] =	stream.linear.scatter [tilespmem:s24], [sflag:$0x5], $0x4000, $0x38;
	[tilespmem:$0x1C200] =	vst v63  }
0x33: {  	_ = 	snop  }
0x34: {  	[spmem:s7] =	stream.linear.scatter [tilespmem:s24], [sflag:$0x5], $0x4000, $0x38;
	[tilespmem:$0x1C200] =	vst v63  }
0x35: {  	_ = 	snop  }
0x36: {  	[spmem:s8] =	stream.linear.scatter [tilespmem:s24], [sflag:$0x5], $0x4000, $0x38;
	[tilespmem:$0x1C200] =	vst v63  }
0x37: {  	_ = 	snop  }
0x38: {  	[spmem:s9] =	stream.linear.scatter [tilespmem:s24], [sflag:$0x5], $0x4000, $0x38;
	[tilespmem:$0x1C200] =	vst v63  }
0x39: {  	_ =	swait.ge [sflag:s25], $0x4000  }
0x3a: {  	[sflag:s25] =	ssyncset.done $0x0  }
0x3b: {  	[sflag:s25] =	ssyncadd.s32 $0xFFFFC000  }
0x3c: {  	_ =	swait.ge [sflag:s25], $0x4000  }
0x3d: {  	[sflag:s25] =	ssyncset.done $0x0  }
0x3e: {  	[sflag:s25] =	ssyncadd.s32 $0xFFFFC000  }
0x3f: {  	_ =	swait.ge [sflag:s25], $0x4000  }
0x40: {  	[sflag:s25] =	ssyncset.done $0x0  }
0x41: {  	[sflag:s25] =	ssyncadd.s32 $0xFFFFC000  }
0x42: {  	_ =	swait.ge [sflag:s25], $0x4000  }
0x43: {  	[sflag:s25] =	ssyncset.done $0x0  }
0x44: {  	[sflag:s25] =	ssyncadd.s32 $0xFFFFC000  }
0x45: {  	_ =	swait.ge [sflag:s25], $0x4000  }
0x46: {  	[sflag:s25] =	ssyncset.done $0x0  }
0x47: {  	[sflag:s25] =	ssyncadd.s32 $0xFFFFC000  }
0x48: {  	[bflag:$0x0] =	sbarrier.arrive $0xFFFF  }
0x49: {  	s14 =	simm.s32 $0x0;
	s15 =	rddreg [dreg:$0x4]  }
0x4a: {  	[tilespmem:s14], [sflag:$0x1] =	stream.linear.gather [hbm4b:s15+s14], $0x80, $0x38;
	[tilespmem:$0x1C200] =	vst v63  }
0x4b: {  	s16 =	rddreg [dreg:$0x5]  }
0x4c: {  	[tilespmem:s26], [sflag:$0x3] =	stream.linear.gather [hbm4b:s16+s14], $0x80, $0x38;
	[tilespmem:$0x1C200] =	vst v63  }
0x4d: {  	s16 =	rddreg [dreg:$0x6]  }
0x4e: {  	[tilespmem:s28], [sflag:$0x2] =	stream.linear.gather [hbm4b:s16+s14], $0x80, $0x38;
	[tilespmem:$0x1C200] =	vst v63  }
0x4f: {  	s16 =	rddreg [dreg:$0x7]  }
0x50: {  	[tilespmem:s29], [sflag:$0x4] =	stream.linear.gather [hbm4b:s16+s14], $0x80, $0x38;
	[tilespmem:$0x1C200] =	vst v63  }
0x51: {  	_ =	swait.ge [sflag:s30], $0x80  }
0x52: {  	[sflag:s30] =	ssyncset.done $0x0  }
0x53: {  	[sflag:s30] =	ssyncadd.s32 $0xFFFFFF80  }
0x54: {  	_ =	swait.ge [sflag:s31], $0x80  }
0x55: {  	[sflag:s31] =	ssyncset.done $0x0  }
0x56: {  	[sflag:s31] =	ssyncadd.s32 $0xFFFFFF80  }
0x57: {  	[tilespmem:s24], [sflag:$0x5] =	stream.indirect.gather [hbm4b:s1+s28], $0x80, s14, s28, $0xb8;
	[tilespmem:$0x1C200] =	vst v63  }
0x58: {  	_ =	swait.ge [sflag:s0], $0x80  }
0x59: {  	[sflag:s0] =	ssyncset.done $0x0  }
0x5a: {  	[sflag:s0] =	ssyncadd.s32 $0xFFFFFF80  }
0x5b: {  	_ =	swait.ge [sflag:s4], $0x80  }
0x5c: {  	[sflag:s4] =	ssyncset.done $0x0  }
0x5d: {  	[sflag:s4] =	ssyncadd.s32 $0xFFFFFF80  }
0x5e: {  	[tilespmem:s10], [sflag:$0x6] =	stream.indirect.gather [hbm4b:s1+s28], $0x80, s28, s28, $0xb8;
	[tilespmem:$0x1C200] =	vst v63  }
0x5f: {  	_ =	swait.ge [sflag:s25], $0x4000  }
0x60: {  	[sflag:s25] =	ssyncset.done $0x0  }
0x61: {  	[sflag:s25] =	ssyncadd.s32 $0xFFFFC000  }
0x62: {  	[spmem:s2] =	stream.indirect.scatter.add.f32 [tilespmem:s24], [sflag:$0x7], $0x80, s26, s28, $0xb8;
	[tilespmem:$0x1C200] =	vst v63  }
0x63: {  	_ =	swait.ge [sflag:s11], $0x4000  }
0x64: {  	[sflag:s11] =	ssyncset.done $0x0  }
0x65: {  	s16 =	sadd.s32 $0x0, s23;
	[sflag:s11] =	ssyncadd.s32 $0xFFFFC000  }
0x66: {  	[tilespmem:s3], [sflag:$0x1] =	stream.linear.gather [hbm4b:s16+s3], $0x80, $0x38;
	[tilespmem:$0x1C200] =	vst v63  }
0x67: {  	s15 =	sadd.s32 $0x0, s22  }
0x68: {  	[tilespmem:s26], [sflag:$0x3] =	stream.linear.gather [hbm4b:s15+s3], $0x80, $0x38;
	[tilespmem:$0x1C200] =	vst v63  }
0x69: {  	_ =	swait.ge [sflag:s30], $0x80  }
0x6a: {  	[sflag:s30] =	ssyncset.done $0x0  }
0x6b: {  	[sflag:s30] =	ssyncadd.s32 $0xFFFFFF80  }
0x6c: {  	_ =	swait.ge [sflag:s31], $0x80  }
0x6d: {  	[sflag:s31] =	ssyncset.done $0x0  }
0x6e: {  	[sflag:s31] =	ssyncadd.s32 $0xFFFFFF80  }
0x6f: {  	[tilespmem:s24], [sflag:$0x5] =	stream.indirect.gather [hbm4b:s1+s28], $0x80, s3, s28, $0xb8;
	[tilespmem:$0x1C200] =	vst v63  }
0x70: {  	_ =	swait.ge [sflag:s12], $0x4000  }
0x71: {  	[sflag:s12] =	ssyncset.done $0x0  }
0x72: {  	[sflag:s12] =	ssyncadd.s32 $0xFFFFC000  }
0x73: {  	[spmem:s2] =	stream.indirect.scatter.add.f32 [tilespmem:s10], [sflag:$0x7], $0x80, s29, s28, $0xb8;
	[tilespmem:$0x1C200] =	vst v63  }
0x74: {  	_ =	swait.ge [sflag:s11], $0x4000  }
0x75: {  	s14 =	simm.s32 $0x20;
	[sflag:s11] =	ssyncset.done $0x0  }
0x76: {  	s16 =	sadd.s32 $0x0, s21;
	s15 =	sadd.s32 $0x0, s20;
	[sflag:s11] =	ssyncadd.s32 $0xFFFFC000  }
0x77: {  	[tilespmem:s28], [sflag:$0x2] =	stream.linear.gather [hbm4b:s16+s3], $0x80, $0x38;
	[tilespmem:$0x1C200] =	vst v63  }
.LBB2_4:
0x78: {  	[tilespmem:s29], [sflag:$0x4] =	stream.linear.gather [hbm4b:s15+s3], $0x80, $0x38;
	[tilespmem:$0x1C200] =	vst v63  }
0x79: {  	s15 =	smov.u32 s14  }
0x7a: {  	p0 =	sne.s32 s14, $0x4C0;
	s14 =	sadd.s32 $0x20, s14;
	_ =	swait.ge [sflag:s0], $0x80  }
0x7b: {  	[sflag:s0] =	ssyncset.done $0x0  }
0x7c: {  	[sflag:s0] =	ssyncadd.s32 $0xFFFFFF80  }
0x7d: {  	_ =	swait.ge [sflag:s4], $0x80  }
0x7e: {  	[sflag:s4] =	ssyncset.done $0x0  }
0x7f: {  	[sflag:s4] =	ssyncadd.s32 $0xFFFFFF80  }
0x80: {  	[tilespmem:s10], [sflag:$0x6] =	stream.indirect.gather [hbm4b:s1+s28], $0x80, s28, s28, $0xb8;
	[tilespmem:$0x1C200] =	vst v63  }
0x81: {  	_ =	swait.ge [sflag:s25], $0x4000  }
0x82: {  	[sflag:s25] =	ssyncset.done $0x0  }
0x83: {  	[sflag:s25] =	ssyncadd.s32 $0xFFFFC000  }
0x84: {  	[spmem:s2] =	stream.indirect.scatter.add.f32 [tilespmem:s24], [sflag:$0x7], $0x80, s26, s28, $0xb8;
	[tilespmem:$0x1C200] =	vst v63  }
0x85: {  	_ =	swait.ge [sflag:s11], $0x4000  }
0x86: {  	[sflag:s11] =	ssyncset.done $0x0  }
0x87: {  	s16 =	sadd.s32 s15, s23;
	[sflag:s11] =	ssyncadd.s32 $0xFFFFC000  }
0x88: {  	[tilespmem:s3], [sflag:$0x1] =	stream.linear.gather [hbm4b:s16+s3], $0x80, $0x38;
	[tilespmem:$0x1C200] =	vst v63  }
0x89: {  	s16 =	sadd.s32 s15, s22  }
0x8a: {  	[tilespmem:s26], [sflag:$0x3] =	stream.linear.gather [hbm4b:s16+s3], $0x80, $0x38;
	[tilespmem:$0x1C200] =	vst v63  }
0x8b: {  	_ =	swait.ge [sflag:s30], $0x80  }
0x8c: {  	[sflag:s30] =	ssyncset.done $0x0  }
0x8d: {  	[sflag:s30] =	ssyncadd.s32 $0xFFFFFF80  }
0x8e: {  	_ =	swait.ge [sflag:s31], $0x80  }
0x8f: {  	[sflag:s31] =	ssyncset.done $0x0  }
0x90: {  	[sflag:s31] =	ssyncadd.s32 $0xFFFFFF80  }
0x91: {  	[tilespmem:s24], [sflag:$0x5] =	stream.indirect.gather [hbm4b:s1+s28], $0x80, s3, s28, $0xb8;
	[tilespmem:$0x1C200] =	vst v63  }
0x92: {  	_ =	swait.ge [sflag:s12], $0x4000  }
0x93: {  	[sflag:s12] =	ssyncset.done $0x0  }
0x94: {  	[sflag:s12] =	ssyncadd.s32 $0xFFFFC000  }
0x95: {  	[spmem:s2] =	stream.indirect.scatter.add.f32 [tilespmem:s10], [sflag:$0x7], $0x80, s29, s28, $0xb8;
	[tilespmem:$0x1C200] =	vst v63  }
.Ltmp1:
0x96: {  	_ =	swait.ge [sflag:s11], $0x4000;
	(pc) =	sbr.rel @p0 .LBB2_4-.Ltmp1, $4  }
0x97: {  	[sflag:s11] =	ssyncset.done $0x0  }
0x98: {  	s16 =	sadd.s32 s15, s21;
	[sflag:s11] =	ssyncadd.s32 $0xFFFFC000  }
0x99: {  	[tilespmem:s28], [sflag:$0x2] =	stream.linear.gather [hbm4b:s16+s3], $0x80, $0x38;
	[tilespmem:$0x1C200] =	vst v63  }
0x9a: {  	s15 =	sadd.s32 s15, s20  }
0x9b: {  	[tilespmem:s29], [sflag:$0x4] =	stream.linear.gather [hbm4b:s15+s3], $0x80, $0x38;
	[tilespmem:$0x1C200] =	vst v63  }
0x9c: {  	_ =	swait.ge [sflag:s0], $0x80  }
0x9d: {  	[sflag:s0] =	ssyncset.done $0x0  }
0x9e: {  	[sflag:s0] =	ssyncadd.s32 $0xFFFFFF80  }
0x9f: {  	_ =	swait.ge [sflag:s4], $0x80  }
0xa0: {  	[sflag:s4] =	ssyncset.done $0x0  }
0xa1: {  	[sflag:s4] =	ssyncadd.s32 $0xFFFFFF80  }
0xa2: {  	[tilespmem:s10], [sflag:$0x6] =	stream.indirect.gather [hbm4b:s1+s28], $0x80, s28, s28, $0xb8;
	[tilespmem:$0x1C200] =	vst v63  }
0xa3: {  	_ =	swait.ge [sflag:s25], $0x4000  }
0xa4: {  	[sflag:s25] =	ssyncset.done $0x0  }
0xa5: {  	[sflag:s25] =	ssyncadd.s32 $0xFFFFC000  }
0xa6: {  	[spmem:s2] =	stream.indirect.scatter.add.f32 [tilespmem:s24], [sflag:$0x7], $0x80, s26, s28, $0xb8;
	[tilespmem:$0x1C200] =	vst v63  }
0xa7: {  	_ =	swait.ge [sflag:s11], $0x4000  }
0xa8: {  	[sflag:s11] =	ssyncset.done $0x0  }
0xa9: {  	[sflag:s11] =	ssyncadd.s32 $0xFFFFC000  }
0xaa: {  	_ =	swait.ge [sflag:s12], $0x4000  }
0xab: {  	[sflag:s12] =	ssyncset.done $0x0  }
0xac: {  	[sflag:s12] =	ssyncadd.s32 $0xFFFFC000  }
0xad: {  	[spmem:s2] =	stream.indirect.scatter.add.f32 [tilespmem:s10], [sflag:$0x7], $0x80, s29, s28, $0xb8;
	[tilespmem:$0x1C200] =	vst v63  }
0xae: {  	_ =	swait.ge [sflag:s11], $0x4000  }
0xaf: {  	[sflag:s11] =	ssyncset.done $0x0  }
0xb0: {  	s14 =	stileid.u32;
	[sflag:s11] =	ssyncadd.s32 $0xFFFFC000  }
0xb1: {  	s14 =	sshll.u32 s14, $0x6;
	[bflag:$0x0] =	sbarrier.arrive $0xFFFF  }
0xb2: {  	s15 =	sshrl.u32 s5, $0x3;
	s14 =	sor.u32 $0x1C05, s14;
	s16 =	rddreg [dreg:$0x8]  }
0xb3: {  	[hbm:s16], [sflag:s14] =	dma.local [spmem:s15], $0x800  }
0xb4: {  	s15 =	sshrl.u32 s6, $0x3;
	s16 =	rddreg [dreg:$0x9]  }
0xb5: {  	[hbm:s16], [sflag:s14] =	dma.local [spmem:s15], $0x800  }
0xb6: {  	s15 =	sshrl.u32 s7, $0x3;
	s16 =	rddreg [dreg:$0xa]  }
0xb7: {  	[hbm:s16], [sflag:s14] =	dma.local [spmem:s15], $0x800  }
0xb8: {  	s16 =	sshrl.u32 s8, $0x3  }
0xb9: {  	[hbm:s17], [sflag:s14] =	dma.local [spmem:s16], $0x800  }
0xba: {  	s16 =	sshrl.u32 s9, $0x3  }
0xbb: {  	[hbm:s18], [sflag:s14] =	dma.local [spmem:s16], $0x800  }
0xbc: {  	_ =	swait.ge [sflag:s25], $0x800  }
0xbd: {  	[sflag:s25] =	ssyncset.done $0x0  }
0xbe: {  	[sflag:s25] =	ssyncadd.s32 $0xFFFFF800  }
0xbf: {  	_ =	swait.ge [sflag:s25], $0x800  }
0xc0: {  	[sflag:s25] =	ssyncset.done $0x0  }
0xc1: {  	[sflag:s25] =	ssyncadd.s32 $0xFFFFF800  }
0xc2: {  	_ =	swait.ge [sflag:s25], $0x800  }
0xc3: {  	[sflag:s25] =	ssyncset.done $0x0  }
0xc4: {  	s13 =	sadd.s32 $0x1, s13;
	[sflag:s25] =	ssyncadd.s32 $0xFFFFF800  }
0xc5: {  	p0 =	sne.s32 s13, s19;
	_ =	swait.ge [sflag:s25], $0x800  }
.Ltmp2:
0xc6: {  	[sflag:s25] =	ssyncset.done $0x0;
	(pc) =	sbr.rel @p0 .LBB2_1-.Ltmp2, $4  }
0xc7: {  	[sflag:s25] =	ssyncadd.s32 $0xFFFFF800  }
0xc8: {  	_ =	swait.ge [sflag:s25], $0x800  }
0xc9: {  	[sflag:s25] =	ssyncset.done $0x0  }
0xca: {  	[sflag:s25] =	ssyncadd.s32 $0xFFFFF800  }
0xcb: {  	_ =	sfence.sel $0x180000  }
0xcc: {  	[bflag:$0x0] =	sbarrier.arrive $0xFFFF  }
0xcd: {  	_ =	strace $0x90000050  }
0xce: {  	s0 =	stileid.u32;
	[bflag:$0x2] =	sbarrier.arrive $0xFFFF  }
0xcf: {  	p0 =	sne.s32 s0, $0x0;
	s0 =	rddreg [dreg:$0x3]  }
0xd0: {  	s0 =	sadd.s32 @!p0 $0x100000, s0  }
0xd1: {  	[sflag:s0] =	ssyncadd.tile.s32 @!p0 $0x1;
	_ =	shalt  }
.Lfunc_end2:
_tile_overlayer_lowered:
.L_overlay_start_2:
0xd2: {  	(tag) =	ssettag $0x2  }
0xd3: {  	s0 =	rddreg [dreg:$0x0];
	s2 =	stileid.u32  }
0xd4: {  	s1 =	rddreg [dreg:$0x1];
	p0 =	sne.s32 s2, $0x0  }
0xd5: {  	s3 =	rddreg [dreg:$0x2];
	[bflag:$0x3] =	sbarrier.arrive $0xFFFF;
	s2 =	simm.s32 @!p0 $0x1C07  }
0xd6: {  	[timem:s3], [sflag:s2] =	dma.local @!p0 [hbm:s0], s1  }
0xd7: {  	s0 =	simm.s32 @!p0 $0x7  }
0xd8: {  	_ =	swait.ge @!p0 [sflag:s0], s1  }
0xd9: {  	s1 =	ssub.s32 @!p0 $0x0, s1;
	[sflag:s0] =	ssyncset.done @!p0 $0x0  }
0xda: {  	[sflag:s0] =	ssyncadd.s32 @!p0 s1  }
0xdb: {  	[bflag:$0x3] =	sbarrier.arrive $0xFFFF  }
0xdc: {  	_ =	shalt  }

</sc_bundles>
